<compile_context>
chip_gen: v7x
topology: tpu7x:2x2x1
jax: 0.10.2.dev20260603
libtpu: 0.0.44.dev20260713+nightly
codegen_flags: <defaults>
</compile_context>

<pallas_src>
import functools

import jax
import jax.numpy as jnp
from jax import lax
from jax.experimental import pallas as pl
from jax.experimental.pallas import tpu as pltpu
from jax.experimental.pallas import tpu_sc as plsc

VOCAB = 400000
EMB = 100
EMB_PAD = 128
HID = 128
NUM_CLASSES = 4
BATCH = 4096
SEQ = 200

NUM_WORKERS = 32
B_PER_W = BATCH // NUM_WORKERS
SEQ_PAD = 208


def _pool_kernel_body(x_hbm, table_hbm, out_hbm,
                      x_v, idx0, idx1, idx2, rows0, rows1, rows2, out_v,
                      sem0, sem1, sem2):
    cid = lax.axis_index("c")
    sid = lax.axis_index("s")
    wid = sid * 2 + cid
    base = wid * B_PER_W
    idxs = (idx0, idx1, idx2)
    rows = (rows0, rows1, rows2)
    sems = (sem0, sem1, sem2)

    pltpu.sync_copy(x_hbm.at[pl.ds(base, B_PER_W)], x_v)

    inv_seq = jnp.float32(1.0 / SEQ)

    def fire(idx_row, rows_v, sem, b):
        for c in range(12):
            idx_row[0, pl.ds(c * 16, 16)] = x_v[b, pl.ds(c * 16, 16)]
        idx_row[0, pl.ds(184, 16)] = x_v[b, pl.ds(184, 16)]
        pltpu.async_copy(table_hbm.at[idx_row.at[0, pl.ds(0, 128)]],
                         rows_v.at[pl.ds(0, 128)], sem)
        pltpu.async_copy(table_hbm.at[idx_row.at[0, pl.ds(128, 72)]],
                         rows_v.at[pl.ds(128, 72)], sem)

    def drain(idx_row, rows_v, sem):
        pltpu.make_async_copy(table_hbm.at[idx_row.at[0, pl.ds(0, 128)]],
                              rows_v.at[pl.ds(0, 128)], sem).wait()
        pltpu.make_async_copy(table_hbm.at[idx_row.at[0, pl.ds(128, 72)]],
                              rows_v.at[pl.ds(128, 72)], sem).wait()

    def accum_store(rows_v, b):
        def seq_body(t, accs):
            s = t * 4
            for u in range(4):
                new = [accs[c] + rows_v[s + u, pl.ds(c * 16, 16)]
                       for c in range(6)]
                new.append(accs[6] + rows_v[s + u, pl.ds(84, 16)])
                accs = tuple(new)
            return accs

        @pl.when(b == B_PER_W // 2)
        def _():
            pltpu.sync_copy(out_v, out_hbm.at[pl.ds(base, B_PER_W // 2)])

        zero = jnp.zeros((16,), jnp.float32)
        accs = lax.fori_loop(0, SEQ // 4, seq_body, (zero,) * 7)
        slot = lax.rem(b, B_PER_W // 2)
        for c in range(6):
            out_v[slot, pl.ds(c * 16, 16)] = accs[c] * inv_seq
        out_v[slot, pl.ds(84, 16)] = accs[6] * inv_seq

    fire(idx0, rows0, sem0, 0)
    fire(idx1, rows1, sem1, 1)

    def body(j, carry):
        for t in range(3):
            b = 3 * j + t
            fire(idxs[(t + 2) % 3], rows[(t + 2) % 3], sems[(t + 2) % 3],
                 b + 2)
            drain(idxs[t], rows[t], sems[t])
            accum_store(rows[t], b)
        return carry

    lax.fori_loop(0, (B_PER_W - 2) // 3, body, 0)

    drain(idx0, rows0, sem0)
    accum_store(rows0, B_PER_W - 2)
    drain(idx1, rows1, sem1)
    accum_store(rows1, B_PER_W - 1)

    pltpu.sync_copy(out_v, out_hbm.at[pl.ds(base + B_PER_W // 2,
                                            B_PER_W // 2)])


@jax.jit
def _pool(x, table):
    mesh = plsc.VectorSubcoreMesh(core_axis_name="c", subcore_axis_name="s")
    fn = functools.partial(
        pl.kernel,
        mesh=mesh,
        out_type=jax.ShapeDtypeStruct((BATCH, EMB_PAD), jnp.float32),
        scratch_types=[
            pltpu.VMEM((B_PER_W, SEQ), jnp.int32),
            pltpu.VMEM((8, 256), jnp.int32),
            pltpu.VMEM((8, 256), jnp.int32),
            pltpu.VMEM((8, 256), jnp.int32),
            pltpu.VMEM((SEQ, EMB_PAD), jnp.float32),
            pltpu.VMEM((SEQ, EMB_PAD), jnp.float32),
            pltpu.VMEM((SEQ, EMB_PAD), jnp.float32),
            pltpu.VMEM((B_PER_W // 2, EMB_PAD), jnp.float32),
            pltpu.SemaphoreType.DMA,
            pltpu.SemaphoreType.DMA,
            pltpu.SemaphoreType.DMA,
        ],
    )(_pool_kernel_body)
    return fn(x, table)


def _mlp_body(p_ref, w1_ref, b1_ref, w2_ref, b2_ref, o_ref):
    p = p_ref[...][:, :EMB]
    h = jnp.dot(p, w1_ref[...], preferred_element_type=jnp.float32)
    h = jnp.maximum(h + b1_ref[...], 0.0)
    o = jnp.dot(h, w2_ref[...], preferred_element_type=jnp.float32)
    o_ref[...] = o + b2_ref[...]


@jax.jit
def _mlp(pooled, W1, b1, W2, b2):
    return pl.pallas_call(
        _mlp_body,
        out_shape=jax.ShapeDtypeStruct((BATCH, NUM_CLASSES), jnp.float32),
    )(pooled, W1, b1.reshape(1, HID), W2, b2.reshape(1, NUM_CLASSES))


def kernel(x, table, W1, b1, W2, b2):
    table_pad = jnp.pad(table, ((0, 0), (0, EMB_PAD - EMB)))
    pooled = _pool(x, table_pad)
    return _mlp(pooled, W1, b1, W2, b2)

# --- scband reference (transcript-rebuilt; emitter-appended) ---
"""Pipeline reference for scband-text-classifier-91233695302096 (READ-ONLY COPY).

The authoritative reference and input builder live on the scoring server;
editing this copy changes nothing except your own understanding.
"""

import jax, jax.numpy as jnp
import numpy as np

VOCAB = 400000
EMB = 100
HID = 128
NUM_CLASSES = 4
BATCH = 4096
SEQ = 200

def setup_inputs(seed: int = 0) -> dict:
    key = jax.random.key(seed)
    k_x, k_tab, k_w1, k_b1, k_w2, k_b2 = jax.random.split(key, 6)
    x = jax.random.randint(k_x, (BATCH, SEQ), 0, VOCAB, dtype=jnp.int64 if jax.config.jax_enable_x64 else jnp.int32).astype(jnp.int32)
    table = jax.random.normal(k_tab, (VOCAB, EMB), dtype=jnp.float32) * 0.1
    W1 = jax.random.normal(k_w1, (EMB, HID), dtype=jnp.float32) * (1.0 / np.sqrt(EMB))
    b1 = jax.random.normal(k_b1, (HID,), dtype=jnp.float32) * 0.01
    W2 = jax.random.normal(k_w2, (HID, NUM_CLASSES), dtype=jnp.float32) * (1.0 / np.sqrt(HID))
    b2 = jax.random.normal(k_b2, (NUM_CLASSES,), dtype=jnp.float32) * 0.01
    return {"x": x, "table": table, "W1": W1, "b1": b1, "W2": W2, "b2": b2}

def reference(x, table, W1, b1, W2, b2):
    # embedding lookup
    emb = jnp.take(table, x, axis=0)          # [B, S, EMB]
    pooled = jnp.mean(emb, axis=1)            # [B, EMB]
    h = pooled @ W1 + b1                      # [B, HID]
    h = jax.nn.relu(h)
    out = h @ W2 + b2                         # [B, NUM_CLASSES]
    return out

if __name__ == "__main__":
    import jax
    _d = setup_inputs()
    print(jax.jit(kernel)(*tuple(_d.values())))

</pallas_src>

<mosaic_0001>
#map = affine_map<(d0, d1) -> (0, 0)>
module attributes {stable_mosaic.version = 14 : i64} {
  func.func @_pool_kernel_body(%arg0: i32, %arg1: i32, %arg2: memref<4096x200xi32, #tpu.memory_space<hbm>>, %arg3: memref<400000x128xf32, #tpu.memory_space<hbm>>, %arg4: memref<4096x128xf32, #tpu.memory_space<hbm>>, %arg5: memref<128x200xi32, #tpu.memory_space<vmem>>, %arg6: memref<8x256xi32, #tpu.memory_space<vmem>>, %arg7: memref<8x256xi32, #tpu.memory_space<vmem>>, %arg8: memref<8x256xi32, #tpu.memory_space<vmem>>, %arg9: memref<200x128xf32, #tpu.memory_space<vmem>>, %arg10: memref<200x128xf32, #tpu.memory_space<vmem>>, %arg11: memref<200x128xf32, #tpu.memory_space<vmem>>, %arg12: memref<64x128xf32, #tpu.memory_space<vmem>>, %arg13: memref<!tpu.dma_semaphore, #tpu.memory_space<semaphore_mem>>, %arg14: memref<!tpu.dma_semaphore, #tpu.memory_space<semaphore_mem>>, %arg15: memref<!tpu.dma_semaphore, #tpu.memory_space<semaphore_mem>>) attributes {dimension_semantics = [#tpu.dimension_semantics<core_parallel>, #tpu.dimension_semantics<subcore_parallel>], iteration_bounds = array<i64: 2, 16>, scalar_prefetch = 0 : i64, scratch_operands = 11 : i64, tpu.core_type = #tpu.core_type<sc_vector_subcore>, window_params = [{transform_indices = #map}, {transform_indices = #map}, {transform_indices = #map}]} {
    %mul3A = arith.constant 2 : i32
    %mul3A_0 = arith.muli %arg1, %mul3A : i32
    %add3A = arith.addi %mul3A_0, %arg0 : i32
    %mul3A_1 = arith.constant 128 : i32
    %mul3A_2 = arith.muli %add3A, %mul3A_1 : i32
    "tpu.region"() ({
      %run_scoped3A = tpu.sem_alloc : memref<!tpu.dma_semaphore, #tpu.memory_space<semaphore_mem>>
      %dma_start3A_505 = arith.constant 0 : i32
      %dma_start3A_506 = tpu.memref_slice %arg2[%mul3A_2, %dma_start3A_505] : memref<4096x200xi32, #tpu.memory_space<hbm>> -> memref<128x200xi32, #tpu.memory_space<hbm>>
      %dma_start3A_507 = arith.constant 0 : i32
      %dma_start3A_508 = tpu.memref_slice %arg2[%mul3A_2, %dma_start3A_507] : memref<4096x200xi32, #tpu.memory_space<hbm>> -> memref<128x200xi32, #tpu.memory_space<hbm>>
      tpu.enqueue_dma source(%dma_start3A_508 : memref<128x200xi32, #tpu.memory_space<hbm>>) target(%arg5 : memref<128x200xi32, #tpu.memory_space<vmem>>) target_semaphore(%run_scoped3A : memref<!tpu.dma_semaphore, #tpu.memory_space<semaphore_mem>>)
      %dma_wait3A_509 = arith.constant 0 : i32
      %dma_wait3A_510 = tpu.memref_slice %arg2[%mul3A_2, %dma_wait3A_509] : memref<4096x200xi32, #tpu.memory_space<hbm>> -> memref<128x200xi32, #tpu.memory_space<hbm>>
      %dma_wait3A_511 = arith.constant 0 : i32
      %dma_wait3A_512 = tpu.memref_slice %arg2[%mul3A_2, %dma_wait3A_511] : memref<4096x200xi32, #tpu.memory_space<hbm>> -> memref<128x200xi32, #tpu.memory_space<hbm>>
      tpu.wait_dma2 semaphore(%run_scoped3A : memref<!tpu.dma_semaphore, #tpu.memory_space<semaphore_mem>>) src(%dma_wait3A_512 : memref<128x200xi32, #tpu.memory_space<hbm>>) dst(%arg5 : memref<128x200xi32, #tpu.memory_space<vmem>>)
      tpu.yield
    }) : () -> ()
    %get3A = arith.constant 0 : i32
    %get3A_3 = arith.index_cast %get3A : i32 to index
    %get3A_4 = arith.constant 0 : index
    %get3A_5 = tpu.vector_load %arg5[%get3A_3, %get3A_4] {strides = array<i32>} : memref<128x200xi32, #tpu.memory_space<vmem>>, vector<1x16xi32>,
    %get3A_6 = vector.shape_cast %get3A_5 : vector<1x16xi32> to vector<16xi32>
    %swap3A = arith.constant 0 : i32
    %swap3A_7 = arith.index_cast %swap3A : i32 to index
    %swap3A_8 = arith.constant 0 : index
    %swap3A_9 = tpu.vector_load %arg6[%swap3A_7, %swap3A_8] {strides = array<i32>} : memref<8x256xi32, #tpu.memory_space<vmem>>, vector<1x16xi32>,
    %swap3A_10 = vector.shape_cast %swap3A_9 : vector<1x16xi32> to vector<16xi32>
    %swap3A_11 = vector.shape_cast %get3A_6 : vector<16xi32> to vector<1x16xi32>
    tpu.vector_store %arg6[%swap3A_7, %swap3A_8], %swap3A_11 {strides = array<i32>} : memref<8x256xi32, #tpu.memory_space<vmem>>, vector<1x16xi32>,
    %get3A_12 = arith.constant 0 : i32
    %get3A_13 = arith.index_cast %get3A_12 : i32 to index
    %get3A_14 = arith.constant 16 : index
    %get3A_15 = tpu.vector_load %arg5[%get3A_13, %get3A_14] {strides = array<i32>} : memref<128x200xi32, #tpu.memory_space<vmem>>, vector<1x16xi32>,
    %get3A_16 = vector.shape_cast %get3A_15 : vector<1x16xi32> to vector<16xi32>
    %swap3A_17 = arith.constant 0 : i32
    %swap3A_18 = arith.index_cast %swap3A_17 : i32 to index
    %swap3A_19 = arith.constant 16 : index
    %swap3A_20 = tpu.vector_load %arg6[%swap3A_18, %swap3A_19] {strides = array<i32>} : memref<8x256xi32, #tpu.memory_space<vmem>>, vector<1x16xi32>,
    %swap3A_21 = vector.shape_cast %swap3A_20 : vector<1x16xi32> to vector<16xi32>
    %swap3A_22 = vector.shape_cast %get3A_16 : vector<16xi32> to vector<1x16xi32>
    tpu.vector_store %arg6[%swap3A_18, %swap3A_19], %swap3A_22 {strides = array<i32>} : memref<8x256xi32, #tpu.memory_space<vmem>>, vector<1x16xi32>,
    %get3A_23 = arith.constant 0 : i32
    %get3A_24 = arith.index_cast %get3A_23 : i32 to index
    %get3A_25 = arith.constant 32 : index
    %get3A_26 = tpu.vector_load %arg5[%get3A_24, %get3A_25] {strides = array<i32>} : memref<128x200xi32, #tpu.memory_space<vmem>>, vector<1x16xi32>,
    %get3A_27 = vector.shape_cast %get3A_26 : vector<1x16xi32> to vector<16xi32>
    %swap3A_28 = arith.constant 0 : i32
    %swap3A_29 = arith.index_cast %swap3A_28 : i32 to index
    %swap3A_30 = arith.constant 32 : index
    %swap3A_31 = tpu.vector_load %arg6[%swap3A_29, %swap3A_30] {strides = array<i32>} : memref<8x256xi32, #tpu.memory_space<vmem>>, vector<1x16xi32>,
    %swap3A_32 = vector.shape_cast %swap3A_31 : vector<1x16xi32> to vector<16xi32>
    %swap3A_33 = vector.shape_cast %get3A_27 : vector<16xi32> to vector<1x16xi32>
    tpu.vector_store %arg6[%swap3A_29, %swap3A_30], %swap3A_33 {strides = array<i32>} : memref<8x256xi32, #tpu.memory_space<vmem>>, vector<1x16xi32>,
    %get3A_34 = arith.constant 0 : i32
    %get3A_35 = arith.index_cast %get3A_34 : i32 to index
    %get3A_36 = arith.constant 48 : index
    %get3A_37 = tpu.vector_load %arg5[%get3A_35, %get3A_36] {strides = array<i32>} : memref<128x200xi32, #tpu.memory_space<vmem>>, vector<1x16xi32>,
    %get3A_38 = vector.shape_cast %get3A_37 : vector<1x16xi32> to vector<16xi32>
    %swap3A_39 = arith.constant 0 : i32
    %swap3A_40 = arith.index_cast %swap3A_39 : i32 to index
    %swap3A_41 = arith.constant 48 : index
    %swap3A_42 = tpu.vector_load %arg6[%swap3A_40, %swap3A_41] {strides = array<i32>} : memref<8x256xi32, #tpu.memory_space<vmem>>, vector<1x16xi32>,
    %swap3A_43 = vector.shape_cast %swap3A_42 : vector<1x16xi32> to vector<16xi32>
    %swap3A_44 = vector.shape_cast %get3A_38 : vector<16xi32> to vector<1x16xi32>
    tpu.vector_store %arg6[%swap3A_40, %swap3A_41], %swap3A_44 {strides = array<i32>} : memref<8x256xi32, #tpu.memory_space<vmem>>, vector<1x16xi32>,
    %get3A_45 = arith.constant 0 : i32
    %get3A_46 = arith.index_cast %get3A_45 : i32 to index
    %get3A_47 = arith.constant 64 : index
    %get3A_48 = tpu.vector_load %arg5[%get3A_46, %get3A_47] {strides = array<i32>} : memref<128x200xi32, #tpu.memory_space<vmem>>, vector<1x16xi32>,
    %get3A_49 = vector.shape_cast %get3A_48 : vector<1x16xi32> to vector<16xi32>
    %swap3A_50 = arith.constant 0 : i32
    %swap3A_51 = arith.index_cast %swap3A_50 : i32 to index
    %swap3A_52 = arith.constant 64 : index
    %swap3A_53 = tpu.vector_load %arg6[%swap3A_51, %swap3A_52] {strides = array<i32>} : memref<8x256xi32, #tpu.memory_space<vmem>>, vector<1x16xi32>,
    %swap3A_54 = vector.shape_cast %swap3A_53 : vector<1x16xi32> to vector<16xi32>
    %swap3A_55 = vector.shape_cast %get3A_49 : vector<16xi32> to vector<1x16xi32>
    tpu.vector_store %arg6[%swap3A_51, %swap3A_52], %swap3A_55 {strides = array<i32>} : memref<8x256xi32, #tpu.memory_space<vmem>>, vector<1x16xi32>,
    %get3A_56 = arith.constant 0 : i32
    %get3A_57 = arith.index_cast %get3A_56 : i32 to index
    %get3A_58 = arith.constant 80 : index
    %get3A_59 = tpu.vector_load %arg5[%get3A_57, %get3A_58] {strides = array<i32>} : memref<128x200xi32, #tpu.memory_space<vmem>>, vector<1x16xi32>,
    %get3A_60 = vector.shape_cast %get3A_59 : vector<1x16xi32> to vector<16xi32>
    %swap3A_61 = arith.constant 0 : i32
    %swap3A_62 = arith.index_cast %swap3A_61 : i32 to index
    %swap3A_63 = arith.constant 80 : index
    %swap3A_64 = tpu.vector_load %arg6[%swap3A_62, %swap3A_63] {strides = array<i32>} : memref<8x256xi32, #tpu.memory_space<vmem>>, vector<1x16xi32>,
    %swap3A_65 = vector.shape_cast %swap3A_64 : vector<1x16xi32> to vector<16xi32>
    %swap3A_66 = vector.shape_cast %get3A_60 : vector<16xi32> to vector<1x16xi32>
    tpu.vector_store %arg6[%swap3A_62, %swap3A_63], %swap3A_66 {strides = array<i32>} : memref<8x256xi32, #tpu.memory_space<vmem>>, vector<1x16xi32>,
    %get3A_67 = arith.constant 0 : i32
    %get3A_68 = arith.index_cast %get3A_67 : i32 to index
    %get3A_69 = arith.constant 96 : index
    %get3A_70 = tpu.vector_load %arg5[%get3A_68, %get3A_69] {strides = array<i32>} : memref<128x200xi32, #tpu.memory_space<vmem>>, vector<1x16xi32>,
    %get3A_71 = vector.shape_cast %get3A_70 : vector<1x16xi32> to vector<16xi32>
    %swap3A_72 = arith.constant 0 : i32
    %swap3A_73 = arith.index_cast %swap3A_72 : i32 to index
    %swap3A_74 = arith.constant 96 : index
    %swap3A_75 = tpu.vector_load %arg6[%swap3A_73, %swap3A_74] {strides = array<i32>} : memref<8x256xi32, #tpu.memory_space<vmem>>, vector<1x16xi32>,
    %swap3A_76 = vector.shape_cast %swap3A_75 : vector<1x16xi32> to vector<16xi32>
    %swap3A_77 = vector.shape_cast %get3A_71 : vector<16xi32> to vector<1x16xi32>
    tpu.vector_store %arg6[%swap3A_73, %swap3A_74], %swap3A_77 {strides = array<i32>} : memref<8x256xi32, #tpu.memory_space<vmem>>, vector<1x16xi32>,
    %get3A_78 = arith.constant 0 : i32
    %get3A_79 = arith.index_cast %get3A_78 : i32 to index
    %get3A_80 = arith.constant 112 : index
    %get3A_81 = tpu.vector_load %arg5[%get3A_79, %get3A_80] {strides = array<i32>} : memref<128x200xi32, #tpu.memory_space<vmem>>, vector<1x16xi32>,
    %get3A_82 = vector.shape_cast %get3A_81 : vector<1x16xi32> to vector<16xi32>
    %swap3A_83 = arith.constant 0 : i32
    %swap3A_84 = arith.index_cast %swap3A_83 : i32 to index
    %swap3A_85 = arith.constant 112 : index
    %swap3A_86 = tpu.vector_load %arg6[%swap3A_84, %swap3A_85] {strides = array<i32>} : memref<8x256xi32, #tpu.memory_space<vmem>>, vector<1x16xi32>,
    %swap3A_87 = vector.shape_cast %swap3A_86 : vector<1x16xi32> to vector<16xi32>
    %swap3A_88 = vector.shape_cast %get3A_82 : vector<16xi32> to vector<1x16xi32>
    tpu.vector_store %arg6[%swap3A_84, %swap3A_85], %swap3A_88 {strides = array<i32>} : memref<8x256xi32, #tpu.memory_space<vmem>>, vector<1x16xi32>,
    %get3A_89 = arith.constant 0 : i32
    %get3A_90 = arith.index_cast %get3A_89 : i32 to index
    %get3A_91 = arith.constant 128 : index
    %get3A_92 = tpu.vector_load %arg5[%get3A_90, %get3A_91] {strides = array<i32>} : memref<128x200xi32, #tpu.memory_space<vmem>>, vector<1x16xi32>,
    %get3A_93 = vector.shape_cast %get3A_92 : vector<1x16xi32> to vector<16xi32>
    %swap3A_94 = arith.constant 0 : i32
    %swap3A_95 = arith.index_cast %swap3A_94 : i32 to index
    %swap3A_96 = arith.constant 128 : index
    %swap3A_97 = tpu.vector_load %arg6[%swap3A_95, %swap3A_96] {strides = array<i32>} : memref<8x256xi32, #tpu.memory_space<vmem>>, vector<1x16xi32>,
    %swap3A_98 = vector.shape_cast %swap3A_97 : vector<1x16xi32> to vector<16xi32>
    %swap3A_99 = vector.shape_cast %get3A_93 : vector<16xi32> to vector<1x16xi32>
    tpu.vector_store %arg6[%swap3A_95, %swap3A_96], %swap3A_99 {strides = array<i32>} : memref<8x256xi32, #tpu.memory_space<vmem>>, vector<1x16xi32>,
    %get3A_100 = arith.constant 0 : i32
    %get3A_101 = arith.index_cast %get3A_100 : i32 to index
    %get3A_102 = arith.constant 144 : index
    %get3A_103 = tpu.vector_load %arg5[%get3A_101, %get3A_102] {strides = array<i32>} : memref<128x200xi32, #tpu.memory_space<vmem>>, vector<1x16xi32>,
    %get3A_104 = vector.shape_cast %get3A_103 : vector<1x16xi32> to vector<16xi32>
    %swap3A_105 = arith.constant 0 : i32
    %swap3A_106 = arith.index_cast %swap3A_105 : i32 to index
    %swap3A_107 = arith.constant 144 : index
    %swap3A_108 = tpu.vector_load %arg6[%swap3A_106, %swap3A_107] {strides = array<i32>} : memref<8x256xi32, #tpu.memory_space<vmem>>, vector<1x16xi32>,
    %swap3A_109 = vector.shape_cast %swap3A_108 : vector<1x16xi32> to vector<16xi32>
    %swap3A_110 = vector.shape_cast %get3A_104 : vector<16xi32> to vector<1x16xi32>
    tpu.vector_store %arg6[%swap3A_106, %swap3A_107], %swap3A_110 {strides = array<i32>} : memref<8x256xi32, #tpu.memory_space<vmem>>, vector<1x16xi32>,
    %get3A_111 = arith.constant 0 : i32
    %get3A_112 = arith.index_cast %get3A_111 : i32 to index
    %get3A_113 = arith.constant 160 : index
    %get3A_114 = tpu.vector_load %arg5[%get3A_112, %get3A_113] {strides = array<i32>} : memref<128x200xi32, #tpu.memory_space<vmem>>, vector<1x16xi32>,
    %get3A_115 = vector.shape_cast %get3A_114 : vector<1x16xi32> to vector<16xi32>
    %swap3A_116 = arith.constant 0 : i32
    %swap3A_117 = arith.index_cast %swap3A_116 : i32 to index
    %swap3A_118 = arith.constant 160 : index
    %swap3A_119 = tpu.vector_load %arg6[%swap3A_117, %swap3A_118] {strides = array<i32>} : memref<8x256xi32, #tpu.memory_space<vmem>>, vector<1x16xi32>,
    %swap3A_120 = vector.shape_cast %swap3A_119 : vector<1x16xi32> to vector<16xi32>
    %swap3A_121 = vector.shape_cast %get3A_115 : vector<16xi32> to vector<1x16xi32>
    tpu.vector_store %arg6[%swap3A_117, %swap3A_118], %swap3A_121 {strides = array<i32>} : memref<8x256xi32, #tpu.memory_space<vmem>>, vector<1x16xi32>,
    %get3A_122 = arith.constant 0 : i32
    %get3A_123 = arith.index_cast %get3A_122 : i32 to index
    %get3A_124 = arith.constant 176 : index
    %get3A_125 = tpu.vector_load %arg5[%get3A_123, %get3A_124] {strides = array<i32>} : memref<128x200xi32, #tpu.memory_space<vmem>>, vector<1x16xi32>,
    %get3A_126 = vector.shape_cast %get3A_125 : vector<1x16xi32> to vector<16xi32>
    %swap3A_127 = arith.constant 0 : i32
    %swap3A_128 = arith.index_cast %swap3A_127 : i32 to index
    %swap3A_129 = arith.constant 176 : index
    %swap3A_130 = tpu.vector_load %arg6[%swap3A_128, %swap3A_129] {strides = array<i32>} : memref<8x256xi32, #tpu.memory_space<vmem>>, vector<1x16xi32>,
    %swap3A_131 = vector.shape_cast %swap3A_130 : vector<1x16xi32> to vector<16xi32>
    %swap3A_132 = vector.shape_cast %get3A_126 : vector<16xi32> to vector<1x16xi32>
    tpu.vector_store %arg6[%swap3A_128, %swap3A_129], %swap3A_132 {strides = array<i32>} : memref<8x256xi32, #tpu.memory_space<vmem>>, vector<1x16xi32>,
    %get3A_133 = arith.constant 0 : i32
    %get3A_134 = arith.index_cast %get3A_133 : i32 to index
    %get3A_135 = arith.constant 184 : index
    %get3A_136 = tpu.vector_load %arg5[%get3A_134, %get3A_135] {strides = array<i32>} : memref<128x200xi32, #tpu.memory_space<vmem>>, vector<1x16xi32>,
    %get3A_137 = vector.shape_cast %get3A_136 : vector<1x16xi32> to vector<16xi32>
    %swap3A_138 = arith.constant 0 : i32
    %swap3A_139 = arith.index_cast %swap3A_138 : i32 to index
    %swap3A_140 = arith.constant 184 : index
    %swap3A_141 = tpu.vector_load %arg6[%swap3A_139, %swap3A_140] {strides = array<i32>} : memref<8x256xi32, #tpu.memory_space<vmem>>, vector<1x16xi32>,
    %swap3A_142 = vector.shape_cast %swap3A_141 : vector<1x16xi32> to vector<16xi32>
    %swap3A_143 = vector.shape_cast %get3A_137 : vector<16xi32> to vector<1x16xi32>
    tpu.vector_store %arg6[%swap3A_139, %swap3A_140], %swap3A_143 {strides = array<i32>} : memref<8x256xi32, #tpu.memory_space<vmem>>, vector<1x16xi32>,
    %dma_start3A = arith.constant 0 : i32
    %dma_start3A_144 = arith.constant 0 : i32
    %dma_start3A_145 = arith.constant 0 : i32
    %dma_start3A_146 = tpu.memref_slice %arg9[%dma_start3A_144, %dma_start3A_145] : memref<200x128xf32, #tpu.memory_space<vmem>> -> memref<128x128xf32, #tpu.memory_space<vmem>>
    %dma_start3A_147 = arith.constant 0 : i32
    %dma_start3A_148 = tpu.memref_slice %arg6[%dma_start3A, %dma_start3A_147] : memref<8x256xi32, #tpu.memory_space<vmem>> -> memref<1x128xi32, #tpu.memory_space<vmem>>
    %dma_start3A_149 = tpu.memref_squeeze %dma_start3A_148 : memref<1x128xi32, #tpu.memory_space<vmem>> -> memref<128xi32, #tpu.memory_space<vmem>>
    %dma_start3A_150 = arith.constant 0 : i32
    %dma_start3A_151 = arith.constant 0 : i32
    %dma_start3A_152 = tpu.memref_slice %arg3[%dma_start3A_150, %dma_start3A_151] : memref<400000x128xf32, #tpu.memory_space<hbm>> -> memref<400000x128xf32, #tpu.memory_space<hbm>>
    tpu.enqueue_indirect_dma source(%dma_start3A_152 : memref<400000x128xf32, #tpu.memory_space<hbm>>) target(%dma_start3A_146 : memref<128x128xf32, #tpu.memory_space<vmem>>) offsets(%dma_start3A_149 : memref<128xi32, #tpu.memory_space<vmem>>) semaphore(%arg13 : memref<!tpu.dma_semaphore, #tpu.memory_space<semaphore_mem>>)
    %dma_start3A_153 = arith.constant 0 : i32
    %dma_start3A_154 = arith.constant 128 : i32
    %dma_start3A_155 = arith.constant 0 : i32
    %dma_start3A_156 = tpu.memref_slice %arg9[%dma_start3A_154, %dma_start3A_155] : memref<200x128xf32, #tpu.memory_space<vmem>> -> memref<72x128xf32, #tpu.memory_space<vmem>>
    %dma_start3A_157 = arith.constant 128 : i32
    %dma_start3A_158 = tpu.memref_slice %arg6[%dma_start3A_153, %dma_start3A_157] : memref<8x256xi32, #tpu.memory_space<vmem>> -> memref<1x72xi32, #tpu.memory_space<vmem>>
    %dma_start3A_159 = tpu.memref_squeeze %dma_start3A_158 : memref<1x72xi32, #tpu.memory_space<vmem>> -> memref<72xi32, #tpu.memory_space<vmem>>
    %dma_start3A_160 = arith.constant 0 : i32
    %dma_start3A_161 = arith.constant 0 : i32
    %dma_start3A_162 = tpu.memref_slice %arg3[%dma_start3A_160, %dma_start3A_161] : memref<400000x128xf32, #tpu.memory_space<hbm>> -> memref<400000x128xf32, #tpu.memory_space<hbm>>
    tpu.enqueue_indirect_dma source(%dma_start3A_162 : memref<400000x128xf32, #tpu.memory_space<hbm>>) target(%dma_start3A_156 : memref<72x128xf32, #tpu.memory_space<vmem>>) offsets(%dma_start3A_159 : memref<72xi32, #tpu.memory_space<vmem>>) semaphore(%arg13 : memref<!tpu.dma_semaphore, #tpu.memory_space<semaphore_mem>>)
    %get3A_163 = arith.constant 1 : i32
    %get3A_164 = arith.index_cast %get3A_163 : i32 to index
    %get3A_165 = arith.constant 0 : index
    %get3A_166 = tpu.vector_load %arg5[%get3A_164, %get3A_165] {strides = array<i32>} : memref<128x200xi32, #tpu.memory_space<vmem>>, vector<1x16xi32>,
    %get3A_167 = vector.shape_cast %get3A_166 : vector<1x16xi32> to vector<16xi32>
    %swap3A_168 = arith.constant 0 : i32
    %swap3A_169 = arith.index_cast %swap3A_168 : i32 to index
    %swap3A_170 = arith.constant 0 : index
    %swap3A_171 = tpu.vector_load %arg7[%swap3A_169, %swap3A_170] {strides = array<i32>} : memref<8x256xi32, #tpu.memory_space<vmem>>, vector<1x16xi32>,
    %swap3A_172 = vector.shape_cast %swap3A_171 : vector<1x16xi32> to vector<16xi32>
    %swap3A_173 = vector.shape_cast %get3A_167 : vector<16xi32> to vector<1x16xi32>
    tpu.vector_store %arg7[%swap3A_169, %swap3A_170], %swap3A_173 {strides = array<i32>} : memref<8x256xi32, #tpu.memory_space<vmem>>, vector<1x16xi32>,
    %get3A_174 = arith.constant 1 : i32
    %get3A_175 = arith.index_cast %get3A_174 : i32 to index
    %get3A_176 = arith.constant 16 : index
    %get3A_177 = tpu.vector_load %arg5[%get3A_175, %get3A_176] {strides = array<i32>} : memref<128x200xi32, #tpu.memory_space<vmem>>, vector<1x16xi32>,
    %get3A_178 = vector.shape_cast %get3A_177 : vector<1x16xi32> to vector<16xi32>
    %swap3A_179 = arith.constant 0 : i32
    %swap3A_180 = arith.index_cast %swap3A_179 : i32 to index
    %swap3A_181 = arith.constant 16 : index
    %swap3A_182 = tpu.vector_load %arg7[%swap3A_180, %swap3A_181] {strides = array<i32>} : memref<8x256xi32, #tpu.memory_space<vmem>>, vector<1x16xi32>,
    %swap3A_183 = vector.shape_cast %swap3A_182 : vector<1x16xi32> to vector<16xi32>
    %swap3A_184 = vector.shape_cast %get3A_178 : vector<16xi32> to vector<1x16xi32>
    tpu.vector_store %arg7[%swap3A_180, %swap3A_181], %swap3A_184 {strides = array<i32>} : memref<8x256xi32, #tpu.memory_space<vmem>>, vector<1x16xi32>,
    %get3A_185 = arith.constant 1 : i32
    %get3A_186 = arith.index_cast %get3A_185 : i32 to index
    %get3A_187 = arith.constant 32 : index
    %get3A_188 = tpu.vector_load %arg5[%get3A_186, %get3A_187] {strides = array<i32>} : memref<128x200xi32, #tpu.memory_space<vmem>>, vector<1x16xi32>,
    %get3A_189 = vector.shape_cast %get3A_188 : vector<1x16xi32> to vector<16xi32>
    %swap3A_190 = arith.constant 0 : i32
    %swap3A_191 = arith.index_cast %swap3A_190 : i32 to index
    %swap3A_192 = arith.constant 32 : index
    %swap3A_193 = tpu.vector_load %arg7[%swap3A_191, %swap3A_192] {strides = array<i32>} : memref<8x256xi32, #tpu.memory_space<vmem>>, vector<1x16xi32>,
    %swap3A_194 = vector.shape_cast %swap3A_193 : vector<1x16xi32> to vector<16xi32>
    %swap3A_195 = vector.shape_cast %get3A_189 : vector<16xi32> to vector<1x16xi32>
    tpu.vector_store %arg7[%swap3A_191, %swap3A_192], %swap3A_195 {strides = array<i32>} : memref<8x256xi32, #tpu.memory_space<vmem>>, vector<1x16xi32>,
    %get3A_196 = arith.constant 1 : i32
    %get3A_197 = arith.index_cast %get3A_196 : i32 to index
    %get3A_198 = arith.constant 48 : index
    %get3A_199 = tpu.vector_load %arg5[%get3A_197, %get3A_198] {strides = array<i32>} : memref<128x200xi32, #tpu.memory_space<vmem>>, vector<1x16xi32>,
    %get3A_200 = vector.shape_cast %get3A_199 : vector<1x16xi32> to vector<16xi32>
    %swap3A_201 = arith.constant 0 : i32
    %swap3A_202 = arith.index_cast %swap3A_201 : i32 to index
    %swap3A_203 = arith.constant 48 : index
    %swap3A_204 = tpu.vector_load %arg7[%swap3A_202, %swap3A_203] {strides = array<i32>} : memref<8x256xi32, #tpu.memory_space<vmem>>, vector<1x16xi32>,
    %swap3A_205 = vector.shape_cast %swap3A_204 : vector<1x16xi32> to vector<16xi32>
    %swap3A_206 = vector.shape_cast %get3A_200 : vector<16xi32> to vector<1x16xi32>
    tpu.vector_store %arg7[%swap3A_202, %swap3A_203], %swap3A_206 {strides = array<i32>} : memref<8x256xi32, #tpu.memory_space<vmem>>, vector<1x16xi32>,
    %get3A_207 = arith.constant 1 : i32
    %get3A_208 = arith.index_cast %get3A_207 : i32 to index
    %get3A_209 = arith.constant 64 : index
    %get3A_210 = tpu.vector_load %arg5[%get3A_208, %get3A_209] {strides = array<i32>} : memref<128x200xi32, #tpu.memory_space<vmem>>, vector<1x16xi32>,
    %get3A_211 = vector.shape_cast %get3A_210 : vector<1x16xi32> to vector<16xi32>
    %swap3A_212 = arith.constant 0 : i32
    %swap3A_213 = arith.index_cast %swap3A_212 : i32 to index
    %swap3A_214 = arith.constant 64 : index
    %swap3A_215 = tpu.vector_load %arg7[%swap3A_213, %swap3A_214] {strides = array<i32>} : memref<8x256xi32, #tpu.memory_space<vmem>>, vector<1x16xi32>,
    %swap3A_216 = vector.shape_cast %swap3A_215 : vector<1x16xi32> to vector<16xi32>
    %swap3A_217 = vector.shape_cast %get3A_211 : vector<16xi32> to vector<1x16xi32>
    tpu.vector_store %arg7[%swap3A_213, %swap3A_214], %swap3A_217 {strides = array<i32>} : memref<8x256xi32, #tpu.memory_space<vmem>>, vector<1x16xi32>,
    %get3A_218 = arith.constant 1 : i32
    %get3A_219 = arith.index_cast %get3A_218 : i32 to index
    %get3A_220 = arith.constant 80 : index
    %get3A_221 = tpu.vector_load %arg5[%get3A_219, %get3A_220] {strides = array<i32>} : memref<128x200xi32, #tpu.memory_space<vmem>>, vector<1x16xi32>,
    %get3A_222 = vector.shape_cast %get3A_221 : vector<1x16xi32> to vector<16xi32>
    %swap3A_223 = arith.constant 0 : i32
    %swap3A_224 = arith.index_cast %swap3A_223 : i32 to index
    %swap3A_225 = arith.constant 80 : index
    %swap3A_226 = tpu.vector_load %arg7[%swap3A_224, %swap3A_225] {strides = array<i32>} : memref<8x256xi32, #tpu.memory_space<vmem>>, vector<1x16xi32>,
    %swap3A_227 = vector.shape_cast %swap3A_226 : vector<1x16xi32> to vector<16xi32>
    %swap3A_228 = vector.shape_cast %get3A_222 : vector<16xi32> to vector<1x16xi32>
    tpu.vector_store %arg7[%swap3A_224, %swap3A_225], %swap3A_228 {strides = array<i32>} : memref<8x256xi32, #tpu.memory_space<vmem>>, vector<1x16xi32>,
    %get3A_229 = arith.constant 1 : i32
    %get3A_230 = arith.index_cast %get3A_229 : i32 to index
    %get3A_231 = arith.constant 96 : index
    %get3A_232 = tpu.vector_load %arg5[%get3A_230, %get3A_231] {strides = array<i32>} : memref<128x200xi32, #tpu.memory_space<vmem>>, vector<1x16xi32>,
    %get3A_233 = vector.shape_cast %get3A_232 : vector<1x16xi32> to vector<16xi32>
    %swap3A_234 = arith.constant 0 : i32
    %swap3A_235 = arith.index_cast %swap3A_234 : i32 to index
    %swap3A_236 = arith.constant 96 : index
    %swap3A_237 = tpu.vector_load %arg7[%swap3A_235, %swap3A_236] {strides = array<i32>} : memref<8x256xi32, #tpu.memory_space<vmem>>, vector<1x16xi32>,
    %swap3A_238 = vector.shape_cast %swap3A_237 : vector<1x16xi32> to vector<16xi32>
    %swap3A_239 = vector.shape_cast %get3A_233 : vector<16xi32> to vector<1x16xi32>
    tpu.vector_store %arg7[%swap3A_235, %swap3A_236], %swap3A_239 {strides = array<i32>} : memref<8x256xi32, #tpu.memory_space<vmem>>, vector<1x16xi32>,
    %get3A_240 = arith.constant 1 : i32
    %get3A_241 = arith.index_cast %get3A_240 : i32 to index
    %get3A_242 = arith.constant 112 : index
    %get3A_243 = tpu.vector_load %arg5[%get3A_241, %get3A_242] {strides = array<i32>} : memref<128x200xi32, #tpu.memory_space<vmem>>, vector<1x16xi32>,
    %get3A_244 = vector.shape_cast %get3A_243 : vector<1x16xi32> to vector<16xi32>
    %swap3A_245 = arith.constant 0 : i32
    %swap3A_246 = arith.index_cast %swap3A_245 : i32 to index
    %swap3A_247 = arith.constant 112 : index
    %swap3A_248 = tpu.vector_load %arg7[%swap3A_246, %swap3A_247] {strides = array<i32>} : memref<8x256xi32, #tpu.memory_space<vmem>>, vector<1x16xi32>,
    %swap3A_249 = vector.shape_cast %swap3A_248 : vector<1x16xi32> to vector<16xi32>
    %swap3A_250 = vector.shape_cast %get3A_244 : vector<16xi32> to vector<1x16xi32>
    tpu.vector_store %arg7[%swap3A_246, %swap3A_247], %swap3A_250 {strides = array<i32>} : memref<8x256xi32, #tpu.memory_space<vmem>>, vector<1x16xi32>,
    %get3A_251 = arith.constant 1 : i32
    %get3A_252 = arith.index_cast %get3A_251 : i32 to index
    %get3A_253 = arith.constant 128 : index
    %get3A_254 = tpu.vector_load %arg5[%get3A_252, %get3A_253] {strides = array<i32>} : memref<128x200xi32, #tpu.memory_space<vmem>>, vector<1x16xi32>,
    %get3A_255 = vector.shape_cast %get3A_254 : vector<1x16xi32> to vector<16xi32>
    %swap3A_256 = arith.constant 0 : i32
    %swap3A_257 = arith.index_cast %swap3A_256 : i32 to index
    %swap3A_258 = arith.constant 128 : index
    %swap3A_259 = tpu.vector_load %arg7[%swap3A_257, %swap3A_258] {strides = array<i32>} : memref<8x256xi32, #tpu.memory_space<vmem>>, vector<1x16xi32>,
    %swap3A_260 = vector.shape_cast %swap3A_259 : vector<1x16xi32> to vector<16xi32>
    %swap3A_261 = vector.shape_cast %get3A_255 : vector<16xi32> to vector<1x16xi32>
    tpu.vector_store %arg7[%swap3A_257, %swap3A_258], %swap3A_261 {strides = array<i32>} : memref<8x256xi32, #tpu.memory_space<vmem>>, vector<1x16xi32>,
    %get3A_262 = arith.constant 1 : i32
    %get3A_263 = arith.index_cast %get3A_262 : i32 to index
    %get3A_264 = arith.constant 144 : index
    %get3A_265 = tpu.vector_load %arg5[%get3A_263, %get3A_264] {strides = array<i32>} : memref<128x200xi32, #tpu.memory_space<vmem>>, vector<1x16xi32>,
    %get3A_266 = vector.shape_cast %get3A_265 : vector<1x16xi32> to vector<16xi32>
    %swap3A_267 = arith.constant 0 : i32
    %swap3A_268 = arith.index_cast %swap3A_267 : i32 to index
    %swap3A_269 = arith.constant 144 : index
    %swap3A_270 = tpu.vector_load %arg7[%swap3A_268, %swap3A_269] {strides = array<i32>} : memref<8x256xi32, #tpu.memory_space<vmem>>, vector<1x16xi32>,
    %swap3A_271 = vector.shape_cast %swap3A_270 : vector<1x16xi32> to vector<16xi32>
    %swap3A_272 = vector.shape_cast %get3A_266 : vector<16xi32> to vector<1x16xi32>
    tpu.vector_store %arg7[%swap3A_268, %swap3A_269], %swap3A_272 {strides = array<i32>} : memref<8x256xi32, #tpu.memory_space<vmem>>, vector<1x16xi32>,
    %get3A_273 = arith.constant 1 : i32
    %get3A_274 = arith.index_cast %get3A_273 : i32 to index
    %get3A_275 = arith.constant 160 : index
    %get3A_276 = tpu.vector_load %arg5[%get3A_274, %get3A_275] {strides = array<i32>} : memref<128x200xi32, #tpu.memory_space<vmem>>, vector<1x16xi32>,
    %get3A_277 = vector.shape_cast %get3A_276 : vector<1x16xi32> to vector<16xi32>
    %swap3A_278 = arith.constant 0 : i32
    %swap3A_279 = arith.index_cast %swap3A_278 : i32 to index
    %swap3A_280 = arith.constant 160 : index
    %swap3A_281 = tpu.vector_load %arg7[%swap3A_279, %swap3A_280] {strides = array<i32>} : memref<8x256xi32, #tpu.memory_space<vmem>>, vector<1x16xi32>,
    %swap3A_282 = vector.shape_cast %swap3A_281 : vector<1x16xi32> to vector<16xi32>
    %swap3A_283 = vector.shape_cast %get3A_277 : vector<16xi32> to vector<1x16xi32>
    tpu.vector_store %arg7[%swap3A_279, %swap3A_280], %swap3A_283 {strides = array<i32>} : memref<8x256xi32, #tpu.memory_space<vmem>>, vector<1x16xi32>,
    %get3A_284 = arith.constant 1 : i32
    %get3A_285 = arith.index_cast %get3A_284 : i32 to index
    %get3A_286 = arith.constant 176 : index
    %get3A_287 = tpu.vector_load %arg5[%get3A_285, %get3A_286] {strides = array<i32>} : memref<128x200xi32, #tpu.memory_space<vmem>>, vector<1x16xi32>,
    %get3A_288 = vector.shape_cast %get3A_287 : vector<1x16xi32> to vector<16xi32>
    %swap3A_289 = arith.constant 0 : i32
    %swap3A_290 = arith.index_cast %swap3A_289 : i32 to index
    %swap3A_291 = arith.constant 176 : index
    %swap3A_292 = tpu.vector_load %arg7[%swap3A_290, %swap3A_291] {strides = array<i32>} : memref<8x256xi32, #tpu.memory_space<vmem>>, vector<1x16xi32>,
    %swap3A_293 = vector.shape_cast %swap3A_292 : vector<1x16xi32> to vector<16xi32>
    %swap3A_294 = vector.shape_cast %get3A_288 : vector<16xi32> to vector<1x16xi32>
    tpu.vector_store %arg7[%swap3A_290, %swap3A_291], %swap3A_294 {strides = array<i32>} : memref<8x256xi32, #tpu.memory_space<vmem>>, vector<1x16xi32>,
    %get3A_295 = arith.constant 1 : i32
    %get3A_296 = arith.index_cast %get3A_295 : i32 to index
    %get3A_297 = arith.constant 184 : index
    %get3A_298 = tpu.vector_load %arg5[%get3A_296, %get3A_297] {strides = array<i32>} : memref<128x200xi32, #tpu.memory_space<vmem>>, vector<1x16xi32>,
    %get3A_299 = vector.shape_cast %get3A_298 : vector<1x16xi32> to vector<16xi32>
    %swap3A_300 = arith.constant 0 : i32
    %swap3A_301 = arith.index_cast %swap3A_300 : i32 to index
    %swap3A_302 = arith.constant 184 : index
    %swap3A_303 = tpu.vector_load %arg7[%swap3A_301, %swap3A_302] {strides = array<i32>} : memref<8x256xi32, #tpu.memory_space<vmem>>, vector<1x16xi32>,
    %swap3A_304 = vector.shape_cast %swap3A_303 : vector<1x16xi32> to vector<16xi32>
    %swap3A_305 = vector.shape_cast %get3A_299 : vector<16xi32> to vector<1x16xi32>
    tpu.vector_store %arg7[%swap3A_301, %swap3A_302], %swap3A_305 {strides = array<i32>} : memref<8x256xi32, #tpu.memory_space<vmem>>, vector<1x16xi32>,
    %dma_start3A_306 = arith.constant 0 : i32
    %dma_start3A_307 = arith.constant 0 : i32
    %dma_start3A_308 = arith.constant 0 : i32
    %dma_start3A_309 = tpu.memref_slice %arg10[%dma_start3A_307, %dma_start3A_308] : memref<200x128xf32, #tpu.memory_space<vmem>> -> memref<128x128xf32, #tpu.memory_space<vmem>>
    %dma_start3A_310 = arith.constant 0 : i32
    %dma_start3A_311 = tpu.memref_slice %arg7[%dma_start3A_306, %dma_start3A_310] : memref<8x256xi32, #tpu.memory_space<vmem>> -> memref<1x128xi32, #tpu.memory_space<vmem>>
    %dma_start3A_312 = tpu.memref_squeeze %dma_start3A_311 : memref<1x128xi32, #tpu.memory_space<vmem>> -> memref<128xi32, #tpu.memory_space<vmem>>
    %dma_start3A_313 = arith.constant 0 : i32
    %dma_start3A_314 = arith.constant 0 : i32
    %dma_start3A_315 = tpu.memref_slice %arg3[%dma_start3A_313, %dma_start3A_314] : memref<400000x128xf32, #tpu.memory_space<hbm>> -> memref<400000x128xf32, #tpu.memory_space<hbm>>
    tpu.enqueue_indirect_dma source(%dma_start3A_315 : memref<400000x128xf32, #tpu.memory_space<hbm>>) target(%dma_start3A_309 : memref<128x128xf32, #tpu.memory_space<vmem>>) offsets(%dma_start3A_312 : memref<128xi32, #tpu.memory_space<vmem>>) semaphore(%arg14 : memref<!tpu.dma_semaphore, #tpu.memory_space<semaphore_mem>>)
    %dma_start3A_316 = arith.constant 0 : i32
    %dma_start3A_317 = arith.constant 128 : i32
    %dma_start3A_318 = arith.constant 0 : i32
    %dma_start3A_319 = tpu.memref_slice %arg10[%dma_start3A_317, %dma_start3A_318] : memref<200x128xf32, #tpu.memory_space<vmem>> -> memref<72x128xf32, #tpu.memory_space<vmem>>
    %dma_start3A_320 = arith.constant 128 : i32
    %dma_start3A_321 = tpu.memref_slice %arg7[%dma_start3A_316, %dma_start3A_320] : memref<8x256xi32, #tpu.memory_space<vmem>> -> memref<1x72xi32, #tpu.memory_space<vmem>>
    %dma_start3A_322 = tpu.memref_squeeze %dma_start3A_321 : memref<1x72xi32, #tpu.memory_space<vmem>> -> memref<72xi32, #tpu.memory_space<vmem>>
    %dma_start3A_323 = arith.constant 0 : i32
    %dma_start3A_324 = arith.constant 0 : i32
    %dma_start3A_325 = tpu.memref_slice %arg3[%dma_start3A_323, %dma_start3A_324] : memref<400000x128xf32, #tpu.memory_space<hbm>> -> memref<400000x128xf32, #tpu.memory_space<hbm>>
    tpu.enqueue_indirect_dma source(%dma_start3A_325 : memref<400000x128xf32, #tpu.memory_space<hbm>>) target(%dma_start3A_319 : memref<72x128xf32, #tpu.memory_space<vmem>>) offsets(%dma_start3A_322 : memref<72xi32, #tpu.memory_space<vmem>>) semaphore(%arg14 : memref<!tpu.dma_semaphore, #tpu.memory_space<semaphore_mem>>)
    %scan3A = arith.constant 0 : i32
    %scan3A_326 = arith.constant 5.000000e-03 : f32
    %scan3A_327 = arith.constant 0 : i32
    %scan3A_328 = arith.constant 42 : i32
    %scan3A_329 = arith.addi %scan3A_327, %scan3A_328 : i32
    %scan3A_330 = arith.constant 1 : i32
    scf.for %scan3A_505 = %scan3A_327 to %scan3A_329 step %scan3A_330  : i32 {
      %mul3A_506 = arith.constant 3 : i32
      %mul3A_507 = arith.muli %mul3A_506, %scan3A_505 : i32
      %add3A_508 = arith.constant 0 : i32
      %add3A_509 = arith.addi %mul3A_507, %add3A_508 : i32
      %add3A_510 = arith.constant 2 : i32
      %add3A_511 = arith.addi %add3A_509, %add3A_510 : i32
      %get3A_512 = arith.index_cast %add3A_511 : i32 to index
      %get3A_513 = arith.constant 0 : index
      %get3A_514 = tpu.vector_load %arg5[%get3A_512, %get3A_513] {strides = array<i32>} : memref<128x200xi32, #tpu.memory_space<vmem>>, vector<1x16xi32>,
      %get3A_515 = vector.shape_cast %get3A_514 : vector<1x16xi32> to vector<16xi32>
      %swap3A_516 = arith.constant 0 : i32
      %swap3A_517 = arith.index_cast %swap3A_516 : i32 to index
      %swap3A_518 = arith.constant 0 : index
      %swap3A_519 = tpu.vector_load %arg8[%swap3A_517, %swap3A_518] {strides = array<i32>} : memref<8x256xi32, #tpu.memory_space<vmem>>, vector<1x16xi32>,
      %swap3A_520 = vector.shape_cast %swap3A_519 : vector<1x16xi32> to vector<16xi32>
      %swap3A_521 = vector.shape_cast %get3A_515 : vector<16xi32> to vector<1x16xi32>
      tpu.vector_store %arg8[%swap3A_517, %swap3A_518], %swap3A_521 {strides = array<i32>} : memref<8x256xi32, #tpu.memory_space<vmem>>, vector<1x16xi32>,
      %get3A_522 = arith.index_cast %add3A_511 : i32 to index
      %get3A_523 = arith.constant 16 : index
      %get3A_524 = tpu.vector_load %arg5[%get3A_522, %get3A_523] {strides = array<i32>} : memref<128x200xi32, #tpu.memory_space<vmem>>, vector<1x16xi32>,
      %get3A_525 = vector.shape_cast %get3A_524 : vector<1x16xi32> to vector<16xi32>
      %swap3A_526 = arith.constant 0 : i32
      %swap3A_527 = arith.index_cast %swap3A_526 : i32 to index
      %swap3A_528 = arith.constant 16 : index
      %swap3A_529 = tpu.vector_load %arg8[%swap3A_527, %swap3A_528] {strides = array<i32>} : memref<8x256xi32, #tpu.memory_space<vmem>>, vector<1x16xi32>,
      %swap3A_530 = vector.shape_cast %swap3A_529 : vector<1x16xi32> to vector<16xi32>
      %swap3A_531 = vector.shape_cast %get3A_525 : vector<16xi32> to vector<1x16xi32>
      tpu.vector_store %arg8[%swap3A_527, %swap3A_528], %swap3A_531 {strides = array<i32>} : memref<8x256xi32, #tpu.memory_space<vmem>>, vector<1x16xi32>,
      %get3A_532 = arith.index_cast %add3A_511 : i32 to index
      %get3A_533 = arith.constant 32 : index
      %get3A_534 = tpu.vector_load %arg5[%get3A_532, %get3A_533] {strides = array<i32>} : memref<128x200xi32, #tpu.memory_space<vmem>>, vector<1x16xi32>,
      %get3A_535 = vector.shape_cast %get3A_534 : vector<1x16xi32> to vector<16xi32>
      %swap3A_536 = arith.constant 0 : i32
      %swap3A_537 = arith.index_cast %swap3A_536 : i32 to index
      %swap3A_538 = arith.constant 32 : index
      %swap3A_539 = tpu.vector_load %arg8[%swap3A_537, %swap3A_538] {strides = array<i32>} : memref<8x256xi32, #tpu.memory_space<vmem>>, vector<1x16xi32>,
      %swap3A_540 = vector.shape_cast %swap3A_539 : vector<1x16xi32> to vector<16xi32>
      %swap3A_541 = vector.shape_cast %get3A_535 : vector<16xi32> to vector<1x16xi32>
      tpu.vector_store %arg8[%swap3A_537, %swap3A_538], %swap3A_541 {strides = array<i32>} : memref<8x256xi32, #tpu.memory_space<vmem>>, vector<1x16xi32>,
      %get3A_542 = arith.index_cast %add3A_511 : i32 to index
      %get3A_543 = arith.constant 48 : index
      %get3A_544 = tpu.vector_load %arg5[%get3A_542, %get3A_543] {strides = array<i32>} : memref<128x200xi32, #tpu.memory_space<vmem>>, vector<1x16xi32>,
      %get3A_545 = vector.shape_cast %get3A_544 : vector<1x16xi32> to vector<16xi32>
      %swap3A_546 = arith.constant 0 : i32
      %swap3A_547 = arith.index_cast %swap3A_546 : i32 to index
      %swap3A_548 = arith.constant 48 : index
      %swap3A_549 = tpu.vector_load %arg8[%swap3A_547, %swap3A_548] {strides = array<i32>} : memref<8x256xi32, #tpu.memory_space<vmem>>, vector<1x16xi32>,
      %swap3A_550 = vector.shape_cast %swap3A_549 : vector<1x16xi32> to vector<16xi32>
      %swap3A_551 = vector.shape_cast %get3A_545 : vector<16xi32> to vector<1x16xi32>
      tpu.vector_store %arg8[%swap3A_547, %swap3A_548], %swap3A_551 {strides = array<i32>} : memref<8x256xi32, #tpu.memory_space<vmem>>, vector<1x16xi32>,
      %get3A_552 = arith.index_cast %add3A_511 : i32 to index
      %get3A_553 = arith.constant 64 : index
      %get3A_554 = tpu.vector_load %arg5[%get3A_552, %get3A_553] {strides = array<i32>} : memref<128x200xi32, #tpu.memory_space<vmem>>, vector<1x16xi32>,
      %get3A_555 = vector.shape_cast %get3A_554 : vector<1x16xi32> to vector<16xi32>
      %swap3A_556 = arith.constant 0 : i32
      %swap3A_557 = arith.index_cast %swap3A_556 : i32 to index
      %swap3A_558 = arith.constant 64 : index
      %swap3A_559 = tpu.vector_load %arg8[%swap3A_557, %swap3A_558] {strides = array<i32>} : memref<8x256xi32, #tpu.memory_space<vmem>>, vector<1x16xi32>,
      %swap3A_560 = vector.shape_cast %swap3A_559 : vector<1x16xi32> to vector<16xi32>
      %swap3A_561 = vector.shape_cast %get3A_555 : vector<16xi32> to vector<1x16xi32>
      tpu.vector_store %arg8[%swap3A_557, %swap3A_558], %swap3A_561 {strides = array<i32>} : memref<8x256xi32, #tpu.memory_space<vmem>>, vector<1x16xi32>,
      %get3A_562 = arith.index_cast %add3A_511 : i32 to index
      %get3A_563 = arith.constant 80 : index
      %get3A_564 = tpu.vector_load %arg5[%get3A_562, %get3A_563] {strides = array<i32>} : memref<128x200xi32, #tpu.memory_space<vmem>>, vector<1x16xi32>,
      %get3A_565 = vector.shape_cast %get3A_564 : vector<1x16xi32> to vector<16xi32>
      %swap3A_566 = arith.constant 0 : i32
      %swap3A_567 = arith.index_cast %swap3A_566 : i32 to index
      %swap3A_568 = arith.constant 80 : index
      %swap3A_569 = tpu.vector_load %arg8[%swap3A_567, %swap3A_568] {strides = array<i32>} : memref<8x256xi32, #tpu.memory_space<vmem>>, vector<1x16xi32>,
      %swap3A_570 = vector.shape_cast %swap3A_569 : vector<1x16xi32> to vector<16xi32>
      %swap3A_571 = vector.shape_cast %get3A_565 : vector<16xi32> to vector<1x16xi32>
      tpu.vector_store %arg8[%swap3A_567, %swap3A_568], %swap3A_571 {strides = array<i32>} : memref<8x256xi32, #tpu.memory_space<vmem>>, vector<1x16xi32>,
      %get3A_572 = arith.index_cast %add3A_511 : i32 to index
      %get3A_573 = arith.constant 96 : index
      %get3A_574 = tpu.vector_load %arg5[%get3A_572, %get3A_573] {strides = array<i32>} : memref<128x200xi32, #tpu.memory_space<vmem>>, vector<1x16xi32>,
      %get3A_575 = vector.shape_cast %get3A_574 : vector<1x16xi32> to vector<16xi32>
      %swap3A_576 = arith.constant 0 : i32
      %swap3A_577 = arith.index_cast %swap3A_576 : i32 to index
      %swap3A_578 = arith.constant 96 : index
      %swap3A_579 = tpu.vector_load %arg8[%swap3A_577, %swap3A_578] {strides = array<i32>} : memref<8x256xi32, #tpu.memory_space<vmem>>, vector<1x16xi32>,
      %swap3A_580 = vector.shape_cast %swap3A_579 : vector<1x16xi32> to vector<16xi32>
      %swap3A_581 = vector.shape_cast %get3A_575 : vector<16xi32> to vector<1x16xi32>
      tpu.vector_store %arg8[%swap3A_577, %swap3A_578], %swap3A_581 {strides = array<i32>} : memref<8x256xi32, #tpu.memory_space<vmem>>, vector<1x16xi32>,
      %get3A_582 = arith.index_cast %add3A_511 : i32 to index
      %get3A_583 = arith.constant 112 : index
      %get3A_584 = tpu.vector_load %arg5[%get3A_582, %get3A_583] {strides = array<i32>} : memref<128x200xi32, #tpu.memory_space<vmem>>, vector<1x16xi32>,
      %get3A_585 = vector.shape_cast %get3A_584 : vector<1x16xi32> to vector<16xi32>
      %swap3A_586 = arith.constant 0 : i32
      %swap3A_587 = arith.index_cast %swap3A_586 : i32 to index
      %swap3A_588 = arith.constant 112 : index
      %swap3A_589 = tpu.vector_load %arg8[%swap3A_587, %swap3A_588] {strides = array<i32>} : memref<8x256xi32, #tpu.memory_space<vmem>>, vector<1x16xi32>,
      %swap3A_590 = vector.shape_cast %swap3A_589 : vector<1x16xi32> to vector<16xi32>
      %swap3A_591 = vector.shape_cast %get3A_585 : vector<16xi32> to vector<1x16xi32>
      tpu.vector_store %arg8[%swap3A_587, %swap3A_588], %swap3A_591 {strides = array<i32>} : memref<8x256xi32, #tpu.memory_space<vmem>>, vector<1x16xi32>,
      %get3A_592 = arith.index_cast %add3A_511 : i32 to index
      %get3A_593 = arith.constant 128 : index
      %get3A_594 = tpu.vector_load %arg5[%get3A_592, %get3A_593] {strides = array<i32>} : memref<128x200xi32, #tpu.memory_space<vmem>>, vector<1x16xi32>,
      %get3A_595 = vector.shape_cast %get3A_594 : vector<1x16xi32> to vector<16xi32>
      %swap3A_596 = arith.constant 0 : i32
      %swap3A_597 = arith.index_cast %swap3A_596 : i32 to index
      %swap3A_598 = arith.constant 128 : index
      %swap3A_599 = tpu.vector_load %arg8[%swap3A_597, %swap3A_598] {strides = array<i32>} : memref<8x256xi32, #tpu.memory_space<vmem>>, vector<1x16xi32>,
      %swap3A_600 = vector.shape_cast %swap3A_599 : vector<1x16xi32> to vector<16xi32>
      %swap3A_601 = vector.shape_cast %get3A_595 : vector<16xi32> to vector<1x16xi32>
      tpu.vector_store %arg8[%swap3A_597, %swap3A_598], %swap3A_601 {strides = array<i32>} : memref<8x256xi32, #tpu.memory_space<vmem>>, vector<1x16xi32>,
      %get3A_602 = arith.index_cast %add3A_511 : i32 to index
      %get3A_603 = arith.constant 144 : index
      %get3A_604 = tpu.vector_load %arg5[%get3A_602, %get3A_603] {strides = array<i32>} : memref<128x200xi32, #tpu.memory_space<vmem>>, vector<1x16xi32>,
      %get3A_605 = vector.shape_cast %get3A_604 : vector<1x16xi32> to vector<16xi32>
      %swap3A_606 = arith.constant 0 : i32
      %swap3A_607 = arith.index_cast %swap3A_606 : i32 to index
      %swap3A_608 = arith.constant 144 : index
      %swap3A_609 = tpu.vector_load %arg8[%swap3A_607, %swap3A_608] {strides = array<i32>} : memref<8x256xi32, #tpu.memory_space<vmem>>, vector<1x16xi32>,
      %swap3A_610 = vector.shape_cast %swap3A_609 : vector<1x16xi32> to vector<16xi32>
      %swap3A_611 = vector.shape_cast %get3A_605 : vector<16xi32> to vector<1x16xi32>
      tpu.vector_store %arg8[%swap3A_607, %swap3A_608], %swap3A_611 {strides = array<i32>} : memref<8x256xi32, #tpu.memory_space<vmem>>, vector<1x16xi32>,
      %get3A_612 = arith.index_cast %add3A_511 : i32 to index
      %get3A_613 = arith.constant 160 : index
      %get3A_614 = tpu.vector_load %arg5[%get3A_612, %get3A_613] {strides = array<i32>} : memref<128x200xi32, #tpu.memory_space<vmem>>, vector<1x16xi32>,
      %get3A_615 = vector.shape_cast %get3A_614 : vector<1x16xi32> to vector<16xi32>
      %swap3A_616 = arith.constant 0 : i32
      %swap3A_617 = arith.index_cast %swap3A_616 : i32 to index
      %swap3A_618 = arith.constant 160 : index
      %swap3A_619 = tpu.vector_load %arg8[%swap3A_617, %swap3A_618] {strides = array<i32>} : memref<8x256xi32, #tpu.memory_space<vmem>>, vector<1x16xi32>,
      %swap3A_620 = vector.shape_cast %swap3A_619 : vector<1x16xi32> to vector<16xi32>
      %swap3A_621 = vector.shape_cast %get3A_615 : vector<16xi32> to vector<1x16xi32>
      tpu.vector_store %arg8[%swap3A_617, %swap3A_618], %swap3A_621 {strides = array<i32>} : memref<8x256xi32, #tpu.memory_space<vmem>>, vector<1x16xi32>,
      %get3A_622 = arith.index_cast %add3A_511 : i32 to index
      %get3A_623 = arith.constant 176 : index
      %get3A_624 = tpu.vector_load %arg5[%get3A_622, %get3A_623] {strides = array<i32>} : memref<128x200xi32, #tpu.memory_space<vmem>>, vector<1x16xi32>,
      %get3A_625 = vector.shape_cast %get3A_624 : vector<1x16xi32> to vector<16xi32>
      %swap3A_626 = arith.constant 0 : i32
      %swap3A_627 = arith.index_cast %swap3A_626 : i32 to index
      %swap3A_628 = arith.constant 176 : index
      %swap3A_629 = tpu.vector_load %arg8[%swap3A_627, %swap3A_628] {strides = array<i32>} : memref<8x256xi32, #tpu.memory_space<vmem>>, vector<1x16xi32>,
      %swap3A_630 = vector.shape_cast %swap3A_629 : vector<1x16xi32> to vector<16xi32>
      %swap3A_631 = vector.shape_cast %get3A_625 : vector<16xi32> to vector<1x16xi32>
      tpu.vector_store %arg8[%swap3A_627, %swap3A_628], %swap3A_631 {strides = array<i32>} : memref<8x256xi32, #tpu.memory_space<vmem>>, vector<1x16xi32>,
      %get3A_632 = arith.index_cast %add3A_511 : i32 to index
      %get3A_633 = arith.constant 184 : index
      %get3A_634 = tpu.vector_load %arg5[%get3A_632, %get3A_633] {strides = array<i32>} : memref<128x200xi32, #tpu.memory_space<vmem>>, vector<1x16xi32>,
      %get3A_635 = vector.shape_cast %get3A_634 : vector<1x16xi32> to vector<16xi32>
      %swap3A_636 = arith.constant 0 : i32
      %swap3A_637 = arith.index_cast %swap3A_636 : i32 to index
      %swap3A_638 = arith.constant 184 : index
      %swap3A_639 = tpu.vector_load %arg8[%swap3A_637, %swap3A_638] {strides = array<i32>} : memref<8x256xi32, #tpu.memory_space<vmem>>, vector<1x16xi32>,
      %swap3A_640 = vector.shape_cast %swap3A_639 : vector<1x16xi32> to vector<16xi32>
      %swap3A_641 = vector.shape_cast %get3A_635 : vector<16xi32> to vector<1x16xi32>
      tpu.vector_store %arg8[%swap3A_637, %swap3A_638], %swap3A_641 {strides = array<i32>} : memref<8x256xi32, #tpu.memory_space<vmem>>, vector<1x16xi32>,
      %dma_start3A_642 = arith.constant 0 : i32
      %dma_start3A_643 = arith.constant 0 : i32
      %dma_start3A_644 = arith.constant 0 : i32
      %dma_start3A_645 = tpu.memref_slice %arg11[%dma_start3A_643, %dma_start3A_644] : memref<200x128xf32, #tpu.memory_space<vmem>> -> memref<128x128xf32, #tpu.memory_space<vmem>>
      %dma_start3A_646 = arith.constant 0 : i32
      %dma_start3A_647 = tpu.memref_slice %arg8[%dma_start3A_642, %dma_start3A_646] : memref<8x256xi32, #tpu.memory_space<vmem>> -> memref<1x128xi32, #tpu.memory_space<vmem>>
      %dma_start3A_648 = tpu.memref_squeeze %dma_start3A_647 : memref<1x128xi32, #tpu.memory_space<vmem>> -> memref<128xi32, #tpu.memory_space<vmem>>
      %dma_start3A_649 = arith.constant 0 : i32
      %dma_start3A_650 = arith.constant 0 : i32
      %dma_start3A_651 = tpu.memref_slice %arg3[%dma_start3A_649, %dma_start3A_650] : memref<400000x128xf32, #tpu.memory_space<hbm>> -> memref<400000x128xf32, #tpu.memory_space<hbm>>
      tpu.enqueue_indirect_dma source(%dma_start3A_651 : memref<400000x128xf32, #tpu.memory_space<hbm>>) target(%dma_start3A_645 : memref<128x128xf32, #tpu.memory_space<vmem>>) offsets(%dma_start3A_648 : memref<128xi32, #tpu.memory_space<vmem>>) semaphore(%arg15 : memref<!tpu.dma_semaphore, #tpu.memory_space<semaphore_mem>>)
      %dma_start3A_652 = arith.constant 0 : i32
      %dma_start3A_653 = arith.constant 128 : i32
      %dma_start3A_654 = arith.constant 0 : i32
      %dma_start3A_655 = tpu.memref_slice %arg11[%dma_start3A_653, %dma_start3A_654] : memref<200x128xf32, #tpu.memory_space<vmem>> -> memref<72x128xf32, #tpu.memory_space<vmem>>
      %dma_start3A_656 = arith.constant 128 : i32
      %dma_start3A_657 = tpu.memref_slice %arg8[%dma_start3A_652, %dma_start3A_656] : memref<8x256xi32, #tpu.memory_space<vmem>> -> memref<1x72xi32, #tpu.memory_space<vmem>>
      %dma_start3A_658 = tpu.memref_squeeze %dma_start3A_657 : memref<1x72xi32, #tpu.memory_space<vmem>> -> memref<72xi32, #tpu.memory_space<vmem>>
      %dma_start3A_659 = arith.constant 0 : i32
      %dma_start3A_660 = arith.constant 0 : i32
      %dma_start3A_661 = tpu.memref_slice %arg3[%dma_start3A_659, %dma_start3A_660] : memref<400000x128xf32, #tpu.memory_space<hbm>> -> memref<400000x128xf32, #tpu.memory_space<hbm>>
      tpu.enqueue_indirect_dma source(%dma_start3A_661 : memref<400000x128xf32, #tpu.memory_space<hbm>>) target(%dma_start3A_655 : memref<72x128xf32, #tpu.memory_space<vmem>>) offsets(%dma_start3A_658 : memref<72xi32, #tpu.memory_space<vmem>>) semaphore(%arg15 : memref<!tpu.dma_semaphore, #tpu.memory_space<semaphore_mem>>)
      %dma_wait3A_662 = arith.constant 0 : i32
      %dma_wait3A_663 = arith.constant 0 : i32
      %dma_wait3A_664 = arith.constant 0 : i32
      %dma_wait3A_665 = tpu.memref_slice %arg9[%dma_wait3A_663, %dma_wait3A_664] : memref<200x128xf32, #tpu.memory_space<vmem>> -> memref<128x128xf32, #tpu.memory_space<vmem>>
      %dma_wait3A_666 = arith.constant 0 : i32
      %dma_wait3A_667 = tpu.memref_slice %arg6[%dma_wait3A_662, %dma_wait3A_666] : memref<8x256xi32, #tpu.memory_space<vmem>> -> memref<1x128xi32, #tpu.memory_space<vmem>>
      %dma_wait3A_668 = tpu.memref_squeeze %dma_wait3A_667 : memref<1x128xi32, #tpu.memory_space<vmem>> -> memref<128xi32, #tpu.memory_space<vmem>>
      %dma_wait3A_669 = arith.constant 0 : i32
      %dma_wait3A_670 = arith.constant 0 : i32
      %dma_wait3A_671 = tpu.memref_slice %arg3[%dma_wait3A_669, %dma_wait3A_670] : memref<400000x128xf32, #tpu.memory_space<hbm>> -> memref<400000x128xf32, #tpu.memory_space<hbm>>
      tpu.wait_indirect_dma semaphore(%arg13 : memref<!tpu.dma_semaphore, #tpu.memory_space<semaphore_mem>>) src(%dma_wait3A_671 : memref<400000x128xf32, #tpu.memory_space<hbm>>) dst(%dma_wait3A_665 : memref<128x128xf32, #tpu.memory_space<vmem>>)
      %dma_wait3A_672 = arith.constant 0 : i32
      %dma_wait3A_673 = arith.constant 128 : i32
      %dma_wait3A_674 = arith.constant 0 : i32
      %dma_wait3A_675 = tpu.memref_slice %arg9[%dma_wait3A_673, %dma_wait3A_674] : memref<200x128xf32, #tpu.memory_space<vmem>> -> memref<72x128xf32, #tpu.memory_space<vmem>>
      %dma_wait3A_676 = arith.constant 128 : i32
      %dma_wait3A_677 = tpu.memref_slice %arg6[%dma_wait3A_672, %dma_wait3A_676] : memref<8x256xi32, #tpu.memory_space<vmem>> -> memref<1x72xi32, #tpu.memory_space<vmem>>
      %dma_wait3A_678 = tpu.memref_squeeze %dma_wait3A_677 : memref<1x72xi32, #tpu.memory_space<vmem>> -> memref<72xi32, #tpu.memory_space<vmem>>
      %dma_wait3A_679 = arith.constant 0 : i32
      %dma_wait3A_680 = arith.constant 0 : i32
      %dma_wait3A_681 = tpu.memref_slice %arg3[%dma_wait3A_679, %dma_wait3A_680] : memref<400000x128xf32, #tpu.memory_space<hbm>> -> memref<400000x128xf32, #tpu.memory_space<hbm>>
      tpu.wait_indirect_dma semaphore(%arg13 : memref<!tpu.dma_semaphore, #tpu.memory_space<semaphore_mem>>) src(%dma_wait3A_681 : memref<400000x128xf32, #tpu.memory_space<hbm>>) dst(%dma_wait3A_675 : memref<72x128xf32, #tpu.memory_space<vmem>>)
      %eq3A = arith.constant 64 : i32
      %eq3A_682 = arith.cmpi eq, %add3A_509, %eq3A : i32
      %convert_element_type3A = arith.extui %eq3A_682 : i1 to i32
      %cond3A = arith.constant 0 : i32
      %cond3A_683 = arith.cmpi ne, %convert_element_type3A, %cond3A : i32
      scf.if %cond3A_683 {
        "tpu.region"() ({
          %run_scoped3A = tpu.sem_alloc : memref<!tpu.dma_semaphore, #tpu.memory_space<semaphore_mem>>
          %dma_start3A_1223 = arith.constant 0 : i32
          %dma_start3A_1224 = tpu.memref_slice %arg4[%mul3A_2, %dma_start3A_1223] : memref<4096x128xf32, #tpu.memory_space<hbm>> -> memref<64x128xf32, #tpu.memory_space<hbm>>
          %dma_start3A_1225 = arith.constant 0 : i32
          %dma_start3A_1226 = tpu.memref_slice %arg4[%mul3A_2, %dma_start3A_1225] : memref<4096x128xf32, #tpu.memory_space<hbm>> -> memref<64x128xf32, #tpu.memory_space<hbm>>
          tpu.enqueue_dma source(%arg12 : memref<64x128xf32, #tpu.memory_space<vmem>>) target(%dma_start3A_1226 : memref<64x128xf32, #tpu.memory_space<hbm>>) target_semaphore(%run_scoped3A : memref<!tpu.dma_semaphore, #tpu.memory_space<semaphore_mem>>)
          %dma_wait3A_1227 = arith.constant 0 : i32
          %dma_wait3A_1228 = tpu.memref_slice %arg4[%mul3A_2, %dma_wait3A_1227] : memref<4096x128xf32, #tpu.memory_space<hbm>> -> memref<64x128xf32, #tpu.memory_space<hbm>>
          %dma_wait3A_1229 = arith.constant 0 : i32
          %dma_wait3A_1230 = tpu.memref_slice %arg4[%mul3A_2, %dma_wait3A_1229] : memref<4096x128xf32, #tpu.memory_space<hbm>> -> memref<64x128xf32, #tpu.memory_space<hbm>>
          tpu.wait_dma2 semaphore(%run_scoped3A : memref<!tpu.dma_semaphore, #tpu.memory_space<semaphore_mem>>) src(%arg12 : memref<64x128xf32, #tpu.memory_space<vmem>>) dst(%dma_wait3A_1230 : memref<64x128xf32, #tpu.memory_space<hbm>>)
          tpu.yield
        }) : () -> ()
      } else {
      }
      %broadcast_in_dim3A_684 = arith.constant 0.000000e+00 : f32
      %broadcast_in_dim3A_685 = vector.broadcast %broadcast_in_dim3A_684 : f32 to vector<16xf32>
      %scan3A_686 = arith.constant 0 : i32
      %scan3A_687 = arith.constant 50 : i32
      %scan3A_688 = arith.addi %scan3A_686, %scan3A_687 : i32
      %scan3A_689 = arith.constant 1 : i32
      %scan3A_690:7 = scf.for %scan3A_1223 = %scan3A_686 to %scan3A_688 step %scan3A_689 iter_args(%scan3A_1224 = %broadcast_in_dim3A_685, %scan3A_1225 = %broadcast_in_dim3A_685, %scan3A_1226 = %broadcast_in_dim3A_685, %scan3A_1227 = %broadcast_in_dim3A_685, %scan3A_1228 = %broadcast_in_dim3A_685, %scan3A_1229 = %broadcast_in_dim3A_685, %scan3A_1230 = %broadcast_in_dim3A_685) -> (vector<16xf32>, vector<16xf32>, vector<16xf32>, vector<16xf32>, vector<16xf32>, vector<16xf32>, vector<16xf32>)  : i32 {
        %mul3A_1231 = arith.constant 4 : i32
        %mul3A_1232 = arith.muli %scan3A_1223, %mul3A_1231 : i32
        %add3A_1233 = arith.constant 0 : i32
        %add3A_1234 = arith.addi %mul3A_1232, %add3A_1233 : i32
        %get3A_1235 = arith.index_cast %add3A_1234 : i32 to index
        %get3A_1236 = arith.constant 0 : index
        %get3A_1237 = tpu.vector_load %arg9[%get3A_1235, %get3A_1236] {strides = array<i32>} : memref<200x128xf32, #tpu.memory_space<vmem>>, vector<1x16xf32>,
        %get3A_1238 = vector.shape_cast %get3A_1237 : vector<1x16xf32> to vector<16xf32>
        %add3A_1239 = arith.addf %scan3A_1224, %get3A_1238 : vector<16xf32>
        %add3A_1240 = arith.constant 0 : i32
        %add3A_1241 = arith.addi %mul3A_1232, %add3A_1240 : i32
        %get3A_1242 = arith.index_cast %add3A_1241 : i32 to index
        %get3A_1243 = arith.constant 16 : index
        %get3A_1244 = tpu.vector_load %arg9[%get3A_1242, %get3A_1243] {strides = array<i32>} : memref<200x128xf32, #tpu.memory_space<vmem>>, vector<1x16xf32>,
        %get3A_1245 = vector.shape_cast %get3A_1244 : vector<1x16xf32> to vector<16xf32>
        %add3A_1246 = arith.addf %scan3A_1225, %get3A_1245 : vector<16xf32>
        %add3A_1247 = arith.constant 0 : i32
        %add3A_1248 = arith.addi %mul3A_1232, %add3A_1247 : i32
        %get3A_1249 = arith.index_cast %add3A_1248 : i32 to index
        %get3A_1250 = arith.constant 32 : index
        %get3A_1251 = tpu.vector_load %arg9[%get3A_1249, %get3A_1250] {strides = array<i32>} : memref<200x128xf32, #tpu.memory_space<vmem>>, vector<1x16xf32>,
        %get3A_1252 = vector.shape_cast %get3A_1251 : vector<1x16xf32> to vector<16xf32>
        %add3A_1253 = arith.addf %scan3A_1226, %get3A_1252 : vector<16xf32>
        %add3A_1254 = arith.constant 0 : i32
        %add3A_1255 = arith.addi %mul3A_1232, %add3A_1254 : i32
        %get3A_1256 = arith.index_cast %add3A_1255 : i32 to index
        %get3A_1257 = arith.constant 48 : index
        %get3A_1258 = tpu.vector_load %arg9[%get3A_1256, %get3A_1257] {strides = array<i32>} : memref<200x128xf32, #tpu.memory_space<vmem>>, vector<1x16xf32>,
        %get3A_1259 = vector.shape_cast %get3A_1258 : vector<1x16xf32> to vector<16xf32>
        %add3A_1260 = arith.addf %scan3A_1227, %get3A_1259 : vector<16xf32>
        %add3A_1261 = arith.constant 0 : i32
        %add3A_1262 = arith.addi %mul3A_1232, %add3A_1261 : i32
        %get3A_1263 = arith.index_cast %add3A_1262 : i32 to index
        %get3A_1264 = arith.constant 64 : index
        %get3A_1265 = tpu.vector_load %arg9[%get3A_1263, %get3A_1264] {strides = array<i32>} : memref<200x128xf32, #tpu.memory_space<vmem>>, vector<1x16xf32>,
        %get3A_1266 = vector.shape_cast %get3A_1265 : vector<1x16xf32> to vector<16xf32>
        %add3A_1267 = arith.addf %scan3A_1228, %get3A_1266 : vector<16xf32>
        %add3A_1268 = arith.constant 0 : i32
        %add3A_1269 = arith.addi %mul3A_1232, %add3A_1268 : i32
        %get3A_1270 = arith.index_cast %add3A_1269 : i32 to index
        %get3A_1271 = arith.constant 80 : index
        %get3A_1272 = tpu.vector_load %arg9[%get3A_1270, %get3A_1271] {strides = array<i32>} : memref<200x128xf32, #tpu.memory_space<vmem>>, vector<1x16xf32>,
        %get3A_1273 = vector.shape_cast %get3A_1272 : vector<1x16xf32> to vector<16xf32>
        %add3A_1274 = arith.addf %scan3A_1229, %get3A_1273 : vector<16xf32>
        %add3A_1275 = arith.constant 0 : i32
        %add3A_1276 = arith.addi %mul3A_1232, %add3A_1275 : i32
        %get3A_1277 = arith.index_cast %add3A_1276 : i32 to index
        %get3A_1278 = arith.constant 84 : index
        %get3A_1279 = tpu.vector_load %arg9[%get3A_1277, %get3A_1278] {strides = array<i32>} : memref<200x128xf32, #tpu.memory_space<vmem>>, vector<1x16xf32>,
        %get3A_1280 = vector.shape_cast %get3A_1279 : vector<1x16xf32> to vector<16xf32>
        %add3A_1281 = arith.addf %scan3A_1230, %get3A_1280 : vector<16xf32>
        %add3A_1282 = arith.constant 1 : i32
        %add3A_1283 = arith.addi %mul3A_1232, %add3A_1282 : i32
        %get3A_1284 = arith.index_cast %add3A_1283 : i32 to index
        %get3A_1285 = arith.constant 0 : index
        %get3A_1286 = tpu.vector_load %arg9[%get3A_1284, %get3A_1285] {strides = array<i32>} : memref<200x128xf32, #tpu.memory_space<vmem>>, vector<1x16xf32>,
        %get3A_1287 = vector.shape_cast %get3A_1286 : vector<1x16xf32> to vector<16xf32>
        %add3A_1288 = arith.addf %add3A_1239, %get3A_1287 : vector<16xf32>
        %add3A_1289 = arith.constant 1 : i32
        %add3A_1290 = arith.addi %mul3A_1232, %add3A_1289 : i32
        %get3A_1291 = arith.index_cast %add3A_1290 : i32 to index
        %get3A_1292 = arith.constant 16 : index
        %get3A_1293 = tpu.vector_load %arg9[%get3A_1291, %get3A_1292] {strides = array<i32>} : memref<200x128xf32, #tpu.memory_space<vmem>>, vector<1x16xf32>,
        %get3A_1294 = vector.shape_cast %get3A_1293 : vector<1x16xf32> to vector<16xf32>
        %add3A_1295 = arith.addf %add3A_1246, %get3A_1294 : vector<16xf32>
        %add3A_1296 = arith.constant 1 : i32
        %add3A_1297 = arith.addi %mul3A_1232, %add3A_1296 : i32
        %get3A_1298 = arith.index_cast %add3A_1297 : i32 to index
        %get3A_1299 = arith.constant 32 : index
        %get3A_1300 = tpu.vector_load %arg9[%get3A_1298, %get3A_1299] {strides = array<i32>} : memref<200x128xf32, #tpu.memory_space<vmem>>, vector<1x16xf32>,
        %get3A_1301 = vector.shape_cast %get3A_1300 : vector<1x16xf32> to vector<16xf32>
        %add3A_1302 = arith.addf %add3A_1253, %get3A_1301 : vector<16xf32>
        %add3A_1303 = arith.constant 1 : i32
        %add3A_1304 = arith.addi %mul3A_1232, %add3A_1303 : i32
        %get3A_1305 = arith.index_cast %add3A_1304 : i32 to index
        %get3A_1306 = arith.constant 48 : index
        %get3A_1307 = tpu.vector_load %arg9[%get3A_1305, %get3A_1306] {strides = array<i32>} : memref<200x128xf32, #tpu.memory_space<vmem>>, vector<1x16xf32>,
        %get3A_1308 = vector.shape_cast %get3A_1307 : vector<1x16xf32> to vector<16xf32>
        %add3A_1309 = arith.addf %add3A_1260, %get3A_1308 : vector<16xf32>
        %add3A_1310 = arith.constant 1 : i32
        %add3A_1311 = arith.addi %mul3A_1232, %add3A_1310 : i32
        %get3A_1312 = arith.index_cast %add3A_1311 : i32 to index
        %get3A_1313 = arith.constant 64 : index
        %get3A_1314 = tpu.vector_load %arg9[%get3A_1312, %get3A_1313] {strides = array<i32>} : memref<200x128xf32, #tpu.memory_space<vmem>>, vector<1x16xf32>,
        %get3A_1315 = vector.shape_cast %get3A_1314 : vector<1x16xf32> to vector<16xf32>
        %add3A_1316 = arith.addf %add3A_1267, %get3A_1315 : vector<16xf32>
        %add3A_1317 = arith.constant 1 : i32
        %add3A_1318 = arith.addi %mul3A_1232, %add3A_1317 : i32
        %get3A_1319 = arith.index_cast %add3A_1318 : i32 to index
        %get3A_1320 = arith.constant 80 : index
        %get3A_1321 = tpu.vector_load %arg9[%get3A_1319, %get3A_1320] {strides = array<i32>} : memref<200x128xf32, #tpu.memory_space<vmem>>, vector<1x16xf32>,
        %get3A_1322 = vector.shape_cast %get3A_1321 : vector<1x16xf32> to vector<16xf32>
        %add3A_1323 = arith.addf %add3A_1274, %get3A_1322 : vector<16xf32>
        %add3A_1324 = arith.constant 1 : i32
        %add3A_1325 = arith.addi %mul3A_1232, %add3A_1324 : i32
        %get3A_1326 = arith.index_cast %add3A_1325 : i32 to index
        %get3A_1327 = arith.constant 84 : index
        %get3A_1328 = tpu.vector_load %arg9[%get3A_1326, %get3A_1327] {strides = array<i32>} : memref<200x128xf32, #tpu.memory_space<vmem>>, vector<1x16xf32>,
        %get3A_1329 = vector.shape_cast %get3A_1328 : vector<1x16xf32> to vector<16xf32>
        %add3A_1330 = arith.addf %add3A_1281, %get3A_1329 : vector<16xf32>
        %add3A_1331 = arith.constant 2 : i32
        %add3A_1332 = arith.addi %mul3A_1232, %add3A_1331 : i32
        %get3A_1333 = arith.index_cast %add3A_1332 : i32 to index
        %get3A_1334 = arith.constant 0 : index
        %get3A_1335 = tpu.vector_load %arg9[%get3A_1333, %get3A_1334] {strides = array<i32>} : memref<200x128xf32, #tpu.memory_space<vmem>>, vector<1x16xf32>,
        %get3A_1336 = vector.shape_cast %get3A_1335 : vector<1x16xf32> to vector<16xf32>
        %add3A_1337 = arith.addf %add3A_1288, %get3A_1336 : vector<16xf32>
        %add3A_1338 = arith.constant 2 : i32
        %add3A_1339 = arith.addi %mul3A_1232, %add3A_1338 : i32
        %get3A_1340 = arith.index_cast %add3A_1339 : i32 to index
        %get3A_1341 = arith.constant 16 : index
        %get3A_1342 = tpu.vector_load %arg9[%get3A_1340, %get3A_1341] {strides = array<i32>} : memref<200x128xf32, #tpu.memory_space<vmem>>, vector<1x16xf32>,
        %get3A_1343 = vector.shape_cast %get3A_1342 : vector<1x16xf32> to vector<16xf32>
        %add3A_1344 = arith.addf %add3A_1295, %get3A_1343 : vector<16xf32>
        %add3A_1345 = arith.constant 2 : i32
        %add3A_1346 = arith.addi %mul3A_1232, %add3A_1345 : i32
        %get3A_1347 = arith.index_cast %add3A_1346 : i32 to index
        %get3A_1348 = arith.constant 32 : index
        %get3A_1349 = tpu.vector_load %arg9[%get3A_1347, %get3A_1348] {strides = array<i32>} : memref<200x128xf32, #tpu.memory_space<vmem>>, vector<1x16xf32>,
        %get3A_1350 = vector.shape_cast %get3A_1349 : vector<1x16xf32> to vector<16xf32>
        %add3A_1351 = arith.addf %add3A_1302, %get3A_1350 : vector<16xf32>
        %add3A_1352 = arith.constant 2 : i32
        %add3A_1353 = arith.addi %mul3A_1232, %add3A_1352 : i32
        %get3A_1354 = arith.index_cast %add3A_1353 : i32 to index
        %get3A_1355 = arith.constant 48 : index
        %get3A_1356 = tpu.vector_load %arg9[%get3A_1354, %get3A_1355] {strides = array<i32>} : memref<200x128xf32, #tpu.memory_space<vmem>>, vector<1x16xf32>,
        %get3A_1357 = vector.shape_cast %get3A_1356 : vector<1x16xf32> to vector<16xf32>
        %add3A_1358 = arith.addf %add3A_1309, %get3A_1357 : vector<16xf32>
        %add3A_1359 = arith.constant 2 : i32
        %add3A_1360 = arith.addi %mul3A_1232, %add3A_1359 : i32
        %get3A_1361 = arith.index_cast %add3A_1360 : i32 to index
        %get3A_1362 = arith.constant 64 : index
        %get3A_1363 = tpu.vector_load %arg9[%get3A_1361, %get3A_1362] {strides = array<i32>} : memref<200x128xf32, #tpu.memory_space<vmem>>, vector<1x16xf32>,
        %get3A_1364 = vector.shape_cast %get3A_1363 : vector<1x16xf32> to vector<16xf32>
        %add3A_1365 = arith.addf %add3A_1316, %get3A_1364 : vector<16xf32>
        %add3A_1366 = arith.constant 2 : i32
        %add3A_1367 = arith.addi %mul3A_1232, %add3A_1366 : i32
        %get3A_1368 = arith.index_cast %add3A_1367 : i32 to index
        %get3A_1369 = arith.constant 80 : index
        %get3A_1370 = tpu.vector_load %arg9[%get3A_1368, %get3A_1369] {strides = array<i32>} : memref<200x128xf32, #tpu.memory_space<vmem>>, vector<1x16xf32>,
        %get3A_1371 = vector.shape_cast %get3A_1370 : vector<1x16xf32> to vector<16xf32>
        %add3A_1372 = arith.addf %add3A_1323, %get3A_1371 : vector<16xf32>
        %add3A_1373 = arith.constant 2 : i32
        %add3A_1374 = arith.addi %mul3A_1232, %add3A_1373 : i32
        %get3A_1375 = arith.index_cast %add3A_1374 : i32 to index
        %get3A_1376 = arith.constant 84 : index
        %get3A_1377 = tpu.vector_load %arg9[%get3A_1375, %get3A_1376] {strides = array<i32>} : memref<200x128xf32, #tpu.memory_space<vmem>>, vector<1x16xf32>,
        %get3A_1378 = vector.shape_cast %get3A_1377 : vector<1x16xf32> to vector<16xf32>
        %add3A_1379 = arith.addf %add3A_1330, %get3A_1378 : vector<16xf32>
        %add3A_1380 = arith.constant 3 : i32
        %add3A_1381 = arith.addi %mul3A_1232, %add3A_1380 : i32
        %get3A_1382 = arith.index_cast %add3A_1381 : i32 to index
        %get3A_1383 = arith.constant 0 : index
        %get3A_1384 = tpu.vector_load %arg9[%get3A_1382, %get3A_1383] {strides = array<i32>} : memref<200x128xf32, #tpu.memory_space<vmem>>, vector<1x16xf32>,
        %get3A_1385 = vector.shape_cast %get3A_1384 : vector<1x16xf32> to vector<16xf32>
        %add3A_1386 = arith.addf %add3A_1337, %get3A_1385 : vector<16xf32>
        %add3A_1387 = arith.constant 3 : i32
        %add3A_1388 = arith.addi %mul3A_1232, %add3A_1387 : i32
        %get3A_1389 = arith.index_cast %add3A_1388 : i32 to index
        %get3A_1390 = arith.constant 16 : index
        %get3A_1391 = tpu.vector_load %arg9[%get3A_1389, %get3A_1390] {strides = array<i32>} : memref<200x128xf32, #tpu.memory_space<vmem>>, vector<1x16xf32>,
        %get3A_1392 = vector.shape_cast %get3A_1391 : vector<1x16xf32> to vector<16xf32>
        %add3A_1393 = arith.addf %add3A_1344, %get3A_1392 : vector<16xf32>
        %add3A_1394 = arith.constant 3 : i32
        %add3A_1395 = arith.addi %mul3A_1232, %add3A_1394 : i32
        %get3A_1396 = arith.index_cast %add3A_1395 : i32 to index
        %get3A_1397 = arith.constant 32 : index
        %get3A_1398 = tpu.vector_load %arg9[%get3A_1396, %get3A_1397] {strides = array<i32>} : memref<200x128xf32, #tpu.memory_space<vmem>>, vector<1x16xf32>,
        %get3A_1399 = vector.shape_cast %get3A_1398 : vector<1x16xf32> to vector<16xf32>
        %add3A_1400 = arith.addf %add3A_1351, %get3A_1399 : vector<16xf32>
        %add3A_1401 = arith.constant 3 : i32
        %add3A_1402 = arith.addi %mul3A_1232, %add3A_1401 : i32
        %get3A_1403 = arith.index_cast %add3A_1402 : i32 to index
        %get3A_1404 = arith.constant 48 : index
        %get3A_1405 = tpu.vector_load %arg9[%get3A_1403, %get3A_1404] {strides = array<i32>} : memref<200x128xf32, #tpu.memory_space<vmem>>, vector<1x16xf32>,
        %get3A_1406 = vector.shape_cast %get3A_1405 : vector<1x16xf32> to vector<16xf32>
        %add3A_1407 = arith.addf %add3A_1358, %get3A_1406 : vector<16xf32>
        %add3A_1408 = arith.constant 3 : i32
        %add3A_1409 = arith.addi %mul3A_1232, %add3A_1408 : i32
        %get3A_1410 = arith.index_cast %add3A_1409 : i32 to index
        %get3A_1411 = arith.constant 64 : index
        %get3A_1412 = tpu.vector_load %arg9[%get3A_1410, %get3A_1411] {strides = array<i32>} : memref<200x128xf32, #tpu.memory_space<vmem>>, vector<1x16xf32>,
        %get3A_1413 = vector.shape_cast %get3A_1412 : vector<1x16xf32> to vector<16xf32>
        %add3A_1414 = arith.addf %add3A_1365, %get3A_1413 : vector<16xf32>
        %add3A_1415 = arith.constant 3 : i32
        %add3A_1416 = arith.addi %mul3A_1232, %add3A_1415 : i32
        %get3A_1417 = arith.index_cast %add3A_1416 : i32 to index
        %get3A_1418 = arith.constant 80 : index
        %get3A_1419 = tpu.vector_load %arg9[%get3A_1417, %get3A_1418] {strides = array<i32>} : memref<200x128xf32, #tpu.memory_space<vmem>>, vector<1x16xf32>,
        %get3A_1420 = vector.shape_cast %get3A_1419 : vector<1x16xf32> to vector<16xf32>
        %add3A_1421 = arith.addf %add3A_1372, %get3A_1420 : vector<16xf32>
        %add3A_1422 = arith.constant 3 : i32
        %add3A_1423 = arith.addi %mul3A_1232, %add3A_1422 : i32
        %get3A_1424 = arith.index_cast %add3A_1423 : i32 to index
        %get3A_1425 = arith.constant 84 : index
        %get3A_1426 = tpu.vector_load %arg9[%get3A_1424, %get3A_1425] {strides = array<i32>} : memref<200x128xf32, #tpu.memory_space<vmem>>, vector<1x16xf32>,
        %get3A_1427 = vector.shape_cast %get3A_1426 : vector<1x16xf32> to vector<16xf32>
        %add3A_1428 = arith.addf %add3A_1379, %get3A_1427 : vector<16xf32>
        scf.yield %add3A_1386, %add3A_1393, %add3A_1400, %add3A_1407, %add3A_1414, %add3A_1421, %add3A_1428 : vector<16xf32>, vector<16xf32>, vector<16xf32>, vector<16xf32>, vector<16xf32>, vector<16xf32>, vector<16xf32>
      }
      %scan3A_691 = arith.constant 50 : i32
      %rem3A_692 = arith.constant 64 : i32
      %rem3A_693 = arith.remsi %add3A_509, %rem3A_692 : i32
      %mul3A_694 = vector.broadcast %scan3A_326 : f32 to vector<16xf32>
      %mul3A_695 = arith.mulf %scan3A_690#0, %mul3A_694 : vector<16xf32>
      %swap3A_696 = arith.index_cast %rem3A_693 : i32 to index
      %swap3A_697 = arith.constant 0 : index
      %swap3A_698 = tpu.vector_load %arg12[%swap3A_696, %swap3A_697] {strides = array<i32>} : memref<64x128xf32, #tpu.memory_space<vmem>>, vector<1x16xf32>,
      %swap3A_699 = vector.shape_cast %swap3A_698 : vector<1x16xf32> to vector<16xf32>
      %swap3A_700 = vector.shape_cast %mul3A_695 : vector<16xf32> to vector<1x16xf32>
      tpu.vector_store %arg12[%swap3A_696, %swap3A_697], %swap3A_700 {strides = array<i32>} : memref<64x128xf32, #tpu.memory_space<vmem>>, vector<1x16xf32>,
      %mul3A_701 = vector.broadcast %scan3A_326 : f32 to vector<16xf32>
      %mul3A_702 = arith.mulf %scan3A_690#1, %mul3A_701 : vector<16xf32>
      %swap3A_703 = arith.index_cast %rem3A_693 : i32 to index
      %swap3A_704 = arith.constant 16 : index
      %swap3A_705 = tpu.vector_load %arg12[%swap3A_703, %swap3A_704] {strides = array<i32>} : memref<64x128xf32, #tpu.memory_space<vmem>>, vector<1x16xf32>,
      %swap3A_706 = vector.shape_cast %swap3A_705 : vector<1x16xf32> to vector<16xf32>
      %swap3A_707 = vector.shape_cast %mul3A_702 : vector<16xf32> to vector<1x16xf32>
      tpu.vector_store %arg12[%swap3A_703, %swap3A_704], %swap3A_707 {strides = array<i32>} : memref<64x128xf32, #tpu.memory_space<vmem>>, vector<1x16xf32>,
      %mul3A_708 = vector.broadcast %scan3A_326 : f32 to vector<16xf32>
      %mul3A_709 = arith.mulf %scan3A_690#2, %mul3A_708 : vector<16xf32>
      %swap3A_710 = arith.index_cast %rem3A_693 : i32 to index
      %swap3A_711 = arith.constant 32 : index
      %swap3A_712 = tpu.vector_load %arg12[%swap3A_710, %swap3A_711] {strides = array<i32>} : memref<64x128xf32, #tpu.memory_space<vmem>>, vector<1x16xf32>,
      %swap3A_713 = vector.shape_cast %swap3A_712 : vector<1x16xf32> to vector<16xf32>
      %swap3A_714 = vector.shape_cast %mul3A_709 : vector<16xf32> to vector<1x16xf32>
      tpu.vector_store %arg12[%swap3A_710, %swap3A_711], %swap3A_714 {strides = array<i32>} : memref<64x128xf32, #tpu.memory_space<vmem>>, vector<1x16xf32>,
      %mul3A_715 = vector.broadcast %scan3A_326 : f32 to vector<16xf32>
      %mul3A_716 = arith.mulf %scan3A_690#3, %mul3A_715 : vector<16xf32>
      %swap3A_717 = arith.index_cast %rem3A_693 : i32 to index
      %swap3A_718 = arith.constant 48 : index
      %swap3A_719 = tpu.vector_load %arg12[%swap3A_717, %swap3A_718] {strides = array<i32>} : memref<64x128xf32, #tpu.memory_space<vmem>>, vector<1x16xf32>,
      %swap3A_720 = vector.shape_cast %swap3A_719 : vector<1x16xf32> to vector<16xf32>
      %swap3A_721 = vector.shape_cast %mul3A_716 : vector<16xf32> to vector<1x16xf32>
      tpu.vector_store %arg12[%swap3A_717, %swap3A_718], %swap3A_721 {strides = array<i32>} : memref<64x128xf32, #tpu.memory_space<vmem>>, vector<1x16xf32>,
      %mul3A_722 = vector.broadcast %scan3A_326 : f32 to vector<16xf32>
      %mul3A_723 = arith.mulf %scan3A_690#4, %mul3A_722 : vector<16xf32>
      %swap3A_724 = arith.index_cast %rem3A_693 : i32 to index
      %swap3A_725 = arith.constant 64 : index
      %swap3A_726 = tpu.vector_load %arg12[%swap3A_724, %swap3A_725] {strides = array<i32>} : memref<64x128xf32, #tpu.memory_space<vmem>>, vector<1x16xf32>,
      %swap3A_727 = vector.shape_cast %swap3A_726 : vector<1x16xf32> to vector<16xf32>
      %swap3A_728 = vector.shape_cast %mul3A_723 : vector<16xf32> to vector<1x16xf32>
      tpu.vector_store %arg12[%swap3A_724, %swap3A_725], %swap3A_728 {strides = array<i32>} : memref<64x128xf32, #tpu.memory_space<vmem>>, vector<1x16xf32>,
      %mul3A_729 = vector.broadcast %scan3A_326 : f32 to vector<16xf32>
      %mul3A_730 = arith.mulf %scan3A_690#5, %mul3A_729 : vector<16xf32>
      %swap3A_731 = arith.index_cast %rem3A_693 : i32 to index
      %swap3A_732 = arith.constant 80 : index
      %swap3A_733 = tpu.vector_load %arg12[%swap3A_731, %swap3A_732] {strides = array<i32>} : memref<64x128xf32, #tpu.memory_space<vmem>>, vector<1x16xf32>,
      %swap3A_734 = vector.shape_cast %swap3A_733 : vector<1x16xf32> to vector<16xf32>
      %swap3A_735 = vector.shape_cast %mul3A_730 : vector<16xf32> to vector<1x16xf32>
      tpu.vector_store %arg12[%swap3A_731, %swap3A_732], %swap3A_735 {strides = array<i32>} : memref<64x128xf32, #tpu.memory_space<vmem>>, vector<1x16xf32>,
      %mul3A_736 = vector.broadcast %scan3A_326 : f32 to vector<16xf32>
      %mul3A_737 = arith.mulf %scan3A_690#6, %mul3A_736 : vector<16xf32>
      %swap3A_738 = arith.index_cast %rem3A_693 : i32 to index
      %swap3A_739 = arith.constant 84 : index
      %swap3A_740 = tpu.vector_load %arg12[%swap3A_738, %swap3A_739] {strides = array<i32>} : memref<64x128xf32, #tpu.memory_space<vmem>>, vector<1x16xf32>,
      %swap3A_741 = vector.shape_cast %swap3A_740 : vector<1x16xf32> to vector<16xf32>
      %swap3A_742 = vector.shape_cast %mul3A_737 : vector<16xf32> to vector<1x16xf32>
      tpu.vector_store %arg12[%swap3A_738, %swap3A_739], %swap3A_742 {strides = array<i32>} : memref<64x128xf32, #tpu.memory_space<vmem>>, vector<1x16xf32>,
      %mul3A_743 = arith.constant 3 : i32
      %mul3A_744 = arith.muli %mul3A_743, %scan3A_505 : i32
      %add3A_745 = arith.constant 1 : i32
      %add3A_746 = arith.addi %mul3A_744, %add3A_745 : i32
      %add3A_747 = arith.constant 2 : i32
      %add3A_748 = arith.addi %add3A_746, %add3A_747 : i32
      %get3A_749 = arith.index_cast %add3A_748 : i32 to index
      %get3A_750 = arith.constant 0 : index
      %get3A_751 = tpu.vector_load %arg5[%get3A_749, %get3A_750] {strides = array<i32>} : memref<128x200xi32, #tpu.memory_space<vmem>>, vector<1x16xi32>,
      %get3A_752 = vector.shape_cast %get3A_751 : vector<1x16xi32> to vector<16xi32>
      %swap3A_753 = arith.constant 0 : i32
      %swap3A_754 = arith.index_cast %swap3A_753 : i32 to index
      %swap3A_755 = arith.constant 0 : index
      %swap3A_756 = tpu.vector_load %arg6[%swap3A_754, %swap3A_755] {strides = array<i32>} : memref<8x256xi32, #tpu.memory_space<vmem>>, vector<1x16xi32>,
      %swap3A_757 = vector.shape_cast %swap3A_756 : vector<1x16xi32> to vector<16xi32>
      %swap3A_758 = vector.shape_cast %get3A_752 : vector<16xi32> to vector<1x16xi32>
      tpu.vector_store %arg6[%swap3A_754, %swap3A_755], %swap3A_758 {strides = array<i32>} : memref<8x256xi32, #tpu.memory_space<vmem>>, vector<1x16xi32>,
      %get3A_759 = arith.index_cast %add3A_748 : i32 to index
      %get3A_760 = arith.constant 16 : index
      %get3A_761 = tpu.vector_load %arg5[%get3A_759, %get3A_760] {strides = array<i32>} : memref<128x200xi32, #tpu.memory_space<vmem>>, vector<1x16xi32>,
      %get3A_762 = vector.shape_cast %get3A_761 : vector<1x16xi32> to vector<16xi32>
      %swap3A_763 = arith.constant 0 : i32
      %swap3A_764 = arith.index_cast %swap3A_763 : i32 to index
      %swap3A_765 = arith.constant 16 : index
      %swap3A_766 = tpu.vector_load %arg6[%swap3A_764, %swap3A_765] {strides = array<i32>} : memref<8x256xi32, #tpu.memory_space<vmem>>, vector<1x16xi32>,
      %swap3A_767 = vector.shape_cast %swap3A_766 : vector<1x16xi32> to vector<16xi32>
      %swap3A_768 = vector.shape_cast %get3A_762 : vector<16xi32> to vector<1x16xi32>
      tpu.vector_store %arg6[%swap3A_764, %swap3A_765], %swap3A_768 {strides = array<i32>} : memref<8x256xi32, #tpu.memory_space<vmem>>, vector<1x16xi32>,
      %get3A_769 = arith.index_cast %add3A_748 : i32 to index
      %get3A_770 = arith.constant 32 : index
      %get3A_771 = tpu.vector_load %arg5[%get3A_769, %get3A_770] {strides = array<i32>} : memref<128x200xi32, #tpu.memory_space<vmem>>, vector<1x16xi32>,
      %get3A_772 = vector.shape_cast %get3A_771 : vector<1x16xi32> to vector<16xi32>
      %swap3A_773 = arith.constant 0 : i32
      %swap3A_774 = arith.index_cast %swap3A_773 : i32 to index
      %swap3A_775 = arith.constant 32 : index
      %swap3A_776 = tpu.vector_load %arg6[%swap3A_774, %swap3A_775] {strides = array<i32>} : memref<8x256xi32, #tpu.memory_space<vmem>>, vector<1x16xi32>,
      %swap3A_777 = vector.shape_cast %swap3A_776 : vector<1x16xi32> to vector<16xi32>
      %swap3A_778 = vector.shape_cast %get3A_772 : vector<16xi32> to vector<1x16xi32>
      tpu.vector_store %arg6[%swap3A_774, %swap3A_775], %swap3A_778 {strides = array<i32>} : memref<8x256xi32, #tpu.memory_space<vmem>>, vector<1x16xi32>,
      %get3A_779 = arith.index_cast %add3A_748 : i32 to index
      %get3A_780 = arith.constant 48 : index
      %get3A_781 = tpu.vector_load %arg5[%get3A_779, %get3A_780] {strides = array<i32>} : memref<128x200xi32, #tpu.memory_space<vmem>>, vector<1x16xi32>,
      %get3A_782 = vector.shape_cast %get3A_781 : vector<1x16xi32> to vector<16xi32>
      %swap3A_783 = arith.constant 0 : i32
      %swap3A_784 = arith.index_cast %swap3A_783 : i32 to index
      %swap3A_785 = arith.constant 48 : index
      %swap3A_786 = tpu.vector_load %arg6[%swap3A_784, %swap3A_785] {strides = array<i32>} : memref<8x256xi32, #tpu.memory_space<vmem>>, vector<1x16xi32>,
      %swap3A_787 = vector.shape_cast %swap3A_786 : vector<1x16xi32> to vector<16xi32>
      %swap3A_788 = vector.shape_cast %get3A_782 : vector<16xi32> to vector<1x16xi32>
      tpu.vector_store %arg6[%swap3A_784, %swap3A_785], %swap3A_788 {strides = array<i32>} : memref<8x256xi32, #tpu.memory_space<vmem>>, vector<1x16xi32>,
      %get3A_789 = arith.index_cast %add3A_748 : i32 to index
      %get3A_790 = arith.constant 64 : index
      %get3A_791 = tpu.vector_load %arg5[%get3A_789, %get3A_790] {strides = array<i32>} : memref<128x200xi32, #tpu.memory_space<vmem>>, vector<1x16xi32>,
      %get3A_792 = vector.shape_cast %get3A_791 : vector<1x16xi32> to vector<16xi32>
      %swap3A_793 = arith.constant 0 : i32
      %swap3A_794 = arith.index_cast %swap3A_793 : i32 to index
      %swap3A_795 = arith.constant 64 : index
      %swap3A_796 = tpu.vector_load %arg6[%swap3A_794, %swap3A_795] {strides = array<i32>} : memref<8x256xi32, #tpu.memory_space<vmem>>, vector<1x16xi32>,
      %swap3A_797 = vector.shape_cast %swap3A_796 : vector<1x16xi32> to vector<16xi32>
      %swap3A_798 = vector.shape_cast %get3A_792 : vector<16xi32> to vector<1x16xi32>
      tpu.vector_store %arg6[%swap3A_794, %swap3A_795], %swap3A_798 {strides = array<i32>} : memref<8x256xi32, #tpu.memory_space<vmem>>, vector<1x16xi32>,
      %get3A_799 = arith.index_cast %add3A_748 : i32 to index
      %get3A_800 = arith.constant 80 : index
      %get3A_801 = tpu.vector_load %arg5[%get3A_799, %get3A_800] {strides = array<i32>} : memref<128x200xi32, #tpu.memory_space<vmem>>, vector<1x16xi32>,
      %get3A_802 = vector.shape_cast %get3A_801 : vector<1x16xi32> to vector<16xi32>
      %swap3A_803 = arith.constant 0 : i32
      %swap3A_804 = arith.index_cast %swap3A_803 : i32 to index
      %swap3A_805 = arith.constant 80 : index
      %swap3A_806 = tpu.vector_load %arg6[%swap3A_804, %swap3A_805] {strides = array<i32>} : memref<8x256xi32, #tpu.memory_space<vmem>>, vector<1x16xi32>,
      %swap3A_807 = vector.shape_cast %swap3A_806 : vector<1x16xi32> to vector<16xi32>
      %swap3A_808 = vector.shape_cast %get3A_802 : vector<16xi32> to vector<1x16xi32>
      tpu.vector_store %arg6[%swap3A_804, %swap3A_805], %swap3A_808 {strides = array<i32>} : memref<8x256xi32, #tpu.memory_space<vmem>>, vector<1x16xi32>,
      %get3A_809 = arith.index_cast %add3A_748 : i32 to index
      %get3A_810 = arith.constant 96 : index
      %get3A_811 = tpu.vector_load %arg5[%get3A_809, %get3A_810] {strides = array<i32>} : memref<128x200xi32, #tpu.memory_space<vmem>>, vector<1x16xi32>,
      %get3A_812 = vector.shape_cast %get3A_811 : vector<1x16xi32> to vector<16xi32>
      %swap3A_813 = arith.constant 0 : i32
      %swap3A_814 = arith.index_cast %swap3A_813 : i32 to index
      %swap3A_815 = arith.constant 96 : index
      %swap3A_816 = tpu.vector_load %arg6[%swap3A_814, %swap3A_815] {strides = array<i32>} : memref<8x256xi32, #tpu.memory_space<vmem>>, vector<1x16xi32>,
      %swap3A_817 = vector.shape_cast %swap3A_816 : vector<1x16xi32> to vector<16xi32>
      %swap3A_818 = vector.shape_cast %get3A_812 : vector<16xi32> to vector<1x16xi32>
      tpu.vector_store %arg6[%swap3A_814, %swap3A_815], %swap3A_818 {strides = array<i32>} : memref<8x256xi32, #tpu.memory_space<vmem>>, vector<1x16xi32>,
      %get3A_819 = arith.index_cast %add3A_748 : i32 to index
      %get3A_820 = arith.constant 112 : index
      %get3A_821 = tpu.vector_load %arg5[%get3A_819, %get3A_820] {strides = array<i32>} : memref<128x200xi32, #tpu.memory_space<vmem>>, vector<1x16xi32>,
      %get3A_822 = vector.shape_cast %get3A_821 : vector<1x16xi32> to vector<16xi32>
      %swap3A_823 = arith.constant 0 : i32
      %swap3A_824 = arith.index_cast %swap3A_823 : i32 to index
      %swap3A_825 = arith.constant 112 : index
      %swap3A_826 = tpu.vector_load %arg6[%swap3A_824, %swap3A_825] {strides = array<i32>} : memref<8x256xi32, #tpu.memory_space<vmem>>, vector<1x16xi32>,
      %swap3A_827 = vector.shape_cast %swap3A_826 : vector<1x16xi32> to vector<16xi32>
      %swap3A_828 = vector.shape_cast %get3A_822 : vector<16xi32> to vector<1x16xi32>
      tpu.vector_store %arg6[%swap3A_824, %swap3A_825], %swap3A_828 {strides = array<i32>} : memref<8x256xi32, #tpu.memory_space<vmem>>, vector<1x16xi32>,
      %get3A_829 = arith.index_cast %add3A_748 : i32 to index
      %get3A_830 = arith.constant 128 : index
      %get3A_831 = tpu.vector_load %arg5[%get3A_829, %get3A_830] {strides = array<i32>} : memref<128x200xi32, #tpu.memory_space<vmem>>, vector<1x16xi32>,
      %get3A_832 = vector.shape_cast %get3A_831 : vector<1x16xi32> to vector<16xi32>
      %swap3A_833 = arith.constant 0 : i32
      %swap3A_834 = arith.index_cast %swap3A_833 : i32 to index
      %swap3A_835 = arith.constant 128 : index
      %swap3A_836 = tpu.vector_load %arg6[%swap3A_834, %swap3A_835] {strides = array<i32>} : memref<8x256xi32, #tpu.memory_space<vmem>>, vector<1x16xi32>,
      %swap3A_837 = vector.shape_cast %swap3A_836 : vector<1x16xi32> to vector<16xi32>
      %swap3A_838 = vector.shape_cast %get3A_832 : vector<16xi32> to vector<1x16xi32>
      tpu.vector_store %arg6[%swap3A_834, %swap3A_835], %swap3A_838 {strides = array<i32>} : memref<8x256xi32, #tpu.memory_space<vmem>>, vector<1x16xi32>,
      %get3A_839 = arith.index_cast %add3A_748 : i32 to index
      %get3A_840 = arith.constant 144 : index
      %get3A_841 = tpu.vector_load %arg5[%get3A_839, %get3A_840] {strides = array<i32>} : memref<128x200xi32, #tpu.memory_space<vmem>>, vector<1x16xi32>,
      %get3A_842 = vector.shape_cast %get3A_841 : vector<1x16xi32> to vector<16xi32>
      %swap3A_843 = arith.constant 0 : i32
      %swap3A_844 = arith.index_cast %swap3A_843 : i32 to index
      %swap3A_845 = arith.constant 144 : index
      %swap3A_846 = tpu.vector_load %arg6[%swap3A_844, %swap3A_845] {strides = array<i32>} : memref<8x256xi32, #tpu.memory_space<vmem>>, vector<1x16xi32>,
      %swap3A_847 = vector.shape_cast %swap3A_846 : vector<1x16xi32> to vector<16xi32>
      %swap3A_848 = vector.shape_cast %get3A_842 : vector<16xi32> to vector<1x16xi32>
      tpu.vector_store %arg6[%swap3A_844, %swap3A_845], %swap3A_848 {strides = array<i32>} : memref<8x256xi32, #tpu.memory_space<vmem>>, vector<1x16xi32>,
      %get3A_849 = arith.index_cast %add3A_748 : i32 to index
      %get3A_850 = arith.constant 160 : index
      %get3A_851 = tpu.vector_load %arg5[%get3A_849, %get3A_850] {strides = array<i32>} : memref<128x200xi32, #tpu.memory_space<vmem>>, vector<1x16xi32>,
      %get3A_852 = vector.shape_cast %get3A_851 : vector<1x16xi32> to vector<16xi32>
      %swap3A_853 = arith.constant 0 : i32
      %swap3A_854 = arith.index_cast %swap3A_853 : i32 to index
      %swap3A_855 = arith.constant 160 : index
      %swap3A_856 = tpu.vector_load %arg6[%swap3A_854, %swap3A_855] {strides = array<i32>} : memref<8x256xi32, #tpu.memory_space<vmem>>, vector<1x16xi32>,
      %swap3A_857 = vector.shape_cast %swap3A_856 : vector<1x16xi32> to vector<16xi32>
      %swap3A_858 = vector.shape_cast %get3A_852 : vector<16xi32> to vector<1x16xi32>
      tpu.vector_store %arg6[%swap3A_854, %swap3A_855], %swap3A_858 {strides = array<i32>} : memref<8x256xi32, #tpu.memory_space<vmem>>, vector<1x16xi32>,
      %get3A_859 = arith.index_cast %add3A_748 : i32 to index
      %get3A_860 = arith.constant 176 : index
      %get3A_861 = tpu.vector_load %arg5[%get3A_859, %get3A_860] {strides = array<i32>} : memref<128x200xi32, #tpu.memory_space<vmem>>, vector<1x16xi32>,
      %get3A_862 = vector.shape_cast %get3A_861 : vector<1x16xi32> to vector<16xi32>
      %swap3A_863 = arith.constant 0 : i32
      %swap3A_864 = arith.index_cast %swap3A_863 : i32 to index
      %swap3A_865 = arith.constant 176 : index
      %swap3A_866 = tpu.vector_load %arg6[%swap3A_864, %swap3A_865] {strides = array<i32>} : memref<8x256xi32, #tpu.memory_space<vmem>>, vector<1x16xi32>,
      %swap3A_867 = vector.shape_cast %swap3A_866 : vector<1x16xi32> to vector<16xi32>
      %swap3A_868 = vector.shape_cast %get3A_862 : vector<16xi32> to vector<1x16xi32>
      tpu.vector_store %arg6[%swap3A_864, %swap3A_865], %swap3A_868 {strides = array<i32>} : memref<8x256xi32, #tpu.memory_space<vmem>>, vector<1x16xi32>,
      %get3A_869 = arith.index_cast %add3A_748 : i32 to index
      %get3A_870 = arith.constant 184 : index
      %get3A_871 = tpu.vector_load %arg5[%get3A_869, %get3A_870] {strides = array<i32>} : memref<128x200xi32, #tpu.memory_space<vmem>>, vector<1x16xi32>,
      %get3A_872 = vector.shape_cast %get3A_871 : vector<1x16xi32> to vector<16xi32>
      %swap3A_873 = arith.constant 0 : i32
      %swap3A_874 = arith.index_cast %swap3A_873 : i32 to index
      %swap3A_875 = arith.constant 184 : index
      %swap3A_876 = tpu.vector_load %arg6[%swap3A_874, %swap3A_875] {strides = array<i32>} : memref<8x256xi32, #tpu.memory_space<vmem>>, vector<1x16xi32>,
      %swap3A_877 = vector.shape_cast %swap3A_876 : vector<1x16xi32> to vector<16xi32>
      %swap3A_878 = vector.shape_cast %get3A_872 : vector<16xi32> to vector<1x16xi32>
      tpu.vector_store %arg6[%swap3A_874, %swap3A_875], %swap3A_878 {strides = array<i32>} : memref<8x256xi32, #tpu.memory_space<vmem>>, vector<1x16xi32>,
      %dma_start3A_879 = arith.constant 0 : i32
      %dma_start3A_880 = arith.constant 0 : i32
      %dma_start3A_881 = arith.constant 0 : i32
      %dma_start3A_882 = tpu.memref_slice %arg9[%dma_start3A_880, %dma_start3A_881] : memref<200x128xf32, #tpu.memory_space<vmem>> -> memref<128x128xf32, #tpu.memory_space<vmem>>
      %dma_start3A_883 = arith.constant 0 : i32
      %dma_start3A_884 = tpu.memref_slice %arg6[%dma_start3A_879, %dma_start3A_883] : memref<8x256xi32, #tpu.memory_space<vmem>> -> memref<1x128xi32, #tpu.memory_space<vmem>>
      %dma_start3A_885 = tpu.memref_squeeze %dma_start3A_884 : memref<1x128xi32, #tpu.memory_space<vmem>> -> memref<128xi32, #tpu.memory_space<vmem>>
      %dma_start3A_886 = arith.constant 0 : i32
      %dma_start3A_887 = arith.constant 0 : i32
      %dma_start3A_888 = tpu.memref_slice %arg3[%dma_start3A_886, %dma_start3A_887] : memref<400000x128xf32, #tpu.memory_space<hbm>> -> memref<400000x128xf32, #tpu.memory_space<hbm>>
      tpu.enqueue_indirect_dma source(%dma_start3A_888 : memref<400000x128xf32, #tpu.memory_space<hbm>>) target(%dma_start3A_882 : memref<128x128xf32, #tpu.memory_space<vmem>>) offsets(%dma_start3A_885 : memref<128xi32, #tpu.memory_space<vmem>>) semaphore(%arg13 : memref<!tpu.dma_semaphore, #tpu.memory_space<semaphore_mem>>)
      %dma_start3A_889 = arith.constant 0 : i32
      %dma_start3A_890 = arith.constant 128 : i32
      %dma_start3A_891 = arith.constant 0 : i32
      %dma_start3A_892 = tpu.memref_slice %arg9[%dma_start3A_890, %dma_start3A_891] : memref<200x128xf32, #tpu.memory_space<vmem>> -> memref<72x128xf32, #tpu.memory_space<vmem>>
      %dma_start3A_893 = arith.constant 128 : i32
      %dma_start3A_894 = tpu.memref_slice %arg6[%dma_start3A_889, %dma_start3A_893] : memref<8x256xi32, #tpu.memory_space<vmem>> -> memref<1x72xi32, #tpu.memory_space<vmem>>
      %dma_start3A_895 = tpu.memref_squeeze %dma_start3A_894 : memref<1x72xi32, #tpu.memory_space<vmem>> -> memref<72xi32, #tpu.memory_space<vmem>>
      %dma_start3A_896 = arith.constant 0 : i32
      %dma_start3A_897 = arith.constant 0 : i32
      %dma_start3A_898 = tpu.memref_slice %arg3[%dma_start3A_896, %dma_start3A_897] : memref<400000x128xf32, #tpu.memory_space<hbm>> -> memref<400000x128xf32, #tpu.memory_space<hbm>>
      tpu.enqueue_indirect_dma source(%dma_start3A_898 : memref<400000x128xf32, #tpu.memory_space<hbm>>) target(%dma_start3A_892 : memref<72x128xf32, #tpu.memory_space<vmem>>) offsets(%dma_start3A_895 : memref<72xi32, #tpu.memory_space<vmem>>) semaphore(%arg13 : memref<!tpu.dma_semaphore, #tpu.memory_space<semaphore_mem>>)
      %dma_wait3A_899 = arith.constant 0 : i32
      %dma_wait3A_900 = arith.constant 0 : i32
      %dma_wait3A_901 = arith.constant 0 : i32
      %dma_wait3A_902 = tpu.memref_slice %arg10[%dma_wait3A_900, %dma_wait3A_901] : memref<200x128xf32, #tpu.memory_space<vmem>> -> memref<128x128xf32, #tpu.memory_space<vmem>>
      %dma_wait3A_903 = arith.constant 0 : i32
      %dma_wait3A_904 = tpu.memref_slice %arg7[%dma_wait3A_899, %dma_wait3A_903] : memref<8x256xi32, #tpu.memory_space<vmem>> -> memref<1x128xi32, #tpu.memory_space<vmem>>
      %dma_wait3A_905 = tpu.memref_squeeze %dma_wait3A_904 : memref<1x128xi32, #tpu.memory_space<vmem>> -> memref<128xi32, #tpu.memory_space<vmem>>
      %dma_wait3A_906 = arith.constant 0 : i32
      %dma_wait3A_907 = arith.constant 0 : i32
      %dma_wait3A_908 = tpu.memref_slice %arg3[%dma_wait3A_906, %dma_wait3A_907] : memref<400000x128xf32, #tpu.memory_space<hbm>> -> memref<400000x128xf32, #tpu.memory_space<hbm>>
      tpu.wait_indirect_dma semaphore(%arg14 : memref<!tpu.dma_semaphore, #tpu.memory_space<semaphore_mem>>) src(%dma_wait3A_908 : memref<400000x128xf32, #tpu.memory_space<hbm>>) dst(%dma_wait3A_902 : memref<128x128xf32, #tpu.memory_space<vmem>>)
      %dma_wait3A_909 = arith.constant 0 : i32
      %dma_wait3A_910 = arith.constant 128 : i32
      %dma_wait3A_911 = arith.constant 0 : i32
      %dma_wait3A_912 = tpu.memref_slice %arg10[%dma_wait3A_910, %dma_wait3A_911] : memref<200x128xf32, #tpu.memory_space<vmem>> -> memref<72x128xf32, #tpu.memory_space<vmem>>
      %dma_wait3A_913 = arith.constant 128 : i32
      %dma_wait3A_914 = tpu.memref_slice %arg7[%dma_wait3A_909, %dma_wait3A_913] : memref<8x256xi32, #tpu.memory_space<vmem>> -> memref<1x72xi32, #tpu.memory_space<vmem>>
      %dma_wait3A_915 = tpu.memref_squeeze %dma_wait3A_914 : memref<1x72xi32, #tpu.memory_space<vmem>> -> memref<72xi32, #tpu.memory_space<vmem>>
      %dma_wait3A_916 = arith.constant 0 : i32
      %dma_wait3A_917 = arith.constant 0 : i32
      %dma_wait3A_918 = tpu.memref_slice %arg3[%dma_wait3A_916, %dma_wait3A_917] : memref<400000x128xf32, #tpu.memory_space<hbm>> -> memref<400000x128xf32, #tpu.memory_space<hbm>>
      tpu.wait_indirect_dma semaphore(%arg14 : memref<!tpu.dma_semaphore, #tpu.memory_space<semaphore_mem>>) src(%dma_wait3A_918 : memref<400000x128xf32, #tpu.memory_space<hbm>>) dst(%dma_wait3A_912 : memref<72x128xf32, #tpu.memory_space<vmem>>)
      %eq3A_919 = arith.constant 64 : i32
      %eq3A_920 = arith.cmpi eq, %add3A_746, %eq3A_919 : i32
      %convert_element_type3A_921 = arith.extui %eq3A_920 : i1 to i32
      %cond3A_922 = arith.constant 0 : i32
      %cond3A_923 = arith.cmpi ne, %convert_element_type3A_921, %cond3A_922 : i32
      scf.if %cond3A_923 {
        "tpu.region"() ({
          %run_scoped3A = tpu.sem_alloc : memref<!tpu.dma_semaphore, #tpu.memory_space<semaphore_mem>>
          %dma_start3A_1223 = arith.constant 0 : i32
          %dma_start3A_1224 = tpu.memref_slice %arg4[%mul3A_2, %dma_start3A_1223] : memref<4096x128xf32, #tpu.memory_space<hbm>> -> memref<64x128xf32, #tpu.memory_space<hbm>>
          %dma_start3A_1225 = arith.constant 0 : i32
          %dma_start3A_1226 = tpu.memref_slice %arg4[%mul3A_2, %dma_start3A_1225] : memref<4096x128xf32, #tpu.memory_space<hbm>> -> memref<64x128xf32, #tpu.memory_space<hbm>>
          tpu.enqueue_dma source(%arg12 : memref<64x128xf32, #tpu.memory_space<vmem>>) target(%dma_start3A_1226 : memref<64x128xf32, #tpu.memory_space<hbm>>) target_semaphore(%run_scoped3A : memref<!tpu.dma_semaphore, #tpu.memory_space<semaphore_mem>>)
          %dma_wait3A_1227 = arith.constant 0 : i32
          %dma_wait3A_1228 = tpu.memref_slice %arg4[%mul3A_2, %dma_wait3A_1227] : memref<4096x128xf32, #tpu.memory_space<hbm>> -> memref<64x128xf32, #tpu.memory_space<hbm>>
          %dma_wait3A_1229 = arith.constant 0 : i32
          %dma_wait3A_1230 = tpu.memref_slice %arg4[%mul3A_2, %dma_wait3A_1229] : memref<4096x128xf32, #tpu.memory_space<hbm>> -> memref<64x128xf32, #tpu.memory_space<hbm>>
          tpu.wait_dma2 semaphore(%run_scoped3A : memref<!tpu.dma_semaphore, #tpu.memory_space<semaphore_mem>>) src(%arg12 : memref<64x128xf32, #tpu.memory_space<vmem>>) dst(%dma_wait3A_1230 : memref<64x128xf32, #tpu.memory_space<hbm>>)
          tpu.yield
        }) : () -> ()
      } else {
      }
      %broadcast_in_dim3A_924 = arith.constant 0.000000e+00 : f32
      %broadcast_in_dim3A_925 = vector.broadcast %broadcast_in_dim3A_924 : f32 to vector<16xf32>
      %scan3A_926 = arith.constant 0 : i32
      %scan3A_927 = arith.constant 50 : i32
      %scan3A_928 = arith.addi %scan3A_926, %scan3A_927 : i32
      %scan3A_929 = arith.constant 1 : i32
      %scan3A_930:7 = scf.for %scan3A_1223 = %scan3A_926 to %scan3A_928 step %scan3A_929 iter_args(%scan3A_1224 = %broadcast_in_dim3A_925, %scan3A_1225 = %broadcast_in_dim3A_925, %scan3A_1226 = %broadcast_in_dim3A_925, %scan3A_1227 = %broadcast_in_dim3A_925, %scan3A_1228 = %broadcast_in_dim3A_925, %scan3A_1229 = %broadcast_in_dim3A_925, %scan3A_1230 = %broadcast_in_dim3A_925) -> (vector<16xf32>, vector<16xf32>, vector<16xf32>, vector<16xf32>, vector<16xf32>, vector<16xf32>, vector<16xf32>)  : i32 {
        %mul3A_1231 = arith.constant 4 : i32
        %mul3A_1232 = arith.muli %scan3A_1223, %mul3A_1231 : i32
        %add3A_1233 = arith.constant 0 : i32
        %add3A_1234 = arith.addi %mul3A_1232, %add3A_1233 : i32
        %get3A_1235 = arith.index_cast %add3A_1234 : i32 to index
        %get3A_1236 = arith.constant 0 : index
        %get3A_1237 = tpu.vector_load %arg10[%get3A_1235, %get3A_1236] {strides = array<i32>} : memref<200x128xf32, #tpu.memory_space<vmem>>, vector<1x16xf32>,
        %get3A_1238 = vector.shape_cast %get3A_1237 : vector<1x16xf32> to vector<16xf32>
        %add3A_1239 = arith.addf %scan3A_1224, %get3A_1238 : vector<16xf32>
        %add3A_1240 = arith.constant 0 : i32
        %add3A_1241 = arith.addi %mul3A_1232, %add3A_1240 : i32
        %get3A_1242 = arith.index_cast %add3A_1241 : i32 to index
        %get3A_1243 = arith.constant 16 : index
        %get3A_1244 = tpu.vector_load %arg10[%get3A_1242, %get3A_1243] {strides = array<i32>} : memref<200x128xf32, #tpu.memory_space<vmem>>, vector<1x16xf32>,
        %get3A_1245 = vector.shape_cast %get3A_1244 : vector<1x16xf32> to vector<16xf32>
        %add3A_1246 = arith.addf %scan3A_1225, %get3A_1245 : vector<16xf32>
        %add3A_1247 = arith.constant 0 : i32
        %add3A_1248 = arith.addi %mul3A_1232, %add3A_1247 : i32
        %get3A_1249 = arith.index_cast %add3A_1248 : i32 to index
        %get3A_1250 = arith.constant 32 : index
        %get3A_1251 = tpu.vector_load %arg10[%get3A_1249, %get3A_1250] {strides = array<i32>} : memref<200x128xf32, #tpu.memory_space<vmem>>, vector<1x16xf32>,
        %get3A_1252 = vector.shape_cast %get3A_1251 : vector<1x16xf32> to vector<16xf32>
        %add3A_1253 = arith.addf %scan3A_1226, %get3A_1252 : vector<16xf32>
        %add3A_1254 = arith.constant 0 : i32
        %add3A_1255 = arith.addi %mul3A_1232, %add3A_1254 : i32
        %get3A_1256 = arith.index_cast %add3A_1255 : i32 to index
        %get3A_1257 = arith.constant 48 : index
        %get3A_1258 = tpu.vector_load %arg10[%get3A_1256, %get3A_1257] {strides = array<i32>} : memref<200x128xf32, #tpu.memory_space<vmem>>, vector<1x16xf32>,
        %get3A_1259 = vector.shape_cast %get3A_1258 : vector<1x16xf32> to vector<16xf32>
        %add3A_1260 = arith.addf %scan3A_1227, %get3A_1259 : vector<16xf32>
        %add3A_1261 = arith.constant 0 : i32
        %add3A_1262 = arith.addi %mul3A_1232, %add3A_1261 : i32
        %get3A_1263 = arith.index_cast %add3A_1262 : i32 to index
        %get3A_1264 = arith.constant 64 : index
        %get3A_1265 = tpu.vector_load %arg10[%get3A_1263, %get3A_1264] {strides = array<i32>} : memref<200x128xf32, #tpu.memory_space<vmem>>, vector<1x16xf32>,
        %get3A_1266 = vector.shape_cast %get3A_1265 : vector<1x16xf32> to vector<16xf32>
        %add3A_1267 = arith.addf %scan3A_1228, %get3A_1266 : vector<16xf32>
        %add3A_1268 = arith.constant 0 : i32
        %add3A_1269 = arith.addi %mul3A_1232, %add3A_1268 : i32
        %get3A_1270 = arith.index_cast %add3A_1269 : i32 to index
        %get3A_1271 = arith.constant 80 : index
        %get3A_1272 = tpu.vector_load %arg10[%get3A_1270, %get3A_1271] {strides = array<i32>} : memref<200x128xf32, #tpu.memory_space<vmem>>, vector<1x16xf32>,
        %get3A_1273 = vector.shape_cast %get3A_1272 : vector<1x16xf32> to vector<16xf32>
        %add3A_1274 = arith.addf %scan3A_1229, %get3A_1273 : vector<16xf32>
        %add3A_1275 = arith.constant 0 : i32
        %add3A_1276 = arith.addi %mul3A_1232, %add3A_1275 : i32
        %get3A_1277 = arith.index_cast %add3A_1276 : i32 to index
        %get3A_1278 = arith.constant 84 : index
        %get3A_1279 = tpu.vector_load %arg10[%get3A_1277, %get3A_1278] {strides = array<i32>} : memref<200x128xf32, #tpu.memory_space<vmem>>, vector<1x16xf32>,
        %get3A_1280 = vector.shape_cast %get3A_1279 : vector<1x16xf32> to vector<16xf32>
        %add3A_1281 = arith.addf %scan3A_1230, %get3A_1280 : vector<16xf32>
        %add3A_1282 = arith.constant 1 : i32
        %add3A_1283 = arith.addi %mul3A_1232, %add3A_1282 : i32
        %get3A_1284 = arith.index_cast %add3A_1283 : i32 to index
        %get3A_1285 = arith.constant 0 : index
        %get3A_1286 = tpu.vector_load %arg10[%get3A_1284, %get3A_1285] {strides = array<i32>} : memref<200x128xf32, #tpu.memory_space<vmem>>, vector<1x16xf32>,
        %get3A_1287 = vector.shape_cast %get3A_1286 : vector<1x16xf32> to vector<16xf32>
        %add3A_1288 = arith.addf %add3A_1239, %get3A_1287 : vector<16xf32>
        %add3A_1289 = arith.constant 1 : i32
        %add3A_1290 = arith.addi %mul3A_1232, %add3A_1289 : i32
        %get3A_1291 = arith.index_cast %add3A_1290 : i32 to index
        %get3A_1292 = arith.constant 16 : index
        %get3A_1293 = tpu.vector_load %arg10[%get3A_1291, %get3A_1292] {strides = array<i32>} : memref<200x128xf32, #tpu.memory_space<vmem>>, vector<1x16xf32>,
        %get3A_1294 = vector.shape_cast %get3A_1293 : vector<1x16xf32> to vector<16xf32>
        %add3A_1295 = arith.addf %add3A_1246, %get3A_1294 : vector<16xf32>
        %add3A_1296 = arith.constant 1 : i32
        %add3A_1297 = arith.addi %mul3A_1232, %add3A_1296 : i32
        %get3A_1298 = arith.index_cast %add3A_1297 : i32 to index
        %get3A_1299 = arith.constant 32 : index
        %get3A_1300 = tpu.vector_load %arg10[%get3A_1298, %get3A_1299] {strides = array<i32>} : memref<200x128xf32, #tpu.memory_space<vmem>>, vector<1x16xf32>,
        %get3A_1301 = vector.shape_cast %get3A_1300 : vector<1x16xf32> to vector<16xf32>
        %add3A_1302 = arith.addf %add3A_1253, %get3A_1301 : vector<16xf32>
        %add3A_1303 = arith.constant 1 : i32
        %add3A_1304 = arith.addi %mul3A_1232, %add3A_1303 : i32
        %get3A_1305 = arith.index_cast %add3A_1304 : i32 to index
        %get3A_1306 = arith.constant 48 : index
        %get3A_1307 = tpu.vector_load %arg10[%get3A_1305, %get3A_1306] {strides = array<i32>} : memref<200x128xf32, #tpu.memory_space<vmem>>, vector<1x16xf32>,
        %get3A_1308 = vector.shape_cast %get3A_1307 : vector<1x16xf32> to vector<16xf32>
        %add3A_1309 = arith.addf %add3A_1260, %get3A_1308 : vector<16xf32>
        %add3A_1310 = arith.constant 1 : i32
        %add3A_1311 = arith.addi %mul3A_1232, %add3A_1310 : i32
        %get3A_1312 = arith.index_cast %add3A_1311 : i32 to index
        %get3A_1313 = arith.constant 64 : index
        %get3A_1314 = tpu.vector_load %arg10[%get3A_1312, %get3A_1313] {strides = array<i32>} : memref<200x128xf32, #tpu.memory_space<vmem>>, vector<1x16xf32>,
        %get3A_1315 = vector.shape_cast %get3A_1314 : vector<1x16xf32> to vector<16xf32>
        %add3A_1316 = arith.addf %add3A_1267, %get3A_1315 : vector<16xf32>
        %add3A_1317 = arith.constant 1 : i32
        %add3A_1318 = arith.addi %mul3A_1232, %add3A_1317 : i32
        %get3A_1319 = arith.index_cast %add3A_1318 : i32 to index
        %get3A_1320 = arith.constant 80 : index
        %get3A_1321 = tpu.vector_load %arg10[%get3A_1319, %get3A_1320] {strides = array<i32>} : memref<200x128xf32, #tpu.memory_space<vmem>>, vector<1x16xf32>,
        %get3A_1322 = vector.shape_cast %get3A_1321 : vector<1x16xf32> to vector<16xf32>
        %add3A_1323 = arith.addf %add3A_1274, %get3A_1322 : vector<16xf32>
        %add3A_1324 = arith.constant 1 : i32
        %add3A_1325 = arith.addi %mul3A_1232, %add3A_1324 : i32
        %get3A_1326 = arith.index_cast %add3A_1325 : i32 to index
        %get3A_1327 = arith.constant 84 : index
        %get3A_1328 = tpu.vector_load %arg10[%get3A_1326, %get3A_1327] {strides = array<i32>} : memref<200x128xf32, #tpu.memory_space<vmem>>, vector<1x16xf32>,
        %get3A_1329 = vector.shape_cast %get3A_1328 : vector<1x16xf32> to vector<16xf32>
        %add3A_1330 = arith.addf %add3A_1281, %get3A_1329 : vector<16xf32>
        %add3A_1331 = arith.constant 2 : i32
        %add3A_1332 = arith.addi %mul3A_1232, %add3A_1331 : i32
        %get3A_1333 = arith.index_cast %add3A_1332 : i32 to index
        %get3A_1334 = arith.constant 0 : index
        %get3A_1335 = tpu.vector_load %arg10[%get3A_1333, %get3A_1334] {strides = array<i32>} : memref<200x128xf32, #tpu.memory_space<vmem>>, vector<1x16xf32>,
        %get3A_1336 = vector.shape_cast %get3A_1335 : vector<1x16xf32> to vector<16xf32>
        %add3A_1337 = arith.addf %add3A_1288, %get3A_1336 : vector<16xf32>
        %add3A_1338 = arith.constant 2 : i32
        %add3A_1339 = arith.addi %mul3A_1232, %add3A_1338 : i32
        %get3A_1340 = arith.index_cast %add3A_1339 : i32 to index
        %get3A_1341 = arith.constant 16 : index
        %get3A_1342 = tpu.vector_load %arg10[%get3A_1340, %get3A_1341] {strides = array<i32>} : memref<200x128xf32, #tpu.memory_space<vmem>>, vector<1x16xf32>,
        %get3A_1343 = vector.shape_cast %get3A_1342 : vector<1x16xf32> to vector<16xf32>
        %add3A_1344 = arith.addf %add3A_1295, %get3A_1343 : vector<16xf32>
        %add3A_1345 = arith.constant 2 : i32
        %add3A_1346 = arith.addi %mul3A_1232, %add3A_1345 : i32
        %get3A_1347 = arith.index_cast %add3A_1346 : i32 to index
        %get3A_1348 = arith.constant 32 : index
        %get3A_1349 = tpu.vector_load %arg10[%get3A_1347, %get3A_1348] {strides = array<i32>} : memref<200x128xf32, #tpu.memory_space<vmem>>, vector<1x16xf32>,
        %get3A_1350 = vector.shape_cast %get3A_1349 : vector<1x16xf32> to vector<16xf32>
        %add3A_1351 = arith.addf %add3A_1302, %get3A_1350 : vector<16xf32>
        %add3A_1352 = arith.constant 2 : i32
        %add3A_1353 = arith.addi %mul3A_1232, %add3A_1352 : i32
        %get3A_1354 = arith.index_cast %add3A_1353 : i32 to index
        %get3A_1355 = arith.constant 48 : index
        %get3A_1356 = tpu.vector_load %arg10[%get3A_1354, %get3A_1355] {strides = array<i32>} : memref<200x128xf32, #tpu.memory_space<vmem>>, vector<1x16xf32>,
        %get3A_1357 = vector.shape_cast %get3A_1356 : vector<1x16xf32> to vector<16xf32>
        %add3A_1358 = arith.addf %add3A_1309, %get3A_1357 : vector<16xf32>
        %add3A_1359 = arith.constant 2 : i32
        %add3A_1360 = arith.addi %mul3A_1232, %add3A_1359 : i32
        %get3A_1361 = arith.index_cast %add3A_1360 : i32 to index
        %get3A_1362 = arith.constant 64 : index
        %get3A_1363 = tpu.vector_load %arg10[%get3A_1361, %get3A_1362] {strides = array<i32>} : memref<200x128xf32, #tpu.memory_space<vmem>>, vector<1x16xf32>,
        %get3A_1364 = vector.shape_cast %get3A_1363 : vector<1x16xf32> to vector<16xf32>
        %add3A_1365 = arith.addf %add3A_1316, %get3A_1364 : vector<16xf32>
        %add3A_1366 = arith.constant 2 : i32
        %add3A_1367 = arith.addi %mul3A_1232, %add3A_1366 : i32
        %get3A_1368 = arith.index_cast %add3A_1367 : i32 to index
        %get3A_1369 = arith.constant 80 : index
        %get3A_1370 = tpu.vector_load %arg10[%get3A_1368, %get3A_1369] {strides = array<i32>} : memref<200x128xf32, #tpu.memory_space<vmem>>, vector<1x16xf32>,
        %get3A_1371 = vector.shape_cast %get3A_1370 : vector<1x16xf32> to vector<16xf32>
        %add3A_1372 = arith.addf %add3A_1323, %get3A_1371 : vector<16xf32>
        %add3A_1373 = arith.constant 2 : i32
        %add3A_1374 = arith.addi %mul3A_1232, %add3A_1373 : i32
        %get3A_1375 = arith.index_cast %add3A_1374 : i32 to index
        %get3A_1376 = arith.constant 84 : index
        %get3A_1377 = tpu.vector_load %arg10[%get3A_1375, %get3A_1376] {strides = array<i32>} : memref<200x128xf32, #tpu.memory_space<vmem>>, vector<1x16xf32>,
        %get3A_1378 = vector.shape_cast %get3A_1377 : vector<1x16xf32> to vector<16xf32>
        %add3A_1379 = arith.addf %add3A_1330, %get3A_1378 : vector<16xf32>
        %add3A_1380 = arith.constant 3 : i32
        %add3A_1381 = arith.addi %mul3A_1232, %add3A_1380 : i32
        %get3A_1382 = arith.index_cast %add3A_1381 : i32 to index
        %get3A_1383 = arith.constant 0 : index
        %get3A_1384 = tpu.vector_load %arg10[%get3A_1382, %get3A_1383] {strides = array<i32>} : memref<200x128xf32, #tpu.memory_space<vmem>>, vector<1x16xf32>,
        %get3A_1385 = vector.shape_cast %get3A_1384 : vector<1x16xf32> to vector<16xf32>
        %add3A_1386 = arith.addf %add3A_1337, %get3A_1385 : vector<16xf32>
        %add3A_1387 = arith.constant 3 : i32
        %add3A_1388 = arith.addi %mul3A_1232, %add3A_1387 : i32
        %get3A_1389 = arith.index_cast %add3A_1388 : i32 to index
        %get3A_1390 = arith.constant 16 : index
        %get3A_1391 = tpu.vector_load %arg10[%get3A_1389, %get3A_1390] {strides = array<i32>} : memref<200x128xf32, #tpu.memory_space<vmem>>, vector<1x16xf32>,
        %get3A_1392 = vector.shape_cast %get3A_1391 : vector<1x16xf32> to vector<16xf32>
        %add3A_1393 = arith.addf %add3A_1344, %get3A_1392 : vector<16xf32>
        %add3A_1394 = arith.constant 3 : i32
        %add3A_1395 = arith.addi %mul3A_1232, %add3A_1394 : i32
        %get3A_1396 = arith.index_cast %add3A_1395 : i32 to index
        %get3A_1397 = arith.constant 32 : index
        %get3A_1398 = tpu.vector_load %arg10[%get3A_1396, %get3A_1397] {strides = array<i32>} : memref<200x128xf32, #tpu.memory_space<vmem>>, vector<1x16xf32>,
        %get3A_1399 = vector.shape_cast %get3A_1398 : vector<1x16xf32> to vector<16xf32>
        %add3A_1400 = arith.addf %add3A_1351, %get3A_1399 : vector<16xf32>
        %add3A_1401 = arith.constant 3 : i32
        %add3A_1402 = arith.addi %mul3A_1232, %add3A_1401 : i32
        %get3A_1403 = arith.index_cast %add3A_1402 : i32 to index
        %get3A_1404 = arith.constant 48 : index
        %get3A_1405 = tpu.vector_load %arg10[%get3A_1403, %get3A_1404] {strides = array<i32>} : memref<200x128xf32, #tpu.memory_space<vmem>>, vector<1x16xf32>,
        %get3A_1406 = vector.shape_cast %get3A_1405 : vector<1x16xf32> to vector<16xf32>
        %add3A_1407 = arith.addf %add3A_1358, %get3A_1406 : vector<16xf32>
        %add3A_1408 = arith.constant 3 : i32
        %add3A_1409 = arith.addi %mul3A_1232, %add3A_1408 : i32
        %get3A_1410 = arith.index_cast %add3A_1409 : i32 to index
        %get3A_1411 = arith.constant 64 : index
        %get3A_1412 = tpu.vector_load %arg10[%get3A_1410, %get3A_1411] {strides = array<i32>} : memref<200x128xf32, #tpu.memory_space<vmem>>, vector<1x16xf32>,
        %get3A_1413 = vector.shape_cast %get3A_1412 : vector<1x16xf32> to vector<16xf32>
        %add3A_1414 = arith.addf %add3A_1365, %get3A_1413 : vector<16xf32>
        %add3A_1415 = arith.constant 3 : i32
        %add3A_1416 = arith.addi %mul3A_1232, %add3A_1415 : i32
        %get3A_1417 = arith.index_cast %add3A_1416 : i32 to index
        %get3A_1418 = arith.constant 80 : index
        %get3A_1419 = tpu.vector_load %arg10[%get3A_1417, %get3A_1418] {strides = array<i32>} : memref<200x128xf32, #tpu.memory_space<vmem>>, vector<1x16xf32>,
        %get3A_1420 = vector.shape_cast %get3A_1419 : vector<1x16xf32> to vector<16xf32>
        %add3A_1421 = arith.addf %add3A_1372, %get3A_1420 : vector<16xf32>
        %add3A_1422 = arith.constant 3 : i32
        %add3A_1423 = arith.addi %mul3A_1232, %add3A_1422 : i32
        %get3A_1424 = arith.index_cast %add3A_1423 : i32 to index
        %get3A_1425 = arith.constant 84 : index
        %get3A_1426 = tpu.vector_load %arg10[%get3A_1424, %get3A_1425] {strides = array<i32>} : memref<200x128xf32, #tpu.memory_space<vmem>>, vector<1x16xf32>,
        %get3A_1427 = vector.shape_cast %get3A_1426 : vector<1x16xf32> to vector<16xf32>
        %add3A_1428 = arith.addf %add3A_1379, %get3A_1427 : vector<16xf32>
        scf.yield %add3A_1386, %add3A_1393, %add3A_1400, %add3A_1407, %add3A_1414, %add3A_1421, %add3A_1428 : vector<16xf32>, vector<16xf32>, vector<16xf32>, vector<16xf32>, vector<16xf32>, vector<16xf32>, vector<16xf32>
      }
      %scan3A_931 = arith.constant 50 : i32
      %rem3A_932 = arith.constant 64 : i32
      %rem3A_933 = arith.remsi %add3A_746, %rem3A_932 : i32
      %mul3A_934 = vector.broadcast %scan3A_326 : f32 to vector<16xf32>
      %mul3A_935 = arith.mulf %scan3A_930#0, %mul3A_934 : vector<16xf32>
      %swap3A_936 = arith.index_cast %rem3A_933 : i32 to index
      %swap3A_937 = arith.constant 0 : index
      %swap3A_938 = tpu.vector_load %arg12[%swap3A_936, %swap3A_937] {strides = array<i32>} : memref<64x128xf32, #tpu.memory_space<vmem>>, vector<1x16xf32>,
      %swap3A_939 = vector.shape_cast %swap3A_938 : vector<1x16xf32> to vector<16xf32>
      %swap3A_940 = vector.shape_cast %mul3A_935 : vector<16xf32> to vector<1x16xf32>
      tpu.vector_store %arg12[%swap3A_936, %swap3A_937], %swap3A_940 {strides = array<i32>} : memref<64x128xf32, #tpu.memory_space<vmem>>, vector<1x16xf32>,
      %mul3A_941 = vector.broadcast %scan3A_326 : f32 to vector<16xf32>
      %mul3A_942 = arith.mulf %scan3A_930#1, %mul3A_941 : vector<16xf32>
      %swap3A_943 = arith.index_cast %rem3A_933 : i32 to index
      %swap3A_944 = arith.constant 16 : index
      %swap3A_945 = tpu.vector_load %arg12[%swap3A_943, %swap3A_944] {strides = array<i32>} : memref<64x128xf32, #tpu.memory_space<vmem>>, vector<1x16xf32>,
      %swap3A_946 = vector.shape_cast %swap3A_945 : vector<1x16xf32> to vector<16xf32>
      %swap3A_947 = vector.shape_cast %mul3A_942 : vector<16xf32> to vector<1x16xf32>
      tpu.vector_store %arg12[%swap3A_943, %swap3A_944], %swap3A_947 {strides = array<i32>} : memref<64x128xf32, #tpu.memory_space<vmem>>, vector<1x16xf32>,
      %mul3A_948 = vector.broadcast %scan3A_326 : f32 to vector<16xf32>
      %mul3A_949 = arith.mulf %scan3A_930#2, %mul3A_948 : vector<16xf32>
      %swap3A_950 = arith.index_cast %rem3A_933 : i32 to index
      %swap3A_951 = arith.constant 32 : index
      %swap3A_952 = tpu.vector_load %arg12[%swap3A_950, %swap3A_951] {strides = array<i32>} : memref<64x128xf32, #tpu.memory_space<vmem>>, vector<1x16xf32>,
      %swap3A_953 = vector.shape_cast %swap3A_952 : vector<1x16xf32> to vector<16xf32>
      %swap3A_954 = vector.shape_cast %mul3A_949 : vector<16xf32> to vector<1x16xf32>
      tpu.vector_store %arg12[%swap3A_950, %swap3A_951], %swap3A_954 {strides = array<i32>} : memref<64x128xf32, #tpu.memory_space<vmem>>, vector<1x16xf32>,
      %mul3A_955 = vector.broadcast %scan3A_326 : f32 to vector<16xf32>
      %mul3A_956 = arith.mulf %scan3A_930#3, %mul3A_955 : vector<16xf32>
      %swap3A_957 = arith.index_cast %rem3A_933 : i32 to index
      %swap3A_958 = arith.constant 48 : index
      %swap3A_959 = tpu.vector_load %arg12[%swap3A_957, %swap3A_958] {strides = array<i32>} : memref<64x128xf32, #tpu.memory_space<vmem>>, vector<1x16xf32>,
      %swap3A_960 = vector.shape_cast %swap3A_959 : vector<1x16xf32> to vector<16xf32>
      %swap3A_961 = vector.shape_cast %mul3A_956 : vector<16xf32> to vector<1x16xf32>
      tpu.vector_store %arg12[%swap3A_957, %swap3A_958], %swap3A_961 {strides = array<i32>} : memref<64x128xf32, #tpu.memory_space<vmem>>, vector<1x16xf32>,
      %mul3A_962 = vector.broadcast %scan3A_326 : f32 to vector<16xf32>
      %mul3A_963 = arith.mulf %scan3A_930#4, %mul3A_962 : vector<16xf32>
      %swap3A_964 = arith.index_cast %rem3A_933 : i32 to index
      %swap3A_965 = arith.constant 64 : index
      %swap3A_966 = tpu.vector_load %arg12[%swap3A_964, %swap3A_965] {strides = array<i32>} : memref<64x128xf32, #tpu.memory_space<vmem>>, vector<1x16xf32>,
      %swap3A_967 = vector.shape_cast %swap3A_966 : vector<1x16xf32> to vector<16xf32>
      %swap3A_968 = vector.shape_cast %mul3A_963 : vector<16xf32> to vector<1x16xf32>
      tpu.vector_store %arg12[%swap3A_964, %swap3A_965], %swap3A_968 {strides = array<i32>} : memref<64x128xf32, #tpu.memory_space<vmem>>, vector<1x16xf32>,
      %mul3A_969 = vector.broadcast %scan3A_326 : f32 to vector<16xf32>
      %mul3A_970 = arith.mulf %scan3A_930#5, %mul3A_969 : vector<16xf32>
      %swap3A_971 = arith.index_cast %rem3A_933 : i32 to index
      %swap3A_972 = arith.constant 80 : index
      %swap3A_973 = tpu.vector_load %arg12[%swap3A_971, %swap3A_972] {strides = array<i32>} : memref<64x128xf32, #tpu.memory_space<vmem>>, vector<1x16xf32>,
      %swap3A_974 = vector.shape_cast %swap3A_973 : vector<1x16xf32> to vector<16xf32>
      %swap3A_975 = vector.shape_cast %mul3A_970 : vector<16xf32> to vector<1x16xf32>
      tpu.vector_store %arg12[%swap3A_971, %swap3A_972], %swap3A_975 {strides = array<i32>} : memref<64x128xf32, #tpu.memory_space<vmem>>, vector<1x16xf32>,
      %mul3A_976 = vector.broadcast %scan3A_326 : f32 to vector<16xf32>
      %mul3A_977 = arith.mulf %scan3A_930#6, %mul3A_976 : vector<16xf32>
      %swap3A_978 = arith.index_cast %rem3A_933 : i32 to index
      %swap3A_979 = arith.constant 84 : index
      %swap3A_980 = tpu.vector_load %arg12[%swap3A_978, %swap3A_979] {strides = array<i32>} : memref<64x128xf32, #tpu.memory_space<vmem>>, vector<1x16xf32>,
      %swap3A_981 = vector.shape_cast %swap3A_980 : vector<1x16xf32> to vector<16xf32>
      %swap3A_982 = vector.shape_cast %mul3A_977 : vector<16xf32> to vector<1x16xf32>
      tpu.vector_store %arg12[%swap3A_978, %swap3A_979], %swap3A_982 {strides = array<i32>} : memref<64x128xf32, #tpu.memory_space<vmem>>, vector<1x16xf32>,
      %mul3A_983 = arith.constant 3 : i32
      %mul3A_984 = arith.muli %mul3A_983, %scan3A_505 : i32
      %add3A_985 = arith.constant 2 : i32
      %add3A_986 = arith.addi %mul3A_984, %add3A_985 : i32
      %add3A_987 = arith.constant 2 : i32
      %add3A_988 = arith.addi %add3A_986, %add3A_987 : i32
      %get3A_989 = arith.index_cast %add3A_988 : i32 to index
      %get3A_990 = arith.constant 0 : index
      %get3A_991 = tpu.vector_load %arg5[%get3A_989, %get3A_990] {strides = array<i32>} : memref<128x200xi32, #tpu.memory_space<vmem>>, vector<1x16xi32>,
      %get3A_992 = vector.shape_cast %get3A_991 : vector<1x16xi32> to vector<16xi32>
      %swap3A_993 = arith.constant 0 : i32
      %swap3A_994 = arith.index_cast %swap3A_993 : i32 to index
      %swap3A_995 = arith.constant 0 : index
      %swap3A_996 = tpu.vector_load %arg7[%swap3A_994, %swap3A_995] {strides = array<i32>} : memref<8x256xi32, #tpu.memory_space<vmem>>, vector<1x16xi32>,
      %swap3A_997 = vector.shape_cast %swap3A_996 : vector<1x16xi32> to vector<16xi32>
      %swap3A_998 = vector.shape_cast %get3A_992 : vector<16xi32> to vector<1x16xi32>
      tpu.vector_store %arg7[%swap3A_994, %swap3A_995], %swap3A_998 {strides = array<i32>} : memref<8x256xi32, #tpu.memory_space<vmem>>, vector<1x16xi32>,
      %get3A_999 = arith.index_cast %add3A_988 : i32 to index
      %get3A_1000 = arith.constant 16 : index
      %get3A_1001 = tpu.vector_load %arg5[%get3A_999, %get3A_1000] {strides = array<i32>} : memref<128x200xi32, #tpu.memory_space<vmem>>, vector<1x16xi32>,
      %get3A_1002 = vector.shape_cast %get3A_1001 : vector<1x16xi32> to vector<16xi32>
      %swap3A_1003 = arith.constant 0 : i32
      %swap3A_1004 = arith.index_cast %swap3A_1003 : i32 to index
      %swap3A_1005 = arith.constant 16 : index
      %swap3A_1006 = tpu.vector_load %arg7[%swap3A_1004, %swap3A_1005] {strides = array<i32>} : memref<8x256xi32, #tpu.memory_space<vmem>>, vector<1x16xi32>,
      %swap3A_1007 = vector.shape_cast %swap3A_1006 : vector<1x16xi32> to vector<16xi32>
      %swap3A_1008 = vector.shape_cast %get3A_1002 : vector<16xi32> to vector<1x16xi32>
      tpu.vector_store %arg7[%swap3A_1004, %swap3A_1005], %swap3A_1008 {strides = array<i32>} : memref<8x256xi32, #tpu.memory_space<vmem>>, vector<1x16xi32>,
      %get3A_1009 = arith.index_cast %add3A_988 : i32 to index
      %get3A_1010 = arith.constant 32 : index
      %get3A_1011 = tpu.vector_load %arg5[%get3A_1009, %get3A_1010] {strides = array<i32>} : memref<128x200xi32, #tpu.memory_space<vmem>>, vector<1x16xi32>,
      %get3A_1012 = vector.shape_cast %get3A_1011 : vector<1x16xi32> to vector<16xi32>
      %swap3A_1013 = arith.constant 0 : i32
      %swap3A_1014 = arith.index_cast %swap3A_1013 : i32 to index
      %swap3A_1015 = arith.constant 32 : index
      %swap3A_1016 = tpu.vector_load %arg7[%swap3A_1014, %swap3A_1015] {strides = array<i32>} : memref<8x256xi32, #tpu.memory_space<vmem>>, vector<1x16xi32>,
      %swap3A_1017 = vector.shape_cast %swap3A_1016 : vector<1x16xi32> to vector<16xi32>
      %swap3A_1018 = vector.shape_cast %get3A_1012 : vector<16xi32> to vector<1x16xi32>
      tpu.vector_store %arg7[%swap3A_1014, %swap3A_1015], %swap3A_1018 {strides = array<i32>} : memref<8x256xi32, #tpu.memory_space<vmem>>, vector<1x16xi32>,
      %get3A_1019 = arith.index_cast %add3A_988 : i32 to index
      %get3A_1020 = arith.constant 48 : index
      %get3A_1021 = tpu.vector_load %arg5[%get3A_1019, %get3A_1020] {strides = array<i32>} : memref<128x200xi32, #tpu.memory_space<vmem>>, vector<1x16xi32>,
      %get3A_1022 = vector.shape_cast %get3A_1021 : vector<1x16xi32> to vector<16xi32>
      %swap3A_1023 = arith.constant 0 : i32
      %swap3A_1024 = arith.index_cast %swap3A_1023 : i32 to index
      %swap3A_1025 = arith.constant 48 : index
      %swap3A_1026 = tpu.vector_load %arg7[%swap3A_1024, %swap3A_1025] {strides = array<i32>} : memref<8x256xi32, #tpu.memory_space<vmem>>, vector<1x16xi32>,
      %swap3A_1027 = vector.shape_cast %swap3A_1026 : vector<1x16xi32> to vector<16xi32>
      %swap3A_1028 = vector.shape_cast %get3A_1022 : vector<16xi32> to vector<1x16xi32>
      tpu.vector_store %arg7[%swap3A_1024, %swap3A_1025], %swap3A_1028 {strides = array<i32>} : memref<8x256xi32, #tpu.memory_space<vmem>>, vector<1x16xi32>,
      %get3A_1029 = arith.index_cast %add3A_988 : i32 to index
      %get3A_1030 = arith.constant 64 : index
      %get3A_1031 = tpu.vector_load %arg5[%get3A_1029, %get3A_1030] {strides = array<i32>} : memref<128x200xi32, #tpu.memory_space<vmem>>, vector<1x16xi32>,
      %get3A_1032 = vector.shape_cast %get3A_1031 : vector<1x16xi32> to vector<16xi32>
      %swap3A_1033 = arith.constant 0 : i32
      %swap3A_1034 = arith.index_cast %swap3A_1033 : i32 to index
      %swap3A_1035 = arith.constant 64 : index
      %swap3A_1036 = tpu.vector_load %arg7[%swap3A_1034, %swap3A_1035] {strides = array<i32>} : memref<8x256xi32, #tpu.memory_space<vmem>>, vector<1x16xi32>,
      %swap3A_1037 = vector.shape_cast %swap3A_1036 : vector<1x16xi32> to vector<16xi32>
      %swap3A_1038 = vector.shape_cast %get3A_1032 : vector<16xi32> to vector<1x16xi32>
      tpu.vector_store %arg7[%swap3A_1034, %swap3A_1035], %swap3A_1038 {strides = array<i32>} : memref<8x256xi32, #tpu.memory_space<vmem>>, vector<1x16xi32>,
      %get3A_1039 = arith.index_cast %add3A_988 : i32 to index
      %get3A_1040 = arith.constant 80 : index
      %get3A_1041 = tpu.vector_load %arg5[%get3A_1039, %get3A_1040] {strides = array<i32>} : memref<128x200xi32, #tpu.memory_space<vmem>>, vector<1x16xi32>,
      %get3A_1042 = vector.shape_cast %get3A_1041 : vector<1x16xi32> to vector<16xi32>
      %swap3A_1043 = arith.constant 0 : i32
      %swap3A_1044 = arith.index_cast %swap3A_1043 : i32 to index
      %swap3A_1045 = arith.constant 80 : index
      %swap3A_1046 = tpu.vector_load %arg7[%swap3A_1044, %swap3A_1045] {strides = array<i32>} : memref<8x256xi32, #tpu.memory_space<vmem>>, vector<1x16xi32>,
      %swap3A_1047 = vector.shape_cast %swap3A_1046 : vector<1x16xi32> to vector<16xi32>
      %swap3A_1048 = vector.shape_cast %get3A_1042 : vector<16xi32> to vector<1x16xi32>
      tpu.vector_store %arg7[%swap3A_1044, %swap3A_1045], %swap3A_1048 {strides = array<i32>} : memref<8x256xi32, #tpu.memory_space<vmem>>, vector<1x16xi32>,
      %get3A_1049 = arith.index_cast %add3A_988 : i32 to index
      %get3A_1050 = arith.constant 96 : index
      %get3A_1051 = tpu.vector_load %arg5[%get3A_1049, %get3A_1050] {strides = array<i32>} : memref<128x200xi32, #tpu.memory_space<vmem>>, vector<1x16xi32>,
      %get3A_1052 = vector.shape_cast %get3A_1051 : vector<1x16xi32> to vector<16xi32>
      %swap3A_1053 = arith.constant 0 : i32
      %swap3A_1054 = arith.index_cast %swap3A_1053 : i32 to index
      %swap3A_1055 = arith.constant 96 : index
      %swap3A_1056 = tpu.vector_load %arg7[%swap3A_1054, %swap3A_1055] {strides = array<i32>} : memref<8x256xi32, #tpu.memory_space<vmem>>, vector<1x16xi32>,
      %swap3A_1057 = vector.shape_cast %swap3A_1056 : vector<1x16xi32> to vector<16xi32>
      %swap3A_1058 = vector.shape_cast %get3A_1052 : vector<16xi32> to vector<1x16xi32>
      tpu.vector_store %arg7[%swap3A_1054, %swap3A_1055], %swap3A_1058 {strides = array<i32>} : memref<8x256xi32, #tpu.memory_space<vmem>>, vector<1x16xi32>,
      %get3A_1059 = arith.index_cast %add3A_988 : i32 to index
      %get3A_1060 = arith.constant 112 : index
      %get3A_1061 = tpu.vector_load %arg5[%get3A_1059, %get3A_1060] {strides = array<i32>} : memref<128x200xi32, #tpu.memory_space<vmem>>, vector<1x16xi32>,
      %get3A_1062 = vector.shape_cast %get3A_1061 : vector<1x16xi32> to vector<16xi32>
      %swap3A_1063 = arith.constant 0 : i32
      %swap3A_1064 = arith.index_cast %swap3A_1063 : i32 to index
      %swap3A_1065 = arith.constant 112 : index
      %swap3A_1066 = tpu.vector_load %arg7[%swap3A_1064, %swap3A_1065] {strides = array<i32>} : memref<8x256xi32, #tpu.memory_space<vmem>>, vector<1x16xi32>,
      %swap3A_1067 = vector.shape_cast %swap3A_1066 : vector<1x16xi32> to vector<16xi32>
      %swap3A_1068 = vector.shape_cast %get3A_1062 : vector<16xi32> to vector<1x16xi32>
      tpu.vector_store %arg7[%swap3A_1064, %swap3A_1065], %swap3A_1068 {strides = array<i32>} : memref<8x256xi32, #tpu.memory_space<vmem>>, vector<1x16xi32>,
      %get3A_1069 = arith.index_cast %add3A_988 : i32 to index
      %get3A_1070 = arith.constant 128 : index
      %get3A_1071 = tpu.vector_load %arg5[%get3A_1069, %get3A_1070] {strides = array<i32>} : memref<128x200xi32, #tpu.memory_space<vmem>>, vector<1x16xi32>,
      %get3A_1072 = vector.shape_cast %get3A_1071 : vector<1x16xi32> to vector<16xi32>
      %swap3A_1073 = arith.constant 0 : i32
      %swap3A_1074 = arith.index_cast %swap3A_1073 : i32 to index
      %swap3A_1075 = arith.constant 128 : index
      %swap3A_1076 = tpu.vector_load %arg7[%swap3A_1074, %swap3A_1075] {strides = array<i32>} : memref<8x256xi32, #tpu.memory_space<vmem>>, vector<1x16xi32>,
      %swap3A_1077 = vector.shape_cast %swap3A_1076 : vector<1x16xi32> to vector<16xi32>
      %swap3A_1078 = vector.shape_cast %get3A_1072 : vector<16xi32> to vector<1x16xi32>
      tpu.vector_store %arg7[%swap3A_1074, %swap3A_1075], %swap3A_1078 {strides = array<i32>} : memref<8x256xi32, #tpu.memory_space<vmem>>, vector<1x16xi32>,
      %get3A_1079 = arith.index_cast %add3A_988 : i32 to index
      %get3A_1080 = arith.constant 144 : index
      %get3A_1081 = tpu.vector_load %arg5[%get3A_1079, %get3A_1080] {strides = array<i32>} : memref<128x200xi32, #tpu.memory_space<vmem>>, vector<1x16xi32>,
      %get3A_1082 = vector.shape_cast %get3A_1081 : vector<1x16xi32> to vector<16xi32>
      %swap3A_1083 = arith.constant 0 : i32
      %swap3A_1084 = arith.index_cast %swap3A_1083 : i32 to index
      %swap3A_1085 = arith.constant 144 : index
      %swap3A_1086 = tpu.vector_load %arg7[%swap3A_1084, %swap3A_1085] {strides = array<i32>} : memref<8x256xi32, #tpu.memory_space<vmem>>, vector<1x16xi32>,
      %swap3A_1087 = vector.shape_cast %swap3A_1086 : vector<1x16xi32> to vector<16xi32>
      %swap3A_1088 = vector.shape_cast %get3A_1082 : vector<16xi32> to vector<1x16xi32>
      tpu.vector_store %arg7[%swap3A_1084, %swap3A_1085], %swap3A_1088 {strides = array<i32>} : memref<8x256xi32, #tpu.memory_space<vmem>>, vector<1x16xi32>,
      %get3A_1089 = arith.index_cast %add3A_988 : i32 to index
      %get3A_1090 = arith.constant 160 : index
      %get3A_1091 = tpu.vector_load %arg5[%get3A_1089, %get3A_1090] {strides = array<i32>} : memref<128x200xi32, #tpu.memory_space<vmem>>, vector<1x16xi32>,
      %get3A_1092 = vector.shape_cast %get3A_1091 : vector<1x16xi32> to vector<16xi32>
      %swap3A_1093 = arith.constant 0 : i32
      %swap3A_1094 = arith.index_cast %swap3A_1093 : i32 to index
      %swap3A_1095 = arith.constant 160 : index
      %swap3A_1096 = tpu.vector_load %arg7[%swap3A_1094, %swap3A_1095] {strides = array<i32>} : memref<8x256xi32, #tpu.memory_space<vmem>>, vector<1x16xi32>,
      %swap3A_1097 = vector.shape_cast %swap3A_1096 : vector<1x16xi32> to vector<16xi32>
      %swap3A_1098 = vector.shape_cast %get3A_1092 : vector<16xi32> to vector<1x16xi32>
      tpu.vector_store %arg7[%swap3A_1094, %swap3A_1095], %swap3A_1098 {strides = array<i32>} : memref<8x256xi32, #tpu.memory_space<vmem>>, vector<1x16xi32>,
      %get3A_1099 = arith.index_cast %add3A_988 : i32 to index
      %get3A_1100 = arith.constant 176 : index
      %get3A_1101 = tpu.vector_load %arg5[%get3A_1099, %get3A_1100] {strides = array<i32>} : memref<128x200xi32, #tpu.memory_space<vmem>>, vector<1x16xi32>,
      %get3A_1102 = vector.shape_cast %get3A_1101 : vector<1x16xi32> to vector<16xi32>
      %swap3A_1103 = arith.constant 0 : i32
      %swap3A_1104 = arith.index_cast %swap3A_1103 : i32 to index
      %swap3A_1105 = arith.constant 176 : index
      %swap3A_1106 = tpu.vector_load %arg7[%swap3A_1104, %swap3A_1105] {strides = array<i32>} : memref<8x256xi32, #tpu.memory_space<vmem>>, vector<1x16xi32>,
      %swap3A_1107 = vector.shape_cast %swap3A_1106 : vector<1x16xi32> to vector<16xi32>
      %swap3A_1108 = vector.shape_cast %get3A_1102 : vector<16xi32> to vector<1x16xi32>
      tpu.vector_store %arg7[%swap3A_1104, %swap3A_1105], %swap3A_1108 {strides = array<i32>} : memref<8x256xi32, #tpu.memory_space<vmem>>, vector<1x16xi32>,
      %get3A_1109 = arith.index_cast %add3A_988 : i32 to index
      %get3A_1110 = arith.constant 184 : index
      %get3A_1111 = tpu.vector_load %arg5[%get3A_1109, %get3A_1110] {strides = array<i32>} : memref<128x200xi32, #tpu.memory_space<vmem>>, vector<1x16xi32>,
      %get3A_1112 = vector.shape_cast %get3A_1111 : vector<1x16xi32> to vector<16xi32>
      %swap3A_1113 = arith.constant 0 : i32
      %swap3A_1114 = arith.index_cast %swap3A_1113 : i32 to index
      %swap3A_1115 = arith.constant 184 : index
      %swap3A_1116 = tpu.vector_load %arg7[%swap3A_1114, %swap3A_1115] {strides = array<i32>} : memref<8x256xi32, #tpu.memory_space<vmem>>, vector<1x16xi32>,
      %swap3A_1117 = vector.shape_cast %swap3A_1116 : vector<1x16xi32> to vector<16xi32>
      %swap3A_1118 = vector.shape_cast %get3A_1112 : vector<16xi32> to vector<1x16xi32>
      tpu.vector_store %arg7[%swap3A_1114, %swap3A_1115], %swap3A_1118 {strides = array<i32>} : memref<8x256xi32, #tpu.memory_space<vmem>>, vector<1x16xi32>,
      %dma_start3A_1119 = arith.constant 0 : i32
      %dma_start3A_1120 = arith.constant 0 : i32
      %dma_start3A_1121 = arith.constant 0 : i32
      %dma_start3A_1122 = tpu.memref_slice %arg10[%dma_start3A_1120, %dma_start3A_1121] : memref<200x128xf32, #tpu.memory_space<vmem>> -> memref<128x128xf32, #tpu.memory_space<vmem>>
      %dma_start3A_1123 = arith.constant 0 : i32
      %dma_start3A_1124 = tpu.memref_slice %arg7[%dma_start3A_1119, %dma_start3A_1123] : memref<8x256xi32, #tpu.memory_space<vmem>> -> memref<1x128xi32, #tpu.memory_space<vmem>>
      %dma_start3A_1125 = tpu.memref_squeeze %dma_start3A_1124 : memref<1x128xi32, #tpu.memory_space<vmem>> -> memref<128xi32, #tpu.memory_space<vmem>>
      %dma_start3A_1126 = arith.constant 0 : i32
      %dma_start3A_1127 = arith.constant 0 : i32
      %dma_start3A_1128 = tpu.memref_slice %arg3[%dma_start3A_1126, %dma_start3A_1127] : memref<400000x128xf32, #tpu.memory_space<hbm>> -> memref<400000x128xf32, #tpu.memory_space<hbm>>
      tpu.enqueue_indirect_dma source(%dma_start3A_1128 : memref<400000x128xf32, #tpu.memory_space<hbm>>) target(%dma_start3A_1122 : memref<128x128xf32, #tpu.memory_space<vmem>>) offsets(%dma_start3A_1125 : memref<128xi32, #tpu.memory_space<vmem>>) semaphore(%arg14 : memref<!tpu.dma_semaphore, #tpu.memory_space<semaphore_mem>>)
      %dma_start3A_1129 = arith.constant 0 : i32
      %dma_start3A_1130 = arith.constant 128 : i32
      %dma_start3A_1131 = arith.constant 0 : i32
      %dma_start3A_1132 = tpu.memref_slice %arg10[%dma_start3A_1130, %dma_start3A_1131] : memref<200x128xf32, #tpu.memory_space<vmem>> -> memref<72x128xf32, #tpu.memory_space<vmem>>
      %dma_start3A_1133 = arith.constant 128 : i32
      %dma_start3A_1134 = tpu.memref_slice %arg7[%dma_start3A_1129, %dma_start3A_1133] : memref<8x256xi32, #tpu.memory_space<vmem>> -> memref<1x72xi32, #tpu.memory_space<vmem>>
      %dma_start3A_1135 = tpu.memref_squeeze %dma_start3A_1134 : memref<1x72xi32, #tpu.memory_space<vmem>> -> memref<72xi32, #tpu.memory_space<vmem>>
      %dma_start3A_1136 = arith.constant 0 : i32
      %dma_start3A_1137 = arith.constant 0 : i32
      %dma_start3A_1138 = tpu.memref_slice %arg3[%dma_start3A_1136, %dma_start3A_1137] : memref<400000x128xf32, #tpu.memory_space<hbm>> -> memref<400000x128xf32, #tpu.memory_space<hbm>>
      tpu.enqueue_indirect_dma source(%dma_start3A_1138 : memref<400000x128xf32, #tpu.memory_space<hbm>>) target(%dma_start3A_1132 : memref<72x128xf32, #tpu.memory_space<vmem>>) offsets(%dma_start3A_1135 : memref<72xi32, #tpu.memory_space<vmem>>) semaphore(%arg14 : memref<!tpu.dma_semaphore, #tpu.memory_space<semaphore_mem>>)
      %dma_wait3A_1139 = arith.constant 0 : i32
      %dma_wait3A_1140 = arith.constant 0 : i32
      %dma_wait3A_1141 = arith.constant 0 : i32
      %dma_wait3A_1142 = tpu.memref_slice %arg11[%dma_wait3A_1140, %dma_wait3A_1141] : memref<200x128xf32, #tpu.memory_space<vmem>> -> memref<128x128xf32, #tpu.memory_space<vmem>>
      %dma_wait3A_1143 = arith.constant 0 : i32
      %dma_wait3A_1144 = tpu.memref_slice %arg8[%dma_wait3A_1139, %dma_wait3A_1143] : memref<8x256xi32, #tpu.memory_space<vmem>> -> memref<1x128xi32, #tpu.memory_space<vmem>>
      %dma_wait3A_1145 = tpu.memref_squeeze %dma_wait3A_1144 : memref<1x128xi32, #tpu.memory_space<vmem>> -> memref<128xi32, #tpu.memory_space<vmem>>
      %dma_wait3A_1146 = arith.constant 0 : i32
      %dma_wait3A_1147 = arith.constant 0 : i32
      %dma_wait3A_1148 = tpu.memref_slice %arg3[%dma_wait3A_1146, %dma_wait3A_1147] : memref<400000x128xf32, #tpu.memory_space<hbm>> -> memref<400000x128xf32, #tpu.memory_space<hbm>>
      tpu.wait_indirect_dma semaphore(%arg15 : memref<!tpu.dma_semaphore, #tpu.memory_space<semaphore_mem>>) src(%dma_wait3A_1148 : memref<400000x128xf32, #tpu.memory_space<hbm>>) dst(%dma_wait3A_1142 : memref<128x128xf32, #tpu.memory_space<vmem>>)
      %dma_wait3A_1149 = arith.constant 0 : i32
      %dma_wait3A_1150 = arith.constant 128 : i32
      %dma_wait3A_1151 = arith.constant 0 : i32
      %dma_wait3A_1152 = tpu.memref_slice %arg11[%dma_wait3A_1150, %dma_wait3A_1151] : memref<200x128xf32, #tpu.memory_space<vmem>> -> memref<72x128xf32, #tpu.memory_space<vmem>>
      %dma_wait3A_1153 = arith.constant 128 : i32
      %dma_wait3A_1154 = tpu.memref_slice %arg8[%dma_wait3A_1149, %dma_wait3A_1153] : memref<8x256xi32, #tpu.memory_space<vmem>> -> memref<1x72xi32, #tpu.memory_space<vmem>>
      %dma_wait3A_1155 = tpu.memref_squeeze %dma_wait3A_1154 : memref<1x72xi32, #tpu.memory_space<vmem>> -> memref<72xi32, #tpu.memory_space<vmem>>
      %dma_wait3A_1156 = arith.constant 0 : i32
      %dma_wait3A_1157 = arith.constant 0 : i32
      %dma_wait3A_1158 = tpu.memref_slice %arg3[%dma_wait3A_1156, %dma_wait3A_1157] : memref<400000x128xf32, #tpu.memory_space<hbm>> -> memref<400000x128xf32, #tpu.memory_space<hbm>>
      tpu.wait_indirect_dma semaphore(%arg15 : memref<!tpu.dma_semaphore, #tpu.memory_space<semaphore_mem>>) src(%dma_wait3A_1158 : memref<400000x128xf32, #tpu.memory_space<hbm>>) dst(%dma_wait3A_1152 : memref<72x128xf32, #tpu.memory_space<vmem>>)
      %eq3A_1159 = arith.constant 64 : i32
      %eq3A_1160 = arith.cmpi eq, %add3A_986, %eq3A_1159 : i32
      %convert_element_type3A_1161 = arith.extui %eq3A_1160 : i1 to i32
      %cond3A_1162 = arith.constant 0 : i32
      %cond3A_1163 = arith.cmpi ne, %convert_element_type3A_1161, %cond3A_1162 : i32
      scf.if %cond3A_1163 {
        "tpu.region"() ({
          %run_scoped3A = tpu.sem_alloc : memref<!tpu.dma_semaphore, #tpu.memory_space<semaphore_mem>>
          %dma_start3A_1223 = arith.constant 0 : i32
          %dma_start3A_1224 = tpu.memref_slice %arg4[%mul3A_2, %dma_start3A_1223] : memref<4096x128xf32, #tpu.memory_space<hbm>> -> memref<64x128xf32, #tpu.memory_space<hbm>>
          %dma_start3A_1225 = arith.constant 0 : i32
          %dma_start3A_1226 = tpu.memref_slice %arg4[%mul3A_2, %dma_start3A_1225] : memref<4096x128xf32, #tpu.memory_space<hbm>> -> memref<64x128xf32, #tpu.memory_space<hbm>>
          tpu.enqueue_dma source(%arg12 : memref<64x128xf32, #tpu.memory_space<vmem>>) target(%dma_start3A_1226 : memref<64x128xf32, #tpu.memory_space<hbm>>) target_semaphore(%run_scoped3A : memref<!tpu.dma_semaphore, #tpu.memory_space<semaphore_mem>>)
          %dma_wait3A_1227 = arith.constant 0 : i32
          %dma_wait3A_1228 = tpu.memref_slice %arg4[%mul3A_2, %dma_wait3A_1227] : memref<4096x128xf32, #tpu.memory_space<hbm>> -> memref<64x128xf32, #tpu.memory_space<hbm>>
          %dma_wait3A_1229 = arith.constant 0 : i32
          %dma_wait3A_1230 = tpu.memref_slice %arg4[%mul3A_2, %dma_wait3A_1229] : memref<4096x128xf32, #tpu.memory_space<hbm>> -> memref<64x128xf32, #tpu.memory_space<hbm>>
          tpu.wait_dma2 semaphore(%run_scoped3A : memref<!tpu.dma_semaphore, #tpu.memory_space<semaphore_mem>>) src(%arg12 : memref<64x128xf32, #tpu.memory_space<vmem>>) dst(%dma_wait3A_1230 : memref<64x128xf32, #tpu.memory_space<hbm>>)
          tpu.yield
        }) : () -> ()
      } else {
      }
      %broadcast_in_dim3A_1164 = arith.constant 0.000000e+00 : f32
      %broadcast_in_dim3A_1165 = vector.broadcast %broadcast_in_dim3A_1164 : f32 to vector<16xf32>
      %scan3A_1166 = arith.constant 0 : i32
      %scan3A_1167 = arith.constant 50 : i32
      %scan3A_1168 = arith.addi %scan3A_1166, %scan3A_1167 : i32
      %scan3A_1169 = arith.constant 1 : i32
      %scan3A_1170:7 = scf.for %scan3A_1223 = %scan3A_1166 to %scan3A_1168 step %scan3A_1169 iter_args(%scan3A_1224 = %broadcast_in_dim3A_1165, %scan3A_1225 = %broadcast_in_dim3A_1165, %scan3A_1226 = %broadcast_in_dim3A_1165, %scan3A_1227 = %broadcast_in_dim3A_1165, %scan3A_1228 = %broadcast_in_dim3A_1165, %scan3A_1229 = %broadcast_in_dim3A_1165, %scan3A_1230 = %broadcast_in_dim3A_1165) -> (vector<16xf32>, vector<16xf32>, vector<16xf32>, vector<16xf32>, vector<16xf32>, vector<16xf32>, vector<16xf32>)  : i32 {
        %mul3A_1231 = arith.constant 4 : i32
        %mul3A_1232 = arith.muli %scan3A_1223, %mul3A_1231 : i32
        %add3A_1233 = arith.constant 0 : i32
        %add3A_1234 = arith.addi %mul3A_1232, %add3A_1233 : i32
        %get3A_1235 = arith.index_cast %add3A_1234 : i32 to index
        %get3A_1236 = arith.constant 0 : index
        %get3A_1237 = tpu.vector_load %arg11[%get3A_1235, %get3A_1236] {strides = array<i32>} : memref<200x128xf32, #tpu.memory_space<vmem>>, vector<1x16xf32>,
        %get3A_1238 = vector.shape_cast %get3A_1237 : vector<1x16xf32> to vector<16xf32>
        %add3A_1239 = arith.addf %scan3A_1224, %get3A_1238 : vector<16xf32>
        %add3A_1240 = arith.constant 0 : i32
        %add3A_1241 = arith.addi %mul3A_1232, %add3A_1240 : i32
        %get3A_1242 = arith.index_cast %add3A_1241 : i32 to index
        %get3A_1243 = arith.constant 16 : index
        %get3A_1244 = tpu.vector_load %arg11[%get3A_1242, %get3A_1243] {strides = array<i32>} : memref<200x128xf32, #tpu.memory_space<vmem>>, vector<1x16xf32>,
        %get3A_1245 = vector.shape_cast %get3A_1244 : vector<1x16xf32> to vector<16xf32>
        %add3A_1246 = arith.addf %scan3A_1225, %get3A_1245 : vector<16xf32>
        %add3A_1247 = arith.constant 0 : i32
        %add3A_1248 = arith.addi %mul3A_1232, %add3A_1247 : i32
        %get3A_1249 = arith.index_cast %add3A_1248 : i32 to index
        %get3A_1250 = arith.constant 32 : index
        %get3A_1251 = tpu.vector_load %arg11[%get3A_1249, %get3A_1250] {strides = array<i32>} : memref<200x128xf32, #tpu.memory_space<vmem>>, vector<1x16xf32>,
        %get3A_1252 = vector.shape_cast %get3A_1251 : vector<1x16xf32> to vector<16xf32>
        %add3A_1253 = arith.addf %scan3A_1226, %get3A_1252 : vector<16xf32>
        %add3A_1254 = arith.constant 0 : i32
        %add3A_1255 = arith.addi %mul3A_1232, %add3A_1254 : i32
        %get3A_1256 = arith.index_cast %add3A_1255 : i32 to index
        %get3A_1257 = arith.constant 48 : index
        %get3A_1258 = tpu.vector_load %arg11[%get3A_1256, %get3A_1257] {strides = array<i32>} : memref<200x128xf32, #tpu.memory_space<vmem>>, vector<1x16xf32>,
        %get3A_1259 = vector.shape_cast %get3A_1258 : vector<1x16xf32> to vector<16xf32>
        %add3A_1260 = arith.addf %scan3A_1227, %get3A_1259 : vector<16xf32>
        %add3A_1261 = arith.constant 0 : i32
        %add3A_1262 = arith.addi %mul3A_1232, %add3A_1261 : i32
        %get3A_1263 = arith.index_cast %add3A_1262 : i32 to index
        %get3A_1264 = arith.constant 64 : index
        %get3A_1265 = tpu.vector_load %arg11[%get3A_1263, %get3A_1264] {strides = array<i32>} : memref<200x128xf32, #tpu.memory_space<vmem>>, vector<1x16xf32>,
        %get3A_1266 = vector.shape_cast %get3A_1265 : vector<1x16xf32> to vector<16xf32>
        %add3A_1267 = arith.addf %scan3A_1228, %get3A_1266 : vector<16xf32>
        %add3A_1268 = arith.constant 0 : i32
        %add3A_1269 = arith.addi %mul3A_1232, %add3A_1268 : i32
        %get3A_1270 = arith.index_cast %add3A_1269 : i32 to index
        %get3A_1271 = arith.constant 80 : index
        %get3A_1272 = tpu.vector_load %arg11[%get3A_1270, %get3A_1271] {strides = array<i32>} : memref<200x128xf32, #tpu.memory_space<vmem>>, vector<1x16xf32>,
        %get3A_1273 = vector.shape_cast %get3A_1272 : vector<1x16xf32> to vector<16xf32>
        %add3A_1274 = arith.addf %scan3A_1229, %get3A_1273 : vector<16xf32>
        %add3A_1275 = arith.constant 0 : i32
        %add3A_1276 = arith.addi %mul3A_1232, %add3A_1275 : i32
        %get3A_1277 = arith.index_cast %add3A_1276 : i32 to index
        %get3A_1278 = arith.constant 84 : index
        %get3A_1279 = tpu.vector_load %arg11[%get3A_1277, %get3A_1278] {strides = array<i32>} : memref<200x128xf32, #tpu.memory_space<vmem>>, vector<1x16xf32>,
        %get3A_1280 = vector.shape_cast %get3A_1279 : vector<1x16xf32> to vector<16xf32>
        %add3A_1281 = arith.addf %scan3A_1230, %get3A_1280 : vector<16xf32>
        %add3A_1282 = arith.constant 1 : i32
        %add3A_1283 = arith.addi %mul3A_1232, %add3A_1282 : i32
        %get3A_1284 = arith.index_cast %add3A_1283 : i32 to index
        %get3A_1285 = arith.constant 0 : index
        %get3A_1286 = tpu.vector_load %arg11[%get3A_1284, %get3A_1285] {strides = array<i32>} : memref<200x128xf32, #tpu.memory_space<vmem>>, vector<1x16xf32>,
        %get3A_1287 = vector.shape_cast %get3A_1286 : vector<1x16xf32> to vector<16xf32>
        %add3A_1288 = arith.addf %add3A_1239, %get3A_1287 : vector<16xf32>
        %add3A_1289 = arith.constant 1 : i32
        %add3A_1290 = arith.addi %mul3A_1232, %add3A_1289 : i32
        %get3A_1291 = arith.index_cast %add3A_1290 : i32 to index
        %get3A_1292 = arith.constant 16 : index
        %get3A_1293 = tpu.vector_load %arg11[%get3A_1291, %get3A_1292] {strides = array<i32>} : memref<200x128xf32, #tpu.memory_space<vmem>>, vector<1x16xf32>,
        %get3A_1294 = vector.shape_cast %get3A_1293 : vector<1x16xf32> to vector<16xf32>
        %add3A_1295 = arith.addf %add3A_1246, %get3A_1294 : vector<16xf32>
        %add3A_1296 = arith.constant 1 : i32
        %add3A_1297 = arith.addi %mul3A_1232, %add3A_1296 : i32
        %get3A_1298 = arith.index_cast %add3A_1297 : i32 to index
        %get3A_1299 = arith.constant 32 : index
        %get3A_1300 = tpu.vector_load %arg11[%get3A_1298, %get3A_1299] {strides = array<i32>} : memref<200x128xf32, #tpu.memory_space<vmem>>, vector<1x16xf32>,
        %get3A_1301 = vector.shape_cast %get3A_1300 : vector<1x16xf32> to vector<16xf32>
        %add3A_1302 = arith.addf %add3A_1253, %get3A_1301 : vector<16xf32>
        %add3A_1303 = arith.constant 1 : i32
        %add3A_1304 = arith.addi %mul3A_1232, %add3A_1303 : i32
        %get3A_1305 = arith.index_cast %add3A_1304 : i32 to index
        %get3A_1306 = arith.constant 48 : index
        %get3A_1307 = tpu.vector_load %arg11[%get3A_1305, %get3A_1306] {strides = array<i32>} : memref<200x128xf32, #tpu.memory_space<vmem>>, vector<1x16xf32>,
        %get3A_1308 = vector.shape_cast %get3A_1307 : vector<1x16xf32> to vector<16xf32>
        %add3A_1309 = arith.addf %add3A_1260, %get3A_1308 : vector<16xf32>
        %add3A_1310 = arith.constant 1 : i32
        %add3A_1311 = arith.addi %mul3A_1232, %add3A_1310 : i32
        %get3A_1312 = arith.index_cast %add3A_1311 : i32 to index
        %get3A_1313 = arith.constant 64 : index
        %get3A_1314 = tpu.vector_load %arg11[%get3A_1312, %get3A_1313] {strides = array<i32>} : memref<200x128xf32, #tpu.memory_space<vmem>>, vector<1x16xf32>,
        %get3A_1315 = vector.shape_cast %get3A_1314 : vector<1x16xf32> to vector<16xf32>
        %add3A_1316 = arith.addf %add3A_1267, %get3A_1315 : vector<16xf32>
        %add3A_1317 = arith.constant 1 : i32
        %add3A_1318 = arith.addi %mul3A_1232, %add3A_1317 : i32
        %get3A_1319 = arith.index_cast %add3A_1318 : i32 to index
        %get3A_1320 = arith.constant 80 : index
        %get3A_1321 = tpu.vector_load %arg11[%get3A_1319, %get3A_1320] {strides = array<i32>} : memref<200x128xf32, #tpu.memory_space<vmem>>, vector<1x16xf32>,
        %get3A_1322 = vector.shape_cast %get3A_1321 : vector<1x16xf32> to vector<16xf32>
        %add3A_1323 = arith.addf %add3A_1274, %get3A_1322 : vector<16xf32>
        %add3A_1324 = arith.constant 1 : i32
        %add3A_1325 = arith.addi %mul3A_1232, %add3A_1324 : i32
        %get3A_1326 = arith.index_cast %add3A_1325 : i32 to index
        %get3A_1327 = arith.constant 84 : index
        %get3A_1328 = tpu.vector_load %arg11[%get3A_1326, %get3A_1327] {strides = array<i32>} : memref<200x128xf32, #tpu.memory_space<vmem>>, vector<1x16xf32>,
        %get3A_1329 = vector.shape_cast %get3A_1328 : vector<1x16xf32> to vector<16xf32>
        %add3A_1330 = arith.addf %add3A_1281, %get3A_1329 : vector<16xf32>
        %add3A_1331 = arith.constant 2 : i32
        %add3A_1332 = arith.addi %mul3A_1232, %add3A_1331 : i32
        %get3A_1333 = arith.index_cast %add3A_1332 : i32 to index
        %get3A_1334 = arith.constant 0 : index
        %get3A_1335 = tpu.vector_load %arg11[%get3A_1333, %get3A_1334] {strides = array<i32>} : memref<200x128xf32, #tpu.memory_space<vmem>>, vector<1x16xf32>,
        %get3A_1336 = vector.shape_cast %get3A_1335 : vector<1x16xf32> to vector<16xf32>
        %add3A_1337 = arith.addf %add3A_1288, %get3A_1336 : vector<16xf32>
        %add3A_1338 = arith.constant 2 : i32
        %add3A_1339 = arith.addi %mul3A_1232, %add3A_1338 : i32
        %get3A_1340 = arith.index_cast %add3A_1339 : i32 to index
        %get3A_1341 = arith.constant 16 : index
        %get3A_1342 = tpu.vector_load %arg11[%get3A_1340, %get3A_1341] {strides = array<i32>} : memref<200x128xf32, #tpu.memory_space<vmem>>, vector<1x16xf32>,
        %get3A_1343 = vector.shape_cast %get3A_1342 : vector<1x16xf32> to vector<16xf32>
        %add3A_1344 = arith.addf %add3A_1295, %get3A_1343 : vector<16xf32>
        %add3A_1345 = arith.constant 2 : i32
        %add3A_1346 = arith.addi %mul3A_1232, %add3A_1345 : i32
        %get3A_1347 = arith.index_cast %add3A_1346 : i32 to index
        %get3A_1348 = arith.constant 32 : index
        %get3A_1349 = tpu.vector_load %arg11[%get3A_1347, %get3A_1348] {strides = array<i32>} : memref<200x128xf32, #tpu.memory_space<vmem>>, vector<1x16xf32>,
        %get3A_1350 = vector.shape_cast %get3A_1349 : vector<1x16xf32> to vector<16xf32>
        %add3A_1351 = arith.addf %add3A_1302, %get3A_1350 : vector<16xf32>
        %add3A_1352 = arith.constant 2 : i32
        %add3A_1353 = arith.addi %mul3A_1232, %add3A_1352 : i32
        %get3A_1354 = arith.index_cast %add3A_1353 : i32 to index
        %get3A_1355 = arith.constant 48 : index
        %get3A_1356 = tpu.vector_load %arg11[%get3A_1354, %get3A_1355] {strides = array<i32>} : memref<200x128xf32, #tpu.memory_space<vmem>>, vector<1x16xf32>,
        %get3A_1357 = vector.shape_cast %get3A_1356 : vector<1x16xf32> to vector<16xf32>
        %add3A_1358 = arith.addf %add3A_1309, %get3A_1357 : vector<16xf32>
        %add3A_1359 = arith.constant 2 : i32
        %add3A_1360 = arith.addi %mul3A_1232, %add3A_1359 : i32
        %get3A_1361 = arith.index_cast %add3A_1360 : i32 to index
        %get3A_1362 = arith.constant 64 : index
        %get3A_1363 = tpu.vector_load %arg11[%get3A_1361, %get3A_1362] {strides = array<i32>} : memref<200x128xf32, #tpu.memory_space<vmem>>, vector<1x16xf32>,
        %get3A_1364 = vector.shape_cast %get3A_1363 : vector<1x16xf32> to vector<16xf32>
        %add3A_1365 = arith.addf %add3A_1316, %get3A_1364 : vector<16xf32>
        %add3A_1366 = arith.constant 2 : i32
        %add3A_1367 = arith.addi %mul3A_1232, %add3A_1366 : i32
        %get3A_1368 = arith.index_cast %add3A_1367 : i32 to index
        %get3A_1369 = arith.constant 80 : index
        %get3A_1370 = tpu.vector_load %arg11[%get3A_1368, %get3A_1369] {strides = array<i32>} : memref<200x128xf32, #tpu.memory_space<vmem>>, vector<1x16xf32>,
        %get3A_1371 = vector.shape_cast %get3A_1370 : vector<1x16xf32> to vector<16xf32>
        %add3A_1372 = arith.addf %add3A_1323, %get3A_1371 : vector<16xf32>
        %add3A_1373 = arith.constant 2 : i32
        %add3A_1374 = arith.addi %mul3A_1232, %add3A_1373 : i32
        %get3A_1375 = arith.index_cast %add3A_1374 : i32 to index
        %get3A_1376 = arith.constant 84 : index
        %get3A_1377 = tpu.vector_load %arg11[%get3A_1375, %get3A_1376] {strides = array<i32>} : memref<200x128xf32, #tpu.memory_space<vmem>>, vector<1x16xf32>,
        %get3A_1378 = vector.shape_cast %get3A_1377 : vector<1x16xf32> to vector<16xf32>
        %add3A_1379 = arith.addf %add3A_1330, %get3A_1378 : vector<16xf32>
        %add3A_1380 = arith.constant 3 : i32
        %add3A_1381 = arith.addi %mul3A_1232, %add3A_1380 : i32
        %get3A_1382 = arith.index_cast %add3A_1381 : i32 to index
        %get3A_1383 = arith.constant 0 : index
        %get3A_1384 = tpu.vector_load %arg11[%get3A_1382, %get3A_1383] {strides = array<i32>} : memref<200x128xf32, #tpu.memory_space<vmem>>, vector<1x16xf32>,
        %get3A_1385 = vector.shape_cast %get3A_1384 : vector<1x16xf32> to vector<16xf32>
        %add3A_1386 = arith.addf %add3A_1337, %get3A_1385 : vector<16xf32>
        %add3A_1387 = arith.constant 3 : i32
        %add3A_1388 = arith.addi %mul3A_1232, %add3A_1387 : i32
        %get3A_1389 = arith.index_cast %add3A_1388 : i32 to index
        %get3A_1390 = arith.constant 16 : index
        %get3A_1391 = tpu.vector_load %arg11[%get3A_1389, %get3A_1390] {strides = array<i32>} : memref<200x128xf32, #tpu.memory_space<vmem>>, vector<1x16xf32>,
        %get3A_1392 = vector.shape_cast %get3A_1391 : vector<1x16xf32> to vector<16xf32>
        %add3A_1393 = arith.addf %add3A_1344, %get3A_1392 : vector<16xf32>
        %add3A_1394 = arith.constant 3 : i32
        %add3A_1395 = arith.addi %mul3A_1232, %add3A_1394 : i32
        %get3A_1396 = arith.index_cast %add3A_1395 : i32 to index
        %get3A_1397 = arith.constant 32 : index
        %get3A_1398 = tpu.vector_load %arg11[%get3A_1396, %get3A_1397] {strides = array<i32>} : memref<200x128xf32, #tpu.memory_space<vmem>>, vector<1x16xf32>,
        %get3A_1399 = vector.shape_cast %get3A_1398 : vector<1x16xf32> to vector<16xf32>
        %add3A_1400 = arith.addf %add3A_1351, %get3A_1399 : vector<16xf32>
        %add3A_1401 = arith.constant 3 : i32
        %add3A_1402 = arith.addi %mul3A_1232, %add3A_1401 : i32
        %get3A_1403 = arith.index_cast %add3A_1402 : i32 to index
        %get3A_1404 = arith.constant 48 : index
        %get3A_1405 = tpu.vector_load %arg11[%get3A_1403, %get3A_1404] {strides = array<i32>} : memref<200x128xf32, #tpu.memory_space<vmem>>, vector<1x16xf32>,
        %get3A_1406 = vector.shape_cast %get3A_1405 : vector<1x16xf32> to vector<16xf32>
        %add3A_1407 = arith.addf %add3A_1358, %get3A_1406 : vector<16xf32>
        %add3A_1408 = arith.constant 3 : i32
        %add3A_1409 = arith.addi %mul3A_1232, %add3A_1408 : i32
        %get3A_1410 = arith.index_cast %add3A_1409 : i32 to index
        %get3A_1411 = arith.constant 64 : index
        %get3A_1412 = tpu.vector_load %arg11[%get3A_1410, %get3A_1411] {strides = array<i32>} : memref<200x128xf32, #tpu.memory_space<vmem>>, vector<1x16xf32>,
        %get3A_1413 = vector.shape_cast %get3A_1412 : vector<1x16xf32> to vector<16xf32>
        %add3A_1414 = arith.addf %add3A_1365, %get3A_1413 : vector<16xf32>
        %add3A_1415 = arith.constant 3 : i32
        %add3A_1416 = arith.addi %mul3A_1232, %add3A_1415 : i32
        %get3A_1417 = arith.index_cast %add3A_1416 : i32 to index
        %get3A_1418 = arith.constant 80 : index
        %get3A_1419 = tpu.vector_load %arg11[%get3A_1417, %get3A_1418] {strides = array<i32>} : memref<200x128xf32, #tpu.memory_space<vmem>>, vector<1x16xf32>,
        %get3A_1420 = vector.shape_cast %get3A_1419 : vector<1x16xf32> to vector<16xf32>
        %add3A_1421 = arith.addf %add3A_1372, %get3A_1420 : vector<16xf32>
        %add3A_1422 = arith.constant 3 : i32
        %add3A_1423 = arith.addi %mul3A_1232, %add3A_1422 : i32
        %get3A_1424 = arith.index_cast %add3A_1423 : i32 to index
        %get3A_1425 = arith.constant 84 : index
        %get3A_1426 = tpu.vector_load %arg11[%get3A_1424, %get3A_1425] {strides = array<i32>} : memref<200x128xf32, #tpu.memory_space<vmem>>, vector<1x16xf32>,
        %get3A_1427 = vector.shape_cast %get3A_1426 : vector<1x16xf32> to vector<16xf32>
        %add3A_1428 = arith.addf %add3A_1379, %get3A_1427 : vector<16xf32>
        scf.yield %add3A_1386, %add3A_1393, %add3A_1400, %add3A_1407, %add3A_1414, %add3A_1421, %add3A_1428 : vector<16xf32>, vector<16xf32>, vector<16xf32>, vector<16xf32>, vector<16xf32>, vector<16xf32>, vector<16xf32>
      }
      %scan3A_1171 = arith.constant 50 : i32
      %rem3A_1172 = arith.constant 64 : i32
      %rem3A_1173 = arith.remsi %add3A_986, %rem3A_1172 : i32
      %mul3A_1174 = vector.broadcast %scan3A_326 : f32 to vector<16xf32>
      %mul3A_1175 = arith.mulf %scan3A_1170#0, %mul3A_1174 : vector<16xf32>
      %swap3A_1176 = arith.index_cast %rem3A_1173 : i32 to index
      %swap3A_1177 = arith.constant 0 : index
      %swap3A_1178 = tpu.vector_load %arg12[%swap3A_1176, %swap3A_1177] {strides = array<i32>} : memref<64x128xf32, #tpu.memory_space<vmem>>, vector<1x16xf32>,
      %swap3A_1179 = vector.shape_cast %swap3A_1178 : vector<1x16xf32> to vector<16xf32>
      %swap3A_1180 = vector.shape_cast %mul3A_1175 : vector<16xf32> to vector<1x16xf32>
      tpu.vector_store %arg12[%swap3A_1176, %swap3A_1177], %swap3A_1180 {strides = array<i32>} : memref<64x128xf32, #tpu.memory_space<vmem>>, vector<1x16xf32>,
      %mul3A_1181 = vector.broadcast %scan3A_326 : f32 to vector<16xf32>
      %mul3A_1182 = arith.mulf %scan3A_1170#1, %mul3A_1181 : vector<16xf32>
      %swap3A_1183 = arith.index_cast %rem3A_1173 : i32 to index
      %swap3A_1184 = arith.constant 16 : index
      %swap3A_1185 = tpu.vector_load %arg12[%swap3A_1183, %swap3A_1184] {strides = array<i32>} : memref<64x128xf32, #tpu.memory_space<vmem>>, vector<1x16xf32>,
      %swap3A_1186 = vector.shape_cast %swap3A_1185 : vector<1x16xf32> to vector<16xf32>
      %swap3A_1187 = vector.shape_cast %mul3A_1182 : vector<16xf32> to vector<1x16xf32>
      tpu.vector_store %arg12[%swap3A_1183, %swap3A_1184], %swap3A_1187 {strides = array<i32>} : memref<64x128xf32, #tpu.memory_space<vmem>>, vector<1x16xf32>,
      %mul3A_1188 = vector.broadcast %scan3A_326 : f32 to vector<16xf32>
      %mul3A_1189 = arith.mulf %scan3A_1170#2, %mul3A_1188 : vector<16xf32>
      %swap3A_1190 = arith.index_cast %rem3A_1173 : i32 to index
      %swap3A_1191 = arith.constant 32 : index
      %swap3A_1192 = tpu.vector_load %arg12[%swap3A_1190, %swap3A_1191] {strides = array<i32>} : memref<64x128xf32, #tpu.memory_space<vmem>>, vector<1x16xf32>,
      %swap3A_1193 = vector.shape_cast %swap3A_1192 : vector<1x16xf32> to vector<16xf32>
      %swap3A_1194 = vector.shape_cast %mul3A_1189 : vector<16xf32> to vector<1x16xf32>
      tpu.vector_store %arg12[%swap3A_1190, %swap3A_1191], %swap3A_1194 {strides = array<i32>} : memref<64x128xf32, #tpu.memory_space<vmem>>, vector<1x16xf32>,
      %mul3A_1195 = vector.broadcast %scan3A_326 : f32 to vector<16xf32>
      %mul3A_1196 = arith.mulf %scan3A_1170#3, %mul3A_1195 : vector<16xf32>
      %swap3A_1197 = arith.index_cast %rem3A_1173 : i32 to index
      %swap3A_1198 = arith.constant 48 : index
      %swap3A_1199 = tpu.vector_load %arg12[%swap3A_1197, %swap3A_1198] {strides = array<i32>} : memref<64x128xf32, #tpu.memory_space<vmem>>, vector<1x16xf32>,
      %swap3A_1200 = vector.shape_cast %swap3A_1199 : vector<1x16xf32> to vector<16xf32>
      %swap3A_1201 = vector.shape_cast %mul3A_1196 : vector<16xf32> to vector<1x16xf32>
      tpu.vector_store %arg12[%swap3A_1197, %swap3A_1198], %swap3A_1201 {strides = array<i32>} : memref<64x128xf32, #tpu.memory_space<vmem>>, vector<1x16xf32>,
      %mul3A_1202 = vector.broadcast %scan3A_326 : f32 to vector<16xf32>
      %mul3A_1203 = arith.mulf %scan3A_1170#4, %mul3A_1202 : vector<16xf32>
      %swap3A_1204 = arith.index_cast %rem3A_1173 : i32 to index
      %swap3A_1205 = arith.constant 64 : index
      %swap3A_1206 = tpu.vector_load %arg12[%swap3A_1204, %swap3A_1205] {strides = array<i32>} : memref<64x128xf32, #tpu.memory_space<vmem>>, vector<1x16xf32>,
      %swap3A_1207 = vector.shape_cast %swap3A_1206 : vector<1x16xf32> to vector<16xf32>
      %swap3A_1208 = vector.shape_cast %mul3A_1203 : vector<16xf32> to vector<1x16xf32>
      tpu.vector_store %arg12[%swap3A_1204, %swap3A_1205], %swap3A_1208 {strides = array<i32>} : memref<64x128xf32, #tpu.memory_space<vmem>>, vector<1x16xf32>,
      %mul3A_1209 = vector.broadcast %scan3A_326 : f32 to vector<16xf32>
      %mul3A_1210 = arith.mulf %scan3A_1170#5, %mul3A_1209 : vector<16xf32>
      %swap3A_1211 = arith.index_cast %rem3A_1173 : i32 to index
      %swap3A_1212 = arith.constant 80 : index
      %swap3A_1213 = tpu.vector_load %arg12[%swap3A_1211, %swap3A_1212] {strides = array<i32>} : memref<64x128xf32, #tpu.memory_space<vmem>>, vector<1x16xf32>,
      %swap3A_1214 = vector.shape_cast %swap3A_1213 : vector<1x16xf32> to vector<16xf32>
      %swap3A_1215 = vector.shape_cast %mul3A_1210 : vector<16xf32> to vector<1x16xf32>
      tpu.vector_store %arg12[%swap3A_1211, %swap3A_1212], %swap3A_1215 {strides = array<i32>} : memref<64x128xf32, #tpu.memory_space<vmem>>, vector<1x16xf32>,
      %mul3A_1216 = vector.broadcast %scan3A_326 : f32 to vector<16xf32>
      %mul3A_1217 = arith.mulf %scan3A_1170#6, %mul3A_1216 : vector<16xf32>
      %swap3A_1218 = arith.index_cast %rem3A_1173 : i32 to index
      %swap3A_1219 = arith.constant 84 : index
      %swap3A_1220 = tpu.vector_load %arg12[%swap3A_1218, %swap3A_1219] {strides = array<i32>} : memref<64x128xf32, #tpu.memory_space<vmem>>, vector<1x16xf32>,
      %swap3A_1221 = vector.shape_cast %swap3A_1220 : vector<1x16xf32> to vector<16xf32>
      %swap3A_1222 = vector.shape_cast %mul3A_1217 : vector<16xf32> to vector<1x16xf32>
      tpu.vector_store %arg12[%swap3A_1218, %swap3A_1219], %swap3A_1222 {strides = array<i32>} : memref<64x128xf32, #tpu.memory_space<vmem>>, vector<1x16xf32>,
    }
    %scan3A_331 = arith.constant 42 : i32
    %dma_wait3A = arith.constant 0 : i32
    %dma_wait3A_332 = arith.constant 0 : i32
    %dma_wait3A_333 = arith.constant 0 : i32
    %dma_wait3A_334 = tpu.memref_slice %arg9[%dma_wait3A_332, %dma_wait3A_333] : memref<200x128xf32, #tpu.memory_space<vmem>> -> memref<128x128xf32, #tpu.memory_space<vmem>>
    %dma_wait3A_335 = arith.constant 0 : i32
    %dma_wait3A_336 = tpu.memref_slice %arg6[%dma_wait3A, %dma_wait3A_335] : memref<8x256xi32, #tpu.memory_space<vmem>> -> memref<1x128xi32, #tpu.memory_space<vmem>>
    %dma_wait3A_337 = tpu.memref_squeeze %dma_wait3A_336 : memref<1x128xi32, #tpu.memory_space<vmem>> -> memref<128xi32, #tpu.memory_space<vmem>>
    %dma_wait3A_338 = arith.constant 0 : i32
    %dma_wait3A_339 = arith.constant 0 : i32
    %dma_wait3A_340 = tpu.memref_slice %arg3[%dma_wait3A_338, %dma_wait3A_339] : memref<400000x128xf32, #tpu.memory_space<hbm>> -> memref<400000x128xf32, #tpu.memory_space<hbm>>
    tpu.wait_indirect_dma semaphore(%arg13 : memref<!tpu.dma_semaphore, #tpu.memory_space<semaphore_mem>>) src(%dma_wait3A_340 : memref<400000x128xf32, #tpu.memory_space<hbm>>) dst(%dma_wait3A_334 : memref<128x128xf32, #tpu.memory_space<vmem>>)
    %dma_wait3A_341 = arith.constant 0 : i32
    %dma_wait3A_342 = arith.constant 128 : i32
    %dma_wait3A_343 = arith.constant 0 : i32
    %dma_wait3A_344 = tpu.memref_slice %arg9[%dma_wait3A_342, %dma_wait3A_343] : memref<200x128xf32, #tpu.memory_space<vmem>> -> memref<72x128xf32, #tpu.memory_space<vmem>>
    %dma_wait3A_345 = arith.constant 128 : i32
    %dma_wait3A_346 = tpu.memref_slice %arg6[%dma_wait3A_341, %dma_wait3A_345] : memref<8x256xi32, #tpu.memory_space<vmem>> -> memref<1x72xi32, #tpu.memory_space<vmem>>
    %dma_wait3A_347 = tpu.memref_squeeze %dma_wait3A_346 : memref<1x72xi32, #tpu.memory_space<vmem>> -> memref<72xi32, #tpu.memory_space<vmem>>
    %dma_wait3A_348 = arith.constant 0 : i32
    %dma_wait3A_349 = arith.constant 0 : i32
    %dma_wait3A_350 = tpu.memref_slice %arg3[%dma_wait3A_348, %dma_wait3A_349] : memref<400000x128xf32, #tpu.memory_space<hbm>> -> memref<400000x128xf32, #tpu.memory_space<hbm>>
    tpu.wait_indirect_dma semaphore(%arg13 : memref<!tpu.dma_semaphore, #tpu.memory_space<semaphore_mem>>) src(%dma_wait3A_350 : memref<400000x128xf32, #tpu.memory_space<hbm>>) dst(%dma_wait3A_344 : memref<72x128xf32, #tpu.memory_space<vmem>>)
    %broadcast_in_dim3A = arith.constant 0.000000e+00 : f32
    %broadcast_in_dim3A_351 = vector.broadcast %broadcast_in_dim3A : f32 to vector<16xf32>
    %scan3A_352 = arith.constant 0 : i32
    %scan3A_353 = arith.constant 50 : i32
    %scan3A_354 = arith.addi %scan3A_352, %scan3A_353 : i32
    %scan3A_355 = arith.constant 1 : i32
    %scan3A_356:7 = scf.for %scan3A_505 = %scan3A_352 to %scan3A_354 step %scan3A_355 iter_args(%scan3A_506 = %broadcast_in_dim3A_351, %scan3A_507 = %broadcast_in_dim3A_351, %scan3A_508 = %broadcast_in_dim3A_351, %scan3A_509 = %broadcast_in_dim3A_351, %scan3A_510 = %broadcast_in_dim3A_351, %scan3A_511 = %broadcast_in_dim3A_351, %scan3A_512 = %broadcast_in_dim3A_351) -> (vector<16xf32>, vector<16xf32>, vector<16xf32>, vector<16xf32>, vector<16xf32>, vector<16xf32>, vector<16xf32>)  : i32 {
      %mul3A_513 = arith.constant 4 : i32
      %mul3A_514 = arith.muli %scan3A_505, %mul3A_513 : i32
      %add3A_515 = arith.constant 0 : i32
      %add3A_516 = arith.addi %mul3A_514, %add3A_515 : i32
      %get3A_517 = arith.index_cast %add3A_516 : i32 to index
      %get3A_518 = arith.constant 0 : index
      %get3A_519 = tpu.vector_load %arg9[%get3A_517, %get3A_518] {strides = array<i32>} : memref<200x128xf32, #tpu.memory_space<vmem>>, vector<1x16xf32>,
      %get3A_520 = vector.shape_cast %get3A_519 : vector<1x16xf32> to vector<16xf32>
      %add3A_521 = arith.addf %scan3A_506, %get3A_520 : vector<16xf32>
      %add3A_522 = arith.constant 0 : i32
      %add3A_523 = arith.addi %mul3A_514, %add3A_522 : i32
      %get3A_524 = arith.index_cast %add3A_523 : i32 to index
      %get3A_525 = arith.constant 16 : index
      %get3A_526 = tpu.vector_load %arg9[%get3A_524, %get3A_525] {strides = array<i32>} : memref<200x128xf32, #tpu.memory_space<vmem>>, vector<1x16xf32>,
      %get3A_527 = vector.shape_cast %get3A_526 : vector<1x16xf32> to vector<16xf32>
      %add3A_528 = arith.addf %scan3A_507, %get3A_527 : vector<16xf32>
      %add3A_529 = arith.constant 0 : i32
      %add3A_530 = arith.addi %mul3A_514, %add3A_529 : i32
      %get3A_531 = arith.index_cast %add3A_530 : i32 to index
      %get3A_532 = arith.constant 32 : index
      %get3A_533 = tpu.vector_load %arg9[%get3A_531, %get3A_532] {strides = array<i32>} : memref<200x128xf32, #tpu.memory_space<vmem>>, vector<1x16xf32>,
      %get3A_534 = vector.shape_cast %get3A_533 : vector<1x16xf32> to vector<16xf32>
      %add3A_535 = arith.addf %scan3A_508, %get3A_534 : vector<16xf32>
      %add3A_536 = arith.constant 0 : i32
      %add3A_537 = arith.addi %mul3A_514, %add3A_536 : i32
      %get3A_538 = arith.index_cast %add3A_537 : i32 to index
      %get3A_539 = arith.constant 48 : index
      %get3A_540 = tpu.vector_load %arg9[%get3A_538, %get3A_539] {strides = array<i32>} : memref<200x128xf32, #tpu.memory_space<vmem>>, vector<1x16xf32>,
      %get3A_541 = vector.shape_cast %get3A_540 : vector<1x16xf32> to vector<16xf32>
      %add3A_542 = arith.addf %scan3A_509, %get3A_541 : vector<16xf32>
      %add3A_543 = arith.constant 0 : i32
      %add3A_544 = arith.addi %mul3A_514, %add3A_543 : i32
      %get3A_545 = arith.index_cast %add3A_544 : i32 to index
      %get3A_546 = arith.constant 64 : index
      %get3A_547 = tpu.vector_load %arg9[%get3A_545, %get3A_546] {strides = array<i32>} : memref<200x128xf32, #tpu.memory_space<vmem>>, vector<1x16xf32>,
      %get3A_548 = vector.shape_cast %get3A_547 : vector<1x16xf32> to vector<16xf32>
      %add3A_549 = arith.addf %scan3A_510, %get3A_548 : vector<16xf32>
      %add3A_550 = arith.constant 0 : i32
      %add3A_551 = arith.addi %mul3A_514, %add3A_550 : i32
      %get3A_552 = arith.index_cast %add3A_551 : i32 to index
      %get3A_553 = arith.constant 80 : index
      %get3A_554 = tpu.vector_load %arg9[%get3A_552, %get3A_553] {strides = array<i32>} : memref<200x128xf32, #tpu.memory_space<vmem>>, vector<1x16xf32>,
      %get3A_555 = vector.shape_cast %get3A_554 : vector<1x16xf32> to vector<16xf32>
      %add3A_556 = arith.addf %scan3A_511, %get3A_555 : vector<16xf32>
      %add3A_557 = arith.constant 0 : i32
      %add3A_558 = arith.addi %mul3A_514, %add3A_557 : i32
      %get3A_559 = arith.index_cast %add3A_558 : i32 to index
      %get3A_560 = arith.constant 84 : index
      %get3A_561 = tpu.vector_load %arg9[%get3A_559, %get3A_560] {strides = array<i32>} : memref<200x128xf32, #tpu.memory_space<vmem>>, vector<1x16xf32>,
      %get3A_562 = vector.shape_cast %get3A_561 : vector<1x16xf32> to vector<16xf32>
      %add3A_563 = arith.addf %scan3A_512, %get3A_562 : vector<16xf32>
      %add3A_564 = arith.constant 1 : i32
      %add3A_565 = arith.addi %mul3A_514, %add3A_564 : i32
      %get3A_566 = arith.index_cast %add3A_565 : i32 to index
      %get3A_567 = arith.constant 0 : index
      %get3A_568 = tpu.vector_load %arg9[%get3A_566, %get3A_567] {strides = array<i32>} : memref<200x128xf32, #tpu.memory_space<vmem>>, vector<1x16xf32>,
      %get3A_569 = vector.shape_cast %get3A_568 : vector<1x16xf32> to vector<16xf32>
      %add3A_570 = arith.addf %add3A_521, %get3A_569 : vector<16xf32>
      %add3A_571 = arith.constant 1 : i32
      %add3A_572 = arith.addi %mul3A_514, %add3A_571 : i32
      %get3A_573 = arith.index_cast %add3A_572 : i32 to index
      %get3A_574 = arith.constant 16 : index
      %get3A_575 = tpu.vector_load %arg9[%get3A_573, %get3A_574] {strides = array<i32>} : memref<200x128xf32, #tpu.memory_space<vmem>>, vector<1x16xf32>,
      %get3A_576 = vector.shape_cast %get3A_575 : vector<1x16xf32> to vector<16xf32>
      %add3A_577 = arith.addf %add3A_528, %get3A_576 : vector<16xf32>
      %add3A_578 = arith.constant 1 : i32
      %add3A_579 = arith.addi %mul3A_514, %add3A_578 : i32
      %get3A_580 = arith.index_cast %add3A_579 : i32 to index
      %get3A_581 = arith.constant 32 : index
      %get3A_582 = tpu.vector_load %arg9[%get3A_580, %get3A_581] {strides = array<i32>} : memref<200x128xf32, #tpu.memory_space<vmem>>, vector<1x16xf32>,
      %get3A_583 = vector.shape_cast %get3A_582 : vector<1x16xf32> to vector<16xf32>
      %add3A_584 = arith.addf %add3A_535, %get3A_583 : vector<16xf32>
      %add3A_585 = arith.constant 1 : i32
      %add3A_586 = arith.addi %mul3A_514, %add3A_585 : i32
      %get3A_587 = arith.index_cast %add3A_586 : i32 to index
      %get3A_588 = arith.constant 48 : index
      %get3A_589 = tpu.vector_load %arg9[%get3A_587, %get3A_588] {strides = array<i32>} : memref<200x128xf32, #tpu.memory_space<vmem>>, vector<1x16xf32>,
      %get3A_590 = vector.shape_cast %get3A_589 : vector<1x16xf32> to vector<16xf32>
      %add3A_591 = arith.addf %add3A_542, %get3A_590 : vector<16xf32>
      %add3A_592 = arith.constant 1 : i32
      %add3A_593 = arith.addi %mul3A_514, %add3A_592 : i32
      %get3A_594 = arith.index_cast %add3A_593 : i32 to index
      %get3A_595 = arith.constant 64 : index
      %get3A_596 = tpu.vector_load %arg9[%get3A_594, %get3A_595] {strides = array<i32>} : memref<200x128xf32, #tpu.memory_space<vmem>>, vector<1x16xf32>,
      %get3A_597 = vector.shape_cast %get3A_596 : vector<1x16xf32> to vector<16xf32>
      %add3A_598 = arith.addf %add3A_549, %get3A_597 : vector<16xf32>
      %add3A_599 = arith.constant 1 : i32
      %add3A_600 = arith.addi %mul3A_514, %add3A_599 : i32
      %get3A_601 = arith.index_cast %add3A_600 : i32 to index
      %get3A_602 = arith.constant 80 : index
      %get3A_603 = tpu.vector_load %arg9[%get3A_601, %get3A_602] {strides = array<i32>} : memref<200x128xf32, #tpu.memory_space<vmem>>, vector<1x16xf32>,
      %get3A_604 = vector.shape_cast %get3A_603 : vector<1x16xf32> to vector<16xf32>
      %add3A_605 = arith.addf %add3A_556, %get3A_604 : vector<16xf32>
      %add3A_606 = arith.constant 1 : i32
      %add3A_607 = arith.addi %mul3A_514, %add3A_606 : i32
      %get3A_608 = arith.index_cast %add3A_607 : i32 to index
      %get3A_609 = arith.constant 84 : index
      %get3A_610 = tpu.vector_load %arg9[%get3A_608, %get3A_609] {strides = array<i32>} : memref<200x128xf32, #tpu.memory_space<vmem>>, vector<1x16xf32>,
      %get3A_611 = vector.shape_cast %get3A_610 : vector<1x16xf32> to vector<16xf32>
      %add3A_612 = arith.addf %add3A_563, %get3A_611 : vector<16xf32>
      %add3A_613 = arith.constant 2 : i32
      %add3A_614 = arith.addi %mul3A_514, %add3A_613 : i32
      %get3A_615 = arith.index_cast %add3A_614 : i32 to index
      %get3A_616 = arith.constant 0 : index
      %get3A_617 = tpu.vector_load %arg9[%get3A_615, %get3A_616] {strides = array<i32>} : memref<200x128xf32, #tpu.memory_space<vmem>>, vector<1x16xf32>,
      %get3A_618 = vector.shape_cast %get3A_617 : vector<1x16xf32> to vector<16xf32>
      %add3A_619 = arith.addf %add3A_570, %get3A_618 : vector<16xf32>
      %add3A_620 = arith.constant 2 : i32
      %add3A_621 = arith.addi %mul3A_514, %add3A_620 : i32
      %get3A_622 = arith.index_cast %add3A_621 : i32 to index
      %get3A_623 = arith.constant 16 : index
      %get3A_624 = tpu.vector_load %arg9[%get3A_622, %get3A_623] {strides = array<i32>} : memref<200x128xf32, #tpu.memory_space<vmem>>, vector<1x16xf32>,
      %get3A_625 = vector.shape_cast %get3A_624 : vector<1x16xf32> to vector<16xf32>
      %add3A_626 = arith.addf %add3A_577, %get3A_625 : vector<16xf32>
      %add3A_627 = arith.constant 2 : i32
      %add3A_628 = arith.addi %mul3A_514, %add3A_627 : i32
      %get3A_629 = arith.index_cast %add3A_628 : i32 to index
      %get3A_630 = arith.constant 32 : index
      %get3A_631 = tpu.vector_load %arg9[%get3A_629, %get3A_630] {strides = array<i32>} : memref<200x128xf32, #tpu.memory_space<vmem>>, vector<1x16xf32>,
      %get3A_632 = vector.shape_cast %get3A_631 : vector<1x16xf32> to vector<16xf32>
      %add3A_633 = arith.addf %add3A_584, %get3A_632 : vector<16xf32>
      %add3A_634 = arith.constant 2 : i32
      %add3A_635 = arith.addi %mul3A_514, %add3A_634 : i32
      %get3A_636 = arith.index_cast %add3A_635 : i32 to index
      %get3A_637 = arith.constant 48 : index
      %get3A_638 = tpu.vector_load %arg9[%get3A_636, %get3A_637] {strides = array<i32>} : memref<200x128xf32, #tpu.memory_space<vmem>>, vector<1x16xf32>,
      %get3A_639 = vector.shape_cast %get3A_638 : vector<1x16xf32> to vector<16xf32>
      %add3A_640 = arith.addf %add3A_591, %get3A_639 : vector<16xf32>
      %add3A_641 = arith.constant 2 : i32
      %add3A_642 = arith.addi %mul3A_514, %add3A_641 : i32
      %get3A_643 = arith.index_cast %add3A_642 : i32 to index
      %get3A_644 = arith.constant 64 : index
      %get3A_645 = tpu.vector_load %arg9[%get3A_643, %get3A_644] {strides = array<i32>} : memref<200x128xf32, #tpu.memory_space<vmem>>, vector<1x16xf32>,
      %get3A_646 = vector.shape_cast %get3A_645 : vector<1x16xf32> to vector<16xf32>
      %add3A_647 = arith.addf %add3A_598, %get3A_646 : vector<16xf32>
      %add3A_648 = arith.constant 2 : i32
      %add3A_649 = arith.addi %mul3A_514, %add3A_648 : i32
      %get3A_650 = arith.index_cast %add3A_649 : i32 to index
      %get3A_651 = arith.constant 80 : index
      %get3A_652 = tpu.vector_load %arg9[%get3A_650, %get3A_651] {strides = array<i32>} : memref<200x128xf32, #tpu.memory_space<vmem>>, vector<1x16xf32>,
      %get3A_653 = vector.shape_cast %get3A_652 : vector<1x16xf32> to vector<16xf32>
      %add3A_654 = arith.addf %add3A_605, %get3A_653 : vector<16xf32>
      %add3A_655 = arith.constant 2 : i32
      %add3A_656 = arith.addi %mul3A_514, %add3A_655 : i32
      %get3A_657 = arith.index_cast %add3A_656 : i32 to index
      %get3A_658 = arith.constant 84 : index
      %get3A_659 = tpu.vector_load %arg9[%get3A_657, %get3A_658] {strides = array<i32>} : memref<200x128xf32, #tpu.memory_space<vmem>>, vector<1x16xf32>,
      %get3A_660 = vector.shape_cast %get3A_659 : vector<1x16xf32> to vector<16xf32>
      %add3A_661 = arith.addf %add3A_612, %get3A_660 : vector<16xf32>
      %add3A_662 = arith.constant 3 : i32
      %add3A_663 = arith.addi %mul3A_514, %add3A_662 : i32
      %get3A_664 = arith.index_cast %add3A_663 : i32 to index
      %get3A_665 = arith.constant 0 : index
      %get3A_666 = tpu.vector_load %arg9[%get3A_664, %get3A_665] {strides = array<i32>} : memref<200x128xf32, #tpu.memory_space<vmem>>, vector<1x16xf32>,
      %get3A_667 = vector.shape_cast %get3A_666 : vector<1x16xf32> to vector<16xf32>
      %add3A_668 = arith.addf %add3A_619, %get3A_667 : vector<16xf32>
      %add3A_669 = arith.constant 3 : i32
      %add3A_670 = arith.addi %mul3A_514, %add3A_669 : i32
      %get3A_671 = arith.index_cast %add3A_670 : i32 to index
      %get3A_672 = arith.constant 16 : index
      %get3A_673 = tpu.vector_load %arg9[%get3A_671, %get3A_672] {strides = array<i32>} : memref<200x128xf32, #tpu.memory_space<vmem>>, vector<1x16xf32>,
      %get3A_674 = vector.shape_cast %get3A_673 : vector<1x16xf32> to vector<16xf32>
      %add3A_675 = arith.addf %add3A_626, %get3A_674 : vector<16xf32>
      %add3A_676 = arith.constant 3 : i32
      %add3A_677 = arith.addi %mul3A_514, %add3A_676 : i32
      %get3A_678 = arith.index_cast %add3A_677 : i32 to index
      %get3A_679 = arith.constant 32 : index
      %get3A_680 = tpu.vector_load %arg9[%get3A_678, %get3A_679] {strides = array<i32>} : memref<200x128xf32, #tpu.memory_space<vmem>>, vector<1x16xf32>,
      %get3A_681 = vector.shape_cast %get3A_680 : vector<1x16xf32> to vector<16xf32>
      %add3A_682 = arith.addf %add3A_633, %get3A_681 : vector<16xf32>
      %add3A_683 = arith.constant 3 : i32
      %add3A_684 = arith.addi %mul3A_514, %add3A_683 : i32
      %get3A_685 = arith.index_cast %add3A_684 : i32 to index
      %get3A_686 = arith.constant 48 : index
      %get3A_687 = tpu.vector_load %arg9[%get3A_685, %get3A_686] {strides = array<i32>} : memref<200x128xf32, #tpu.memory_space<vmem>>, vector<1x16xf32>,
      %get3A_688 = vector.shape_cast %get3A_687 : vector<1x16xf32> to vector<16xf32>
      %add3A_689 = arith.addf %add3A_640, %get3A_688 : vector<16xf32>
      %add3A_690 = arith.constant 3 : i32
      %add3A_691 = arith.addi %mul3A_514, %add3A_690 : i32
      %get3A_692 = arith.index_cast %add3A_691 : i32 to index
      %get3A_693 = arith.constant 64 : index
      %get3A_694 = tpu.vector_load %arg9[%get3A_692, %get3A_693] {strides = array<i32>} : memref<200x128xf32, #tpu.memory_space<vmem>>, vector<1x16xf32>,
      %get3A_695 = vector.shape_cast %get3A_694 : vector<1x16xf32> to vector<16xf32>
      %add3A_696 = arith.addf %add3A_647, %get3A_695 : vector<16xf32>
      %add3A_697 = arith.constant 3 : i32
      %add3A_698 = arith.addi %mul3A_514, %add3A_697 : i32
      %get3A_699 = arith.index_cast %add3A_698 : i32 to index
      %get3A_700 = arith.constant 80 : index
      %get3A_701 = tpu.vector_load %arg9[%get3A_699, %get3A_700] {strides = array<i32>} : memref<200x128xf32, #tpu.memory_space<vmem>>, vector<1x16xf32>,
      %get3A_702 = vector.shape_cast %get3A_701 : vector<1x16xf32> to vector<16xf32>
      %add3A_703 = arith.addf %add3A_654, %get3A_702 : vector<16xf32>
      %add3A_704 = arith.constant 3 : i32
      %add3A_705 = arith.addi %mul3A_514, %add3A_704 : i32
      %get3A_706 = arith.index_cast %add3A_705 : i32 to index
      %get3A_707 = arith.constant 84 : index
      %get3A_708 = tpu.vector_load %arg9[%get3A_706, %get3A_707] {strides = array<i32>} : memref<200x128xf32, #tpu.memory_space<vmem>>, vector<1x16xf32>,
      %get3A_709 = vector.shape_cast %get3A_708 : vector<1x16xf32> to vector<16xf32>
      %add3A_710 = arith.addf %add3A_661, %get3A_709 : vector<16xf32>
      scf.yield %add3A_668, %add3A_675, %add3A_682, %add3A_689, %add3A_696, %add3A_703, %add3A_710 : vector<16xf32>, vector<16xf32>, vector<16xf32>, vector<16xf32>, vector<16xf32>, vector<16xf32>, vector<16xf32>
    }
    %scan3A_357 = arith.constant 50 : i32
    %rem3A = arith.constant 126 : i32
    %rem3A_358 = arith.constant 64 : i32
    %rem3A_359 = arith.remsi %rem3A, %rem3A_358 : i32
    %mul3A_360 = arith.constant 5.000000e-03 : f32
    %mul3A_361 = vector.broadcast %mul3A_360 : f32 to vector<16xf32>
    %mul3A_362 = arith.mulf %scan3A_356#0, %mul3A_361 : vector<16xf32>
    %swap3A_363 = arith.index_cast %rem3A_359 : i32 to index
    %swap3A_364 = arith.constant 0 : index
    %swap3A_365 = tpu.vector_load %arg12[%swap3A_363, %swap3A_364] {strides = array<i32>} : memref<64x128xf32, #tpu.memory_space<vmem>>, vector<1x16xf32>,
    %swap3A_366 = vector.shape_cast %swap3A_365 : vector<1x16xf32> to vector<16xf32>
    %swap3A_367 = vector.shape_cast %mul3A_362 : vector<16xf32> to vector<1x16xf32>
    tpu.vector_store %arg12[%swap3A_363, %swap3A_364], %swap3A_367 {strides = array<i32>} : memref<64x128xf32, #tpu.memory_space<vmem>>, vector<1x16xf32>,
    %mul3A_368 = arith.constant 5.000000e-03 : f32
    %mul3A_369 = vector.broadcast %mul3A_368 : f32 to vector<16xf32>
    %mul3A_370 = arith.mulf %scan3A_356#1, %mul3A_369 : vector<16xf32>
    %swap3A_371 = arith.index_cast %rem3A_359 : i32 to index
    %swap3A_372 = arith.constant 16 : index
    %swap3A_373 = tpu.vector_load %arg12[%swap3A_371, %swap3A_372] {strides = array<i32>} : memref<64x128xf32, #tpu.memory_space<vmem>>, vector<1x16xf32>,
    %swap3A_374 = vector.shape_cast %swap3A_373 : vector<1x16xf32> to vector<16xf32>
    %swap3A_375 = vector.shape_cast %mul3A_370 : vector<16xf32> to vector<1x16xf32>
    tpu.vector_store %arg12[%swap3A_371, %swap3A_372], %swap3A_375 {strides = array<i32>} : memref<64x128xf32, #tpu.memory_space<vmem>>, vector<1x16xf32>,
    %mul3A_376 = arith.constant 5.000000e-03 : f32
    %mul3A_377 = vector.broadcast %mul3A_376 : f32 to vector<16xf32>
    %mul3A_378 = arith.mulf %scan3A_356#2, %mul3A_377 : vector<16xf32>
    %swap3A_379 = arith.index_cast %rem3A_359 : i32 to index
    %swap3A_380 = arith.constant 32 : index
    %swap3A_381 = tpu.vector_load %arg12[%swap3A_379, %swap3A_380] {strides = array<i32>} : memref<64x128xf32, #tpu.memory_space<vmem>>, vector<1x16xf32>,
    %swap3A_382 = vector.shape_cast %swap3A_381 : vector<1x16xf32> to vector<16xf32>
    %swap3A_383 = vector.shape_cast %mul3A_378 : vector<16xf32> to vector<1x16xf32>
    tpu.vector_store %arg12[%swap3A_379, %swap3A_380], %swap3A_383 {strides = array<i32>} : memref<64x128xf32, #tpu.memory_space<vmem>>, vector<1x16xf32>,
    %mul3A_384 = arith.constant 5.000000e-03 : f32
    %mul3A_385 = vector.broadcast %mul3A_384 : f32 to vector<16xf32>
    %mul3A_386 = arith.mulf %scan3A_356#3, %mul3A_385 : vector<16xf32>
    %swap3A_387 = arith.index_cast %rem3A_359 : i32 to index
    %swap3A_388 = arith.constant 48 : index
    %swap3A_389 = tpu.vector_load %arg12[%swap3A_387, %swap3A_388] {strides = array<i32>} : memref<64x128xf32, #tpu.memory_space<vmem>>, vector<1x16xf32>,
    %swap3A_390 = vector.shape_cast %swap3A_389 : vector<1x16xf32> to vector<16xf32>
    %swap3A_391 = vector.shape_cast %mul3A_386 : vector<16xf32> to vector<1x16xf32>
    tpu.vector_store %arg12[%swap3A_387, %swap3A_388], %swap3A_391 {strides = array<i32>} : memref<64x128xf32, #tpu.memory_space<vmem>>, vector<1x16xf32>,
    %mul3A_392 = arith.constant 5.000000e-03 : f32
    %mul3A_393 = vector.broadcast %mul3A_392 : f32 to vector<16xf32>
    %mul3A_394 = arith.mulf %scan3A_356#4, %mul3A_393 : vector<16xf32>
    %swap3A_395 = arith.index_cast %rem3A_359 : i32 to index
    %swap3A_396 = arith.constant 64 : index
    %swap3A_397 = tpu.vector_load %arg12[%swap3A_395, %swap3A_396] {strides = array<i32>} : memref<64x128xf32, #tpu.memory_space<vmem>>, vector<1x16xf32>,
    %swap3A_398 = vector.shape_cast %swap3A_397 : vector<1x16xf32> to vector<16xf32>
    %swap3A_399 = vector.shape_cast %mul3A_394 : vector<16xf32> to vector<1x16xf32>
    tpu.vector_store %arg12[%swap3A_395, %swap3A_396], %swap3A_399 {strides = array<i32>} : memref<64x128xf32, #tpu.memory_space<vmem>>, vector<1x16xf32>,
    %mul3A_400 = arith.constant 5.000000e-03 : f32
    %mul3A_401 = vector.broadcast %mul3A_400 : f32 to vector<16xf32>
    %mul3A_402 = arith.mulf %scan3A_356#5, %mul3A_401 : vector<16xf32>
    %swap3A_403 = arith.index_cast %rem3A_359 : i32 to index
    %swap3A_404 = arith.constant 80 : index
    %swap3A_405 = tpu.vector_load %arg12[%swap3A_403, %swap3A_404] {strides = array<i32>} : memref<64x128xf32, #tpu.memory_space<vmem>>, vector<1x16xf32>,
    %swap3A_406 = vector.shape_cast %swap3A_405 : vector<1x16xf32> to vector<16xf32>
    %swap3A_407 = vector.shape_cast %mul3A_402 : vector<16xf32> to vector<1x16xf32>
    tpu.vector_store %arg12[%swap3A_403, %swap3A_404], %swap3A_407 {strides = array<i32>} : memref<64x128xf32, #tpu.memory_space<vmem>>, vector<1x16xf32>,
    %mul3A_408 = arith.constant 5.000000e-03 : f32
    %mul3A_409 = vector.broadcast %mul3A_408 : f32 to vector<16xf32>
    %mul3A_410 = arith.mulf %scan3A_356#6, %mul3A_409 : vector<16xf32>
    %swap3A_411 = arith.index_cast %rem3A_359 : i32 to index
    %swap3A_412 = arith.constant 84 : index
    %swap3A_413 = tpu.vector_load %arg12[%swap3A_411, %swap3A_412] {strides = array<i32>} : memref<64x128xf32, #tpu.memory_space<vmem>>, vector<1x16xf32>,
    %swap3A_414 = vector.shape_cast %swap3A_413 : vector<1x16xf32> to vector<16xf32>
    %swap3A_415 = vector.shape_cast %mul3A_410 : vector<16xf32> to vector<1x16xf32>
    tpu.vector_store %arg12[%swap3A_411, %swap3A_412], %swap3A_415 {strides = array<i32>} : memref<64x128xf32, #tpu.memory_space<vmem>>, vector<1x16xf32>,
    %dma_wait3A_416 = arith.constant 0 : i32
    %dma_wait3A_417 = arith.constant 0 : i32
    %dma_wait3A_418 = arith.constant 0 : i32
    %dma_wait3A_419 = tpu.memref_slice %arg10[%dma_wait3A_417, %dma_wait3A_418] : memref<200x128xf32, #tpu.memory_space<vmem>> -> memref<128x128xf32, #tpu.memory_space<vmem>>
    %dma_wait3A_420 = arith.constant 0 : i32
    %dma_wait3A_421 = tpu.memref_slice %arg7[%dma_wait3A_416, %dma_wait3A_420] : memref<8x256xi32, #tpu.memory_space<vmem>> -> memref<1x128xi32, #tpu.memory_space<vmem>>
    %dma_wait3A_422 = tpu.memref_squeeze %dma_wait3A_421 : memref<1x128xi32, #tpu.memory_space<vmem>> -> memref<128xi32, #tpu.memory_space<vmem>>
    %dma_wait3A_423 = arith.constant 0 : i32
    %dma_wait3A_424 = arith.constant 0 : i32
    %dma_wait3A_425 = tpu.memref_slice %arg3[%dma_wait3A_423, %dma_wait3A_424] : memref<400000x128xf32, #tpu.memory_space<hbm>> -> memref<400000x128xf32, #tpu.memory_space<hbm>>
    tpu.wait_indirect_dma semaphore(%arg14 : memref<!tpu.dma_semaphore, #tpu.memory_space<semaphore_mem>>) src(%dma_wait3A_425 : memref<400000x128xf32, #tpu.memory_space<hbm>>) dst(%dma_wait3A_419 : memref<128x128xf32, #tpu.memory_space<vmem>>)
    %dma_wait3A_426 = arith.constant 0 : i32
    %dma_wait3A_427 = arith.constant 128 : i32
    %dma_wait3A_428 = arith.constant 0 : i32
    %dma_wait3A_429 = tpu.memref_slice %arg10[%dma_wait3A_427, %dma_wait3A_428] : memref<200x128xf32, #tpu.memory_space<vmem>> -> memref<72x128xf32, #tpu.memory_space<vmem>>
    %dma_wait3A_430 = arith.constant 128 : i32
    %dma_wait3A_431 = tpu.memref_slice %arg7[%dma_wait3A_426, %dma_wait3A_430] : memref<8x256xi32, #tpu.memory_space<vmem>> -> memref<1x72xi32, #tpu.memory_space<vmem>>
    %dma_wait3A_432 = tpu.memref_squeeze %dma_wait3A_431 : memref<1x72xi32, #tpu.memory_space<vmem>> -> memref<72xi32, #tpu.memory_space<vmem>>
    %dma_wait3A_433 = arith.constant 0 : i32
    %dma_wait3A_434 = arith.constant 0 : i32
    %dma_wait3A_435 = tpu.memref_slice %arg3[%dma_wait3A_433, %dma_wait3A_434] : memref<400000x128xf32, #tpu.memory_space<hbm>> -> memref<400000x128xf32, #tpu.memory_space<hbm>>
    tpu.wait_indirect_dma semaphore(%arg14 : memref<!tpu.dma_semaphore, #tpu.memory_space<semaphore_mem>>) src(%dma_wait3A_435 : memref<400000x128xf32, #tpu.memory_space<hbm>>) dst(%dma_wait3A_429 : memref<72x128xf32, #tpu.memory_space<vmem>>)
    %broadcast_in_dim3A_436 = arith.constant 0.000000e+00 : f32
    %broadcast_in_dim3A_437 = vector.broadcast %broadcast_in_dim3A_436 : f32 to vector<16xf32>
    %scan3A_438 = arith.constant 0 : i32
    %scan3A_439 = arith.constant 50 : i32
    %scan3A_440 = arith.addi %scan3A_438, %scan3A_439 : i32
    %scan3A_441 = arith.constant 1 : i32
    %scan3A_442:7 = scf.for %scan3A_505 = %scan3A_438 to %scan3A_440 step %scan3A_441 iter_args(%scan3A_506 = %broadcast_in_dim3A_437, %scan3A_507 = %broadcast_in_dim3A_437, %scan3A_508 = %broadcast_in_dim3A_437, %scan3A_509 = %broadcast_in_dim3A_437, %scan3A_510 = %broadcast_in_dim3A_437, %scan3A_511 = %broadcast_in_dim3A_437, %scan3A_512 = %broadcast_in_dim3A_437) -> (vector<16xf32>, vector<16xf32>, vector<16xf32>, vector<16xf32>, vector<16xf32>, vector<16xf32>, vector<16xf32>)  : i32 {
      %mul3A_513 = arith.constant 4 : i32
      %mul3A_514 = arith.muli %scan3A_505, %mul3A_513 : i32
      %add3A_515 = arith.constant 0 : i32
      %add3A_516 = arith.addi %mul3A_514, %add3A_515 : i32
      %get3A_517 = arith.index_cast %add3A_516 : i32 to index
      %get3A_518 = arith.constant 0 : index
      %get3A_519 = tpu.vector_load %arg10[%get3A_517, %get3A_518] {strides = array<i32>} : memref<200x128xf32, #tpu.memory_space<vmem>>, vector<1x16xf32>,
      %get3A_520 = vector.shape_cast %get3A_519 : vector<1x16xf32> to vector<16xf32>
      %add3A_521 = arith.addf %scan3A_506, %get3A_520 : vector<16xf32>
      %add3A_522 = arith.constant 0 : i32
      %add3A_523 = arith.addi %mul3A_514, %add3A_522 : i32
      %get3A_524 = arith.index_cast %add3A_523 : i32 to index
      %get3A_525 = arith.constant 16 : index
      %get3A_526 = tpu.vector_load %arg10[%get3A_524, %get3A_525] {strides = array<i32>} : memref<200x128xf32, #tpu.memory_space<vmem>>, vector<1x16xf32>,
      %get3A_527 = vector.shape_cast %get3A_526 : vector<1x16xf32> to vector<16xf32>
      %add3A_528 = arith.addf %scan3A_507, %get3A_527 : vector<16xf32>
      %add3A_529 = arith.constant 0 : i32
      %add3A_530 = arith.addi %mul3A_514, %add3A_529 : i32
      %get3A_531 = arith.index_cast %add3A_530 : i32 to index
      %get3A_532 = arith.constant 32 : index
      %get3A_533 = tpu.vector_load %arg10[%get3A_531, %get3A_532] {strides = array<i32>} : memref<200x128xf32, #tpu.memory_space<vmem>>, vector<1x16xf32>,
      %get3A_534 = vector.shape_cast %get3A_533 : vector<1x16xf32> to vector<16xf32>
      %add3A_535 = arith.addf %scan3A_508, %get3A_534 : vector<16xf32>
      %add3A_536 = arith.constant 0 : i32
      %add3A_537 = arith.addi %mul3A_514, %add3A_536 : i32
      %get3A_538 = arith.index_cast %add3A_537 : i32 to index
      %get3A_539 = arith.constant 48 : index
      %get3A_540 = tpu.vector_load %arg10[%get3A_538, %get3A_539] {strides = array<i32>} : memref<200x128xf32, #tpu.memory_space<vmem>>, vector<1x16xf32>,
      %get3A_541 = vector.shape_cast %get3A_540 : vector<1x16xf32> to vector<16xf32>
      %add3A_542 = arith.addf %scan3A_509, %get3A_541 : vector<16xf32>
      %add3A_543 = arith.constant 0 : i32
      %add3A_544 = arith.addi %mul3A_514, %add3A_543 : i32
      %get3A_545 = arith.index_cast %add3A_544 : i32 to index
      %get3A_546 = arith.constant 64 : index
      %get3A_547 = tpu.vector_load %arg10[%get3A_545, %get3A_546] {strides = array<i32>} : memref<200x128xf32, #tpu.memory_space<vmem>>, vector<1x16xf32>,
      %get3A_548 = vector.shape_cast %get3A_547 : vector<1x16xf32> to vector<16xf32>
      %add3A_549 = arith.addf %scan3A_510, %get3A_548 : vector<16xf32>
      %add3A_550 = arith.constant 0 : i32
      %add3A_551 = arith.addi %mul3A_514, %add3A_550 : i32
      %get3A_552 = arith.index_cast %add3A_551 : i32 to index
      %get3A_553 = arith.constant 80 : index
      %get3A_554 = tpu.vector_load %arg10[%get3A_552, %get3A_553] {strides = array<i32>} : memref<200x128xf32, #tpu.memory_space<vmem>>, vector<1x16xf32>,
      %get3A_555 = vector.shape_cast %get3A_554 : vector<1x16xf32> to vector<16xf32>
      %add3A_556 = arith.addf %scan3A_511, %get3A_555 : vector<16xf32>
      %add3A_557 = arith.constant 0 : i32
      %add3A_558 = arith.addi %mul3A_514, %add3A_557 : i32
      %get3A_559 = arith.index_cast %add3A_558 : i32 to index
      %get3A_560 = arith.constant 84 : index
      %get3A_561 = tpu.vector_load %arg10[%get3A_559, %get3A_560] {strides = array<i32>} : memref<200x128xf32, #tpu.memory_space<vmem>>, vector<1x16xf32>,
      %get3A_562 = vector.shape_cast %get3A_561 : vector<1x16xf32> to vector<16xf32>
      %add3A_563 = arith.addf %scan3A_512, %get3A_562 : vector<16xf32>
      %add3A_564 = arith.constant 1 : i32
      %add3A_565 = arith.addi %mul3A_514, %add3A_564 : i32
      %get3A_566 = arith.index_cast %add3A_565 : i32 to index
      %get3A_567 = arith.constant 0 : index
      %get3A_568 = tpu.vector_load %arg10[%get3A_566, %get3A_567] {strides = array<i32>} : memref<200x128xf32, #tpu.memory_space<vmem>>, vector<1x16xf32>,
      %get3A_569 = vector.shape_cast %get3A_568 : vector<1x16xf32> to vector<16xf32>
      %add3A_570 = arith.addf %add3A_521, %get3A_569 : vector<16xf32>
      %add3A_571 = arith.constant 1 : i32
      %add3A_572 = arith.addi %mul3A_514, %add3A_571 : i32
      %get3A_573 = arith.index_cast %add3A_572 : i32 to index
      %get3A_574 = arith.constant 16 : index
      %get3A_575 = tpu.vector_load %arg10[%get3A_573, %get3A_574] {strides = array<i32>} : memref<200x128xf32, #tpu.memory_space<vmem>>, vector<1x16xf32>,
      %get3A_576 = vector.shape_cast %get3A_575 : vector<1x16xf32> to vector<16xf32>
      %add3A_577 = arith.addf %add3A_528, %get3A_576 : vector<16xf32>
      %add3A_578 = arith.constant 1 : i32
      %add3A_579 = arith.addi %mul3A_514, %add3A_578 : i32
      %get3A_580 = arith.index_cast %add3A_579 : i32 to index
      %get3A_581 = arith.constant 32 : index
      %get3A_582 = tpu.vector_load %arg10[%get3A_580, %get3A_581] {strides = array<i32>} : memref<200x128xf32, #tpu.memory_space<vmem>>, vector<1x16xf32>,
      %get3A_583 = vector.shape_cast %get3A_582 : vector<1x16xf32> to vector<16xf32>
      %add3A_584 = arith.addf %add3A_535, %get3A_583 : vector<16xf32>
      %add3A_585 = arith.constant 1 : i32
      %add3A_586 = arith.addi %mul3A_514, %add3A_585 : i32
      %get3A_587 = arith.index_cast %add3A_586 : i32 to index
      %get3A_588 = arith.constant 48 : index
      %get3A_589 = tpu.vector_load %arg10[%get3A_587, %get3A_588] {strides = array<i32>} : memref<200x128xf32, #tpu.memory_space<vmem>>, vector<1x16xf32>,
      %get3A_590 = vector.shape_cast %get3A_589 : vector<1x16xf32> to vector<16xf32>
      %add3A_591 = arith.addf %add3A_542, %get3A_590 : vector<16xf32>
      %add3A_592 = arith.constant 1 : i32
      %add3A_593 = arith.addi %mul3A_514, %add3A_592 : i32
      %get3A_594 = arith.index_cast %add3A_593 : i32 to index
      %get3A_595 = arith.constant 64 : index
      %get3A_596 = tpu.vector_load %arg10[%get3A_594, %get3A_595] {strides = array<i32>} : memref<200x128xf32, #tpu.memory_space<vmem>>, vector<1x16xf32>,
      %get3A_597 = vector.shape_cast %get3A_596 : vector<1x16xf32> to vector<16xf32>
      %add3A_598 = arith.addf %add3A_549, %get3A_597 : vector<16xf32>
      %add3A_599 = arith.constant 1 : i32
      %add3A_600 = arith.addi %mul3A_514, %add3A_599 : i32
      %get3A_601 = arith.index_cast %add3A_600 : i32 to index
      %get3A_602 = arith.constant 80 : index
      %get3A_603 = tpu.vector_load %arg10[%get3A_601, %get3A_602] {strides = array<i32>} : memref<200x128xf32, #tpu.memory_space<vmem>>, vector<1x16xf32>,
      %get3A_604 = vector.shape_cast %get3A_603 : vector<1x16xf32> to vector<16xf32>
      %add3A_605 = arith.addf %add3A_556, %get3A_604 : vector<16xf32>
      %add3A_606 = arith.constant 1 : i32
      %add3A_607 = arith.addi %mul3A_514, %add3A_606 : i32
      %get3A_608 = arith.index_cast %add3A_607 : i32 to index
      %get3A_609 = arith.constant 84 : index
      %get3A_610 = tpu.vector_load %arg10[%get3A_608, %get3A_609] {strides = array<i32>} : memref<200x128xf32, #tpu.memory_space<vmem>>, vector<1x16xf32>,
      %get3A_611 = vector.shape_cast %get3A_610 : vector<1x16xf32> to vector<16xf32>
      %add3A_612 = arith.addf %add3A_563, %get3A_611 : vector<16xf32>
      %add3A_613 = arith.constant 2 : i32
      %add3A_614 = arith.addi %mul3A_514, %add3A_613 : i32
      %get3A_615 = arith.index_cast %add3A_614 : i32 to index
      %get3A_616 = arith.constant 0 : index
      %get3A_617 = tpu.vector_load %arg10[%get3A_615, %get3A_616] {strides = array<i32>} : memref<200x128xf32, #tpu.memory_space<vmem>>, vector<1x16xf32>,
      %get3A_618 = vector.shape_cast %get3A_617 : vector<1x16xf32> to vector<16xf32>
      %add3A_619 = arith.addf %add3A_570, %get3A_618 : vector<16xf32>
      %add3A_620 = arith.constant 2 : i32
      %add3A_621 = arith.addi %mul3A_514, %add3A_620 : i32
      %get3A_622 = arith.index_cast %add3A_621 : i32 to index
      %get3A_623 = arith.constant 16 : index
      %get3A_624 = tpu.vector_load %arg10[%get3A_622, %get3A_623] {strides = array<i32>} : memref<200x128xf32, #tpu.memory_space<vmem>>, vector<1x16xf32>,
      %get3A_625 = vector.shape_cast %get3A_624 : vector<1x16xf32> to vector<16xf32>
      %add3A_626 = arith.addf %add3A_577, %get3A_625 : vector<16xf32>
      %add3A_627 = arith.constant 2 : i32
      %add3A_628 = arith.addi %mul3A_514, %add3A_627 : i32
      %get3A_629 = arith.index_cast %add3A_628 : i32 to index
      %get3A_630 = arith.constant 32 : index
      %get3A_631 = tpu.vector_load %arg10[%get3A_629, %get3A_630] {strides = array<i32>} : memref<200x128xf32, #tpu.memory_space<vmem>>, vector<1x16xf32>,
      %get3A_632 = vector.shape_cast %get3A_631 : vector<1x16xf32> to vector<16xf32>
      %add3A_633 = arith.addf %add3A_584, %get3A_632 : vector<16xf32>
      %add3A_634 = arith.constant 2 : i32
      %add3A_635 = arith.addi %mul3A_514, %add3A_634 : i32
      %get3A_636 = arith.index_cast %add3A_635 : i32 to index
      %get3A_637 = arith.constant 48 : index
      %get3A_638 = tpu.vector_load %arg10[%get3A_636, %get3A_637] {strides = array<i32>} : memref<200x128xf32, #tpu.memory_space<vmem>>, vector<1x16xf32>,
      %get3A_639 = vector.shape_cast %get3A_638 : vector<1x16xf32> to vector<16xf32>
      %add3A_640 = arith.addf %add3A_591, %get3A_639 : vector<16xf32>
      %add3A_641 = arith.constant 2 : i32
      %add3A_642 = arith.addi %mul3A_514, %add3A_641 : i32
      %get3A_643 = arith.index_cast %add3A_642 : i32 to index
      %get3A_644 = arith.constant 64 : index
      %get3A_645 = tpu.vector_load %arg10[%get3A_643, %get3A_644] {strides = array<i32>} : memref<200x128xf32, #tpu.memory_space<vmem>>, vector<1x16xf32>,
      %get3A_646 = vector.shape_cast %get3A_645 : vector<1x16xf32> to vector<16xf32>
      %add3A_647 = arith.addf %add3A_598, %get3A_646 : vector<16xf32>
      %add3A_648 = arith.constant 2 : i32
      %add3A_649 = arith.addi %mul3A_514, %add3A_648 : i32
      %get3A_650 = arith.index_cast %add3A_649 : i32 to index
      %get3A_651 = arith.constant 80 : index
      %get3A_652 = tpu.vector_load %arg10[%get3A_650, %get3A_651] {strides = array<i32>} : memref<200x128xf32, #tpu.memory_space<vmem>>, vector<1x16xf32>,
      %get3A_653 = vector.shape_cast %get3A_652 : vector<1x16xf32> to vector<16xf32>
      %add3A_654 = arith.addf %add3A_605, %get3A_653 : vector<16xf32>
      %add3A_655 = arith.constant 2 : i32
      %add3A_656 = arith.addi %mul3A_514, %add3A_655 : i32
      %get3A_657 = arith.index_cast %add3A_656 : i32 to index
      %get3A_658 = arith.constant 84 : index
      %get3A_659 = tpu.vector_load %arg10[%get3A_657, %get3A_658] {strides = array<i32>} : memref<200x128xf32, #tpu.memory_space<vmem>>, vector<1x16xf32>,
      %get3A_660 = vector.shape_cast %get3A_659 : vector<1x16xf32> to vector<16xf32>
      %add3A_661 = arith.addf %add3A_612, %get3A_660 : vector<16xf32>
      %add3A_662 = arith.constant 3 : i32
      %add3A_663 = arith.addi %mul3A_514, %add3A_662 : i32
      %get3A_664 = arith.index_cast %add3A_663 : i32 to index
      %get3A_665 = arith.constant 0 : index
      %get3A_666 = tpu.vector_load %arg10[%get3A_664, %get3A_665] {strides = array<i32>} : memref<200x128xf32, #tpu.memory_space<vmem>>, vector<1x16xf32>,
      %get3A_667 = vector.shape_cast %get3A_666 : vector<1x16xf32> to vector<16xf32>
      %add3A_668 = arith.addf %add3A_619, %get3A_667 : vector<16xf32>
      %add3A_669 = arith.constant 3 : i32
      %add3A_670 = arith.addi %mul3A_514, %add3A_669 : i32
      %get3A_671 = arith.index_cast %add3A_670 : i32 to index
      %get3A_672 = arith.constant 16 : index
      %get3A_673 = tpu.vector_load %arg10[%get3A_671, %get3A_672] {strides = array<i32>} : memref<200x128xf32, #tpu.memory_space<vmem>>, vector<1x16xf32>,
      %get3A_674 = vector.shape_cast %get3A_673 : vector<1x16xf32> to vector<16xf32>
      %add3A_675 = arith.addf %add3A_626, %get3A_674 : vector<16xf32>
      %add3A_676 = arith.constant 3 : i32
      %add3A_677 = arith.addi %mul3A_514, %add3A_676 : i32
      %get3A_678 = arith.index_cast %add3A_677 : i32 to index
      %get3A_679 = arith.constant 32 : index
      %get3A_680 = tpu.vector_load %arg10[%get3A_678, %get3A_679] {strides = array<i32>} : memref<200x128xf32, #tpu.memory_space<vmem>>, vector<1x16xf32>,
      %get3A_681 = vector.shape_cast %get3A_680 : vector<1x16xf32> to vector<16xf32>
      %add3A_682 = arith.addf %add3A_633, %get3A_681 : vector<16xf32>
      %add3A_683 = arith.constant 3 : i32
      %add3A_684 = arith.addi %mul3A_514, %add3A_683 : i32
      %get3A_685 = arith.index_cast %add3A_684 : i32 to index
      %get3A_686 = arith.constant 48 : index
      %get3A_687 = tpu.vector_load %arg10[%get3A_685, %get3A_686] {strides = array<i32>} : memref<200x128xf32, #tpu.memory_space<vmem>>, vector<1x16xf32>,
      %get3A_688 = vector.shape_cast %get3A_687 : vector<1x16xf32> to vector<16xf32>
      %add3A_689 = arith.addf %add3A_640, %get3A_688 : vector<16xf32>
      %add3A_690 = arith.constant 3 : i32
      %add3A_691 = arith.addi %mul3A_514, %add3A_690 : i32
      %get3A_692 = arith.index_cast %add3A_691 : i32 to index
      %get3A_693 = arith.constant 64 : index
      %get3A_694 = tpu.vector_load %arg10[%get3A_692, %get3A_693] {strides = array<i32>} : memref<200x128xf32, #tpu.memory_space<vmem>>, vector<1x16xf32>,
      %get3A_695 = vector.shape_cast %get3A_694 : vector<1x16xf32> to vector<16xf32>
      %add3A_696 = arith.addf %add3A_647, %get3A_695 : vector<16xf32>
      %add3A_697 = arith.constant 3 : i32
      %add3A_698 = arith.addi %mul3A_514, %add3A_697 : i32
      %get3A_699 = arith.index_cast %add3A_698 : i32 to index
      %get3A_700 = arith.constant 80 : index
      %get3A_701 = tpu.vector_load %arg10[%get3A_699, %get3A_700] {strides = array<i32>} : memref<200x128xf32, #tpu.memory_space<vmem>>, vector<1x16xf32>,
      %get3A_702 = vector.shape_cast %get3A_701 : vector<1x16xf32> to vector<16xf32>
      %add3A_703 = arith.addf %add3A_654, %get3A_702 : vector<16xf32>
      %add3A_704 = arith.constant 3 : i32
      %add3A_705 = arith.addi %mul3A_514, %add3A_704 : i32
      %get3A_706 = arith.index_cast %add3A_705 : i32 to index
      %get3A_707 = arith.constant 84 : index
      %get3A_708 = tpu.vector_load %arg10[%get3A_706, %get3A_707] {strides = array<i32>} : memref<200x128xf32, #tpu.memory_space<vmem>>, vector<1x16xf32>,
      %get3A_709 = vector.shape_cast %get3A_708 : vector<1x16xf32> to vector<16xf32>
      %add3A_710 = arith.addf %add3A_661, %get3A_709 : vector<16xf32>
      scf.yield %add3A_668, %add3A_675, %add3A_682, %add3A_689, %add3A_696, %add3A_703, %add3A_710 : vector<16xf32>, vector<16xf32>, vector<16xf32>, vector<16xf32>, vector<16xf32>, vector<16xf32>, vector<16xf32>
    }
    %scan3A_443 = arith.constant 50 : i32
    %rem3A_444 = arith.constant 127 : i32
    %rem3A_445 = arith.constant 64 : i32
    %rem3A_446 = arith.remsi %rem3A_444, %rem3A_445 : i32
    %mul3A_447 = arith.constant 5.000000e-03 : f32
    %mul3A_448 = vector.broadcast %mul3A_447 : f32 to vector<16xf32>
    %mul3A_449 = arith.mulf %scan3A_442#0, %mul3A_448 : vector<16xf32>
    %swap3A_450 = arith.index_cast %rem3A_446 : i32 to index
    %swap3A_451 = arith.constant 0 : index
    %swap3A_452 = tpu.vector_load %arg12[%swap3A_450, %swap3A_451] {strides = array<i32>} : memref<64x128xf32, #tpu.memory_space<vmem>>, vector<1x16xf32>,
    %swap3A_453 = vector.shape_cast %swap3A_452 : vector<1x16xf32> to vector<16xf32>
    %swap3A_454 = vector.shape_cast %mul3A_449 : vector<16xf32> to vector<1x16xf32>
    tpu.vector_store %arg12[%swap3A_450, %swap3A_451], %swap3A_454 {strides = array<i32>} : memref<64x128xf32, #tpu.memory_space<vmem>>, vector<1x16xf32>,
    %mul3A_455 = arith.constant 5.000000e-03 : f32
    %mul3A_456 = vector.broadcast %mul3A_455 : f32 to vector<16xf32>
    %mul3A_457 = arith.mulf %scan3A_442#1, %mul3A_456 : vector<16xf32>
    %swap3A_458 = arith.index_cast %rem3A_446 : i32 to index
    %swap3A_459 = arith.constant 16 : index
    %swap3A_460 = tpu.vector_load %arg12[%swap3A_458, %swap3A_459] {strides = array<i32>} : memref<64x128xf32, #tpu.memory_space<vmem>>, vector<1x16xf32>,
    %swap3A_461 = vector.shape_cast %swap3A_460 : vector<1x16xf32> to vector<16xf32>
    %swap3A_462 = vector.shape_cast %mul3A_457 : vector<16xf32> to vector<1x16xf32>
    tpu.vector_store %arg12[%swap3A_458, %swap3A_459], %swap3A_462 {strides = array<i32>} : memref<64x128xf32, #tpu.memory_space<vmem>>, vector<1x16xf32>,
    %mul3A_463 = arith.constant 5.000000e-03 : f32
    %mul3A_464 = vector.broadcast %mul3A_463 : f32 to vector<16xf32>
    %mul3A_465 = arith.mulf %scan3A_442#2, %mul3A_464 : vector<16xf32>
    %swap3A_466 = arith.index_cast %rem3A_446 : i32 to index
    %swap3A_467 = arith.constant 32 : index
    %swap3A_468 = tpu.vector_load %arg12[%swap3A_466, %swap3A_467] {strides = array<i32>} : memref<64x128xf32, #tpu.memory_space<vmem>>, vector<1x16xf32>,
    %swap3A_469 = vector.shape_cast %swap3A_468 : vector<1x16xf32> to vector<16xf32>
    %swap3A_470 = vector.shape_cast %mul3A_465 : vector<16xf32> to vector<1x16xf32>
    tpu.vector_store %arg12[%swap3A_466, %swap3A_467], %swap3A_470 {strides = array<i32>} : memref<64x128xf32, #tpu.memory_space<vmem>>, vector<1x16xf32>,
    %mul3A_471 = arith.constant 5.000000e-03 : f32
    %mul3A_472 = vector.broadcast %mul3A_471 : f32 to vector<16xf32>
    %mul3A_473 = arith.mulf %scan3A_442#3, %mul3A_472 : vector<16xf32>
    %swap3A_474 = arith.index_cast %rem3A_446 : i32 to index
    %swap3A_475 = arith.constant 48 : index
    %swap3A_476 = tpu.vector_load %arg12[%swap3A_474, %swap3A_475] {strides = array<i32>} : memref<64x128xf32, #tpu.memory_space<vmem>>, vector<1x16xf32>,
    %swap3A_477 = vector.shape_cast %swap3A_476 : vector<1x16xf32> to vector<16xf32>
    %swap3A_478 = vector.shape_cast %mul3A_473 : vector<16xf32> to vector<1x16xf32>
    tpu.vector_store %arg12[%swap3A_474, %swap3A_475], %swap3A_478 {strides = array<i32>} : memref<64x128xf32, #tpu.memory_space<vmem>>, vector<1x16xf32>,
    %mul3A_479 = arith.constant 5.000000e-03 : f32
    %mul3A_480 = vector.broadcast %mul3A_479 : f32 to vector<16xf32>
    %mul3A_481 = arith.mulf %scan3A_442#4, %mul3A_480 : vector<16xf32>
    %swap3A_482 = arith.index_cast %rem3A_446 : i32 to index
    %swap3A_483 = arith.constant 64 : index
    %swap3A_484 = tpu.vector_load %arg12[%swap3A_482, %swap3A_483] {strides = array<i32>} : memref<64x128xf32, #tpu.memory_space<vmem>>, vector<1x16xf32>,
    %swap3A_485 = vector.shape_cast %swap3A_484 : vector<1x16xf32> to vector<16xf32>
    %swap3A_486 = vector.shape_cast %mul3A_481 : vector<16xf32> to vector<1x16xf32>
    tpu.vector_store %arg12[%swap3A_482, %swap3A_483], %swap3A_486 {strides = array<i32>} : memref<64x128xf32, #tpu.memory_space<vmem>>, vector<1x16xf32>,
    %mul3A_487 = arith.constant 5.000000e-03 : f32
    %mul3A_488 = vector.broadcast %mul3A_487 : f32 to vector<16xf32>
    %mul3A_489 = arith.mulf %scan3A_442#5, %mul3A_488 : vector<16xf32>
    %swap3A_490 = arith.index_cast %rem3A_446 : i32 to index
    %swap3A_491 = arith.constant 80 : index
    %swap3A_492 = tpu.vector_load %arg12[%swap3A_490, %swap3A_491] {strides = array<i32>} : memref<64x128xf32, #tpu.memory_space<vmem>>, vector<1x16xf32>,
    %swap3A_493 = vector.shape_cast %swap3A_492 : vector<1x16xf32> to vector<16xf32>
    %swap3A_494 = vector.shape_cast %mul3A_489 : vector<16xf32> to vector<1x16xf32>
    tpu.vector_store %arg12[%swap3A_490, %swap3A_491], %swap3A_494 {strides = array<i32>} : memref<64x128xf32, #tpu.memory_space<vmem>>, vector<1x16xf32>,
    %mul3A_495 = arith.constant 5.000000e-03 : f32
    %mul3A_496 = vector.broadcast %mul3A_495 : f32 to vector<16xf32>
    %mul3A_497 = arith.mulf %scan3A_442#6, %mul3A_496 : vector<16xf32>
    %swap3A_498 = arith.index_cast %rem3A_446 : i32 to index
    %swap3A_499 = arith.constant 84 : index
    %swap3A_500 = tpu.vector_load %arg12[%swap3A_498, %swap3A_499] {strides = array<i32>} : memref<64x128xf32, #tpu.memory_space<vmem>>, vector<1x16xf32>,
    %swap3A_501 = vector.shape_cast %swap3A_500 : vector<1x16xf32> to vector<16xf32>
    %swap3A_502 = vector.shape_cast %mul3A_497 : vector<16xf32> to vector<1x16xf32>
    tpu.vector_store %arg12[%swap3A_498, %swap3A_499], %swap3A_502 {strides = array<i32>} : memref<64x128xf32, #tpu.memory_space<vmem>>, vector<1x16xf32>,
    %add3A_503 = arith.constant 64 : i32
    %add3A_504 = arith.addi %mul3A_2, %add3A_503 : i32
    "tpu.region"() ({
      %run_scoped3A = tpu.sem_alloc : memref<!tpu.dma_semaphore, #tpu.memory_space<semaphore_mem>>
      %dma_start3A_505 = arith.constant 0 : i32
      %dma_start3A_506 = tpu.memref_slice %arg4[%add3A_504, %dma_start3A_505] : memref<4096x128xf32, #tpu.memory_space<hbm>> -> memref<64x128xf32, #tpu.memory_space<hbm>>
      %dma_start3A_507 = arith.constant 0 : i32
      %dma_start3A_508 = tpu.memref_slice %arg4[%add3A_504, %dma_start3A_507] : memref<4096x128xf32, #tpu.memory_space<hbm>> -> memref<64x128xf32, #tpu.memory_space<hbm>>
      tpu.enqueue_dma source(%arg12 : memref<64x128xf32, #tpu.memory_space<vmem>>) target(%dma_start3A_508 : memref<64x128xf32, #tpu.memory_space<hbm>>) target_semaphore(%run_scoped3A : memref<!tpu.dma_semaphore, #tpu.memory_space<semaphore_mem>>)
      %dma_wait3A_509 = arith.constant 0 : i32
      %dma_wait3A_510 = tpu.memref_slice %arg4[%add3A_504, %dma_wait3A_509] : memref<4096x128xf32, #tpu.memory_space<hbm>> -> memref<64x128xf32, #tpu.memory_space<hbm>>
      %dma_wait3A_511 = arith.constant 0 : i32
      %dma_wait3A_512 = tpu.memref_slice %arg4[%add3A_504, %dma_wait3A_511] : memref<4096x128xf32, #tpu.memory_space<hbm>> -> memref<64x128xf32, #tpu.memory_space<hbm>>
      tpu.wait_dma2 semaphore(%run_scoped3A : memref<!tpu.dma_semaphore, #tpu.memory_space<semaphore_mem>>) src(%arg12 : memref<64x128xf32, #tpu.memory_space<vmem>>) dst(%dma_wait3A_512 : memref<64x128xf32, #tpu.memory_space<hbm>>)
      tpu.yield
    }) : () -> ()
    return
  }
}

</mosaic_0001>

<sc_bundles>
// kernel: _pool.3.cloned.1.call-start
scs
__scs_entry_jumppad:
0x0: {  	(pc) =	sbr.rel $0x88, $3  }
0x1: {  	(tag) =	ssettag $0x0;
	lr =	simm.s32 $0x1  }
0x2: {  	[smem:$0x3F9F] =	sst lr;
	_ =	strace $0xD0000000  }
0x3: {  	_ = 	snop  }
0x4: {  	_ = 	snop  }
0x5: {  	_ = 	snop  }
0x6: {  	_ = 	snop  }
0x7: {  	_ = 	snop  }
__scs_overlays_trampoline_lowered:
0x8: {  	[smem:$0x3FAE] =	sst s0  }
0x9: {  	[smem:$0x3FAF] =	sst s1  }
0xa: {  	[smem:$0x3FB0] =	sst s2  }
0xb: {  	[smem:$0x3FB1] =	sst s3  }
0xc: {  	[smem:$0x3FB2] =	sst s4  }
0xd: {  	[smem:$0x3FB3] =	sst s5  }
0xe: {  	[smem:$0x3FB4] =	sst s6  }
0xf: {  	[smem:$0x3FB5] =	sst s7  }
0x10: {  	[smem:$0x3FB6] =	sst s8  }
0x11: {  	[smem:$0x3FB7] =	sst s9;
	s0 =	simm.s32 @!p0 $0x0  }
0x12: {  	s1 =	sld [smem:$0x3F9D];
	s0 =	simm.s32 @p0 $0x1  }
0x13: {  	[smem:$0x3FB8] =	sst s0;
	s0 =	simm.s32 @!p1 $0x0  }
0x14: {  	s2 =	sld [smem:$0x3F9C];
	s0 =	simm.s32 @p1 $0x1  }
0x15: {  	[smem:$0x3FB9] =	sst s0;
	s0 =	simm.s32 @!p2 $0x0  }
0x16: {  	s3 =	sld [smem:$0x3FDB];
	s0 =	simm.s32 @p2 $0x1  }
0x17: {  	s4 =	simm.s32 $0x1BF5;
	[smem:$0x3FBB] =	sst s0  }
0x18: {  	s0 =	sld [smem:$0x3F9E];
	_ =	swait.ge [sflag:s4], $0x0  }
0x19: {  	s7 =	sld [smem:$0x3F9F]  }
0x1a: {  	s8 =	sadd.s32 $0xFFFFE003, lr  }
0x1b: {  	s9 =	sadd.s32 $0xFFFFFEF7, lr;
	s5 =	simm.s32 $0xFFFFFFFF;
	p2 =	slt.u32 s8, $0xFFFFF086  }
0x1c: {  	p1 =	slt.u32 s9, $0xF7A;
	s5 =	simm.s32 @!p2 $0x0  }
0x1d: {  	s5 =	simm.s32 @p1 $0x1;
	p0 =	seq.s32 s7, s2  }
0x1e: {  	s7 =	smul.u32 @!p0 $0xF7A, s2;
	p2 =	seq.s32 @!p0 s5, $0x0  }
0x1f: {  	s9 =	smul.u32 $0xF7A, s1;
	s8 =	simm.s32 @!p0 $0x1BF5;
	p2 =	por !p2, p0  }
0x20: {  	[sflag:s8] =	ssyncset.s32 @!p0 $0xFFFFF086;
	s6 =	sadd.s32 @!p0 s3, s7;
	s7 =	simm.s32 @!p0 $0x108  }
0x21: {  	s3 =	sadd.s32 s3, s9;
	s6 =	sadd.s32 @!p0 $0x88, s6;
	s7 =	simm.s32 @p2 $0x1082  }
0x22: {  	[simem:s7], [sflag:s8] =	dma.local @!p0 [hbm:s6], $0xF7A  }
0x23: {  	s9 =	sor.u32 $0xD0000000, s2;
	s6 =	simm.s32 $0x108;
	_ =	swait.ge @!p0 [sflag:s8], $0x0  }
0x24: {  	s3 =	sadd.s32 $0x88, s3;
	s6 =	simm.s32 @!p1 $0x1082;
	[sflag:s4] =	ssyncset.s32 $0xFFFFF086  }
0x25: {  	[simem:s6], [sflag:s4] =	dma.local [hbm:s3], $0xF7A  }
0x26: {  	[smem:$0x3F9F] =	sst s1;
	(tag) =	ssettag s2;
	_ =	strace s9  }
0x27: {  	s1 =	sld [smem:$0x3FAF]  }
0x28: {  	s2 =	sld [smem:$0x3FB0]  }
0x29: {  	s4 =	sld [smem:$0x3FB2]  }
0x2a: {  	p0 =	seq.s32 s5, $0x0;
	s5 =	sld [smem:$0x3FB3]  }
0x2b: {  	s6 =	sld [smem:$0x3FB4]  }
0x2c: {  	s7 =	sld [smem:$0x3FB5]  }
0x2d: {  	s3 =	simm.s32 $0x108;
	s8 =	sld [smem:$0x3FB6]  }
0x2e: {  	s3 =	simm.s32 @!p0 $0x1082;
	s9 =	sld [smem:$0x3FB7]  }
0x2f: {  	lr =	sadd.s32 s0, s3;
	s0 =	sld [smem:$0x3FAE]  }
0x30: {  	s3 =	sld [smem:$0x3FB1]  }
0x31: {  	[smem:$0x3FBA] =	sst s10  }
0x32: {  	s10 =	sld [smem:$0x3FB8];
	_ =	sdelay $0x3  }
0x33: {  	p0 =	seq.s32 s10, $0x1;
	s10 =	sld [smem:$0x3FBA];
	_ =	sdelay $0x3  }
0x34: {  	[smem:$0x3FBA] =	sst s10  }
0x35: {  	s10 =	sld [smem:$0x3FB9];
	_ =	sdelay $0x3  }
0x36: {  	p1 =	seq.s32 s10, $0x1;
	s10 =	sld [smem:$0x3FBA];
	_ =	sdelay $0x3  }
0x37: {  	[smem:$0x3FBA] =	sst s10  }
0x38: {  	s10 =	sld [smem:$0x3FBB]  }
0x39: {  	_ = 	snop;
	(pc) =	sbr.ind lr, $3  }
0x3a: {  	_ = 	snop  }
0x3b: {  	_ = 	snop  }
0x3c: {  	p2 =	seq.s32 s10, $0x1;
	s10 =	sld [smem:$0x3FBA]  }
0x3d: {  	_ =	shalt  }
0x3e: {  	_ =	shalt  }
0x3f: {  	_ =	shalt  }
0x40: {  	_ =	shalt  }
0x41: {  	_ =	shalt  }
0x42: {  	_ =	shalt  }
0x43: {  	_ =	shalt  }
0x44: {  	_ =	shalt  }
0x45: {  	_ =	shalt  }
0x46: {  	_ =	shalt  }
0x47: {  	_ =	shalt  }
0x48: {  	_ =	shalt  }
0x49: {  	_ =	shalt  }
0x4a: {  	_ =	shalt  }
0x4b: {  	_ =	shalt  }
0x4c: {  	_ =	shalt  }
0x4d: {  	_ =	shalt  }
0x4e: {  	_ =	shalt  }
0x4f: {  	_ =	shalt  }
0x50: {  	_ =	shalt  }
0x51: {  	_ =	shalt  }
0x52: {  	_ =	shalt  }
0x53: {  	_ =	shalt  }
0x54: {  	_ =	shalt  }
0x55: {  	_ =	shalt  }
0x56: {  	_ =	shalt  }
0x57: {  	_ =	shalt  }
0x58: {  	_ =	shalt  }
0x59: {  	_ =	shalt  }
0x5a: {  	_ =	shalt  }
0x5b: {  	_ =	shalt  }
0x5c: {  	_ =	shalt  }
0x5d: {  	_ =	shalt  }
0x5e: {  	_ =	shalt  }
0x5f: {  	_ =	shalt  }
0x60: {  	_ =	shalt  }
0x61: {  	_ =	shalt  }
0x62: {  	_ =	shalt  }
0x63: {  	_ =	shalt  }
0x64: {  	_ =	shalt  }
0x65: {  	_ =	shalt  }
0x66: {  	_ =	shalt  }
0x67: {  	_ =	shalt  }
0x68: {  	_ =	shalt  }
0x69: {  	_ =	shalt  }
0x6a: {  	_ =	shalt  }
0x6b: {  	_ =	shalt  }
0x6c: {  	_ =	shalt  }
0x6d: {  	_ =	shalt  }
0x6e: {  	_ =	shalt  }
0x6f: {  	_ =	shalt  }
0x70: {  	_ =	shalt  }
0x71: {  	_ =	shalt  }
0x72: {  	_ =	shalt  }
0x73: {  	_ =	shalt  }
0x74: {  	_ =	shalt  }
0x75: {  	_ =	shalt  }
0x76: {  	_ =	shalt  }
0x77: {  	_ =	shalt  }
0x78: {  	_ =	shalt  }
0x79: {  	_ =	shalt  }
0x7a: {  	_ =	shalt  }
0x7b: {  	_ =	shalt  }
0x7c: {  	_ =	shalt  }
0x7d: {  	_ =	shalt  }
0x7e: {  	_ =	shalt  }
0x7f: {  	_ =	shalt  }
0x80: {  	_ =	shalt  }
0x81: {  	_ =	shalt  }
0x82: {  	_ =	shalt  }
0x83: {  	_ =	shalt  }
0x84: {  	_ =	shalt  }
0x85: {  	_ =	shalt  }
0x86: {  	_ =	shalt  }
0x87: {  	_ =	shalt  }
.Lfunc_end0:
.L_simem_size_0:
called_computation_lowered:
.L_overlay_start_0:
0x88: {  	s2 =	sld [smem:$0x3FD9]  }
0x89: {  	s3 =	sld [smem:$0x3FFE];
	_ =	sdelay $0x1  }
0x8a: {  	s1 =	srdreg.scid  }
0x8b: {  	s0 =	sand.u32 $0x1, s1  }
0x8c: {  	s17 =	sshll.u32 s0, $0xA;
	s2 =	sadd.s32 s3, s2  }
0x8d: {  	s2 =	sadd.s32 s2, s17  }
0x8e: {  	[smem:$0x3FC6] =	sst s2  }
0x8f: {  	_ = 	snop  }
0x90: {  	s2 =	sld [smem:$0x3FC8]  }
0x91: {  	s18 =	sld [smem:$0x3FD0];
	(tm) =	ssettm $0x1  }
0x92: {  	s4 =	sld [smem:$0x3FFB];
	_ =	sdelay $0x3  }
0x93: {  	_ =	strace s4  }
0x94: {  	s4 =	sld [smem:$0x3FFC];
	_ =	sdelay $0x3  }
0x95: {  	_ =	strace s4  }
0x96: {  	s4 =	sld [smem:$0x3FFD];
	_ =	sdelay $0x3  }
0x97: {  	_ =	strace s4  }
0x98: {  	_ =	strace $0x8FFFFFFF  }
0x99: {  	s19 =	sld [smem:$0x3FDB];
	_ =	sdelay $0x1  }
0x9a: {  	s5 =	simm.s32 $_scs_section_size  }
0x9b: {  	s6 =	simm.s32 $_size__tile_overlayer_lowered;
	s7 =	simm.s32 $_tile_overlayer_lowered  }
0x9c: {  	s22 =	simm.s32 $0x1BFF;
	s21 =	sshll.u32 s7, $0x1;
	s4 =	sadd.s32 s5, s19  }
0x9d: {  	s8 =	simm.s32 $0x0;
	s20 =	sshll.u32 s6, $0x1;
	s6 =	sadd.s32 s21, s4  }
0x9e: {  	[timem:s8], [sflag:s22] =	dma.local [hbm:s6], s20  }
0x9f: {  	_ =	swait.ge [sflag:s22], s20  }
0xa0: {  	s5 =	ssub.s32 $0x0, s20;
	[sflag:s22] =	ssyncset.done $0x0  }
0xa1: {  	[sflag:s22] =	ssyncadd.s32 s5;
	_ =	sdelay $0x1  }
0xa2: {  	s23 =	simm.s32 $0x1B8B  }
0xa3: {  	_ =	swait.ge [sflag:s23], $0x1  }
0xa4: {  	[sflag:s23] =	ssyncset.done $0x0  }
0xa5: {  	s25 =	simm.s32 $0x1B8E;
	s24 =	sld [smem:$0x3FFE];
	[sflag:s23] =	ssyncadd.s32 $0xFFFFFFFF  }
0xa6: {  	s26 =	simm.s32 $execute0_lowered;
	[smem:$0x3FD2] =	sst s25  }
0xa7: {  	s6 =	sshll.u32 s26, $0x1;
	_ =	strace $0x80000046;
	[dreg:$0x1] =	wrdreg $0xFFFFFFFF  }
0xa8: {  	s28 =	simm.s32 $_size_execute0_lowered;
	s4 =	sadd.s32 s4, s6;
	[dreg:$0x0] =	wrdreg $0x0  }
0xa9: {  	s6 =	sshll.u32 s28, $0x1;
	[dreg:$0x2] =	wrdreg s4  }
0xaa: {  	[dreg:$0x3] =	wrdreg s6  }
0xab: {  	[dreg:$0x4] =	wrdreg $0xC0  }
0xac: {  	_ =	task [dreg:s8], $0x5FFFF  }
0xad: {  	[dreg:$0x1] =	wrdreg $0xFFFFFFFF  }
0xae: {  	[dreg:$0x0] =	wrdreg $0x60  }
0xaf: {  	[dreg:$0x2] =	wrdreg s24  }
0xb0: {  	[dreg:$0x3] =	wrdreg s2  }
0xb1: {  	[dreg:$0x4] =	wrdreg s18  }
0xb2: {  	[dreg:$0x5] =	wrdreg $0x9  }
0xb3: {  	_ =	task.clear_ibuf [dreg:s8], $0x6FFFF;
	_ =	strace $0x90000046  }
0xb4: {  	s29 =	simm.s32 $0x9;
	_ =	strace $0x80000048  }
0xb5: {  	_ =	swait.ge [sflag:s29], $0x1  }
0xb6: {  	[sflag:s29] =	ssyncadd.s32 $0xFFFFFFFF  }
0xb7: {  	_ =	strace $0x90000048  }
0xb8: {  	_ =	sfence  }
0xb9: {  	s30 =	sld [smem:$0x0];
	_ =	sdelay $0x2  }
0xba: {  	s31 =	sshll.u32 s1, $0xD;
	s1 =	sshrl.u32 s1, $0x2  }
0xbb: {  	s3 =	sand.u32 $0x4000, s31;
	s1 =	sadd.s32 s1, s30  }
0xbc: {  	s0 =	sor.u32 s3, s0;
	s1 =	sshll.u32 s1, $0x11  }
0xbd: {  	s0 =	sor.u32 s1, s0  }
0xbe: {  	s0 =	sadd.s32 $0x8F2B, s0  }
0xbf: {  	[sflag:s0] =	ssyncadd.remote.s32 $0x1  }
0xc0: {  	_ =	sfence.sel $0xFFFF  }
0xc1: {  	[dreg:$0x0] =	wrdreg $0xFFFFFFFF;
	(pc) =	sbr.abs _section_cstart, $3  }
0xc2: {  	[dreg:$0x1] =	wrdreg $0xFFFFFFFF  }
0xc3: {  	_ =	task.clear_ibuf [dreg:s8], $0x2FFFF;
	_ =	strace $0x9FFFFFFF  }
0xc4: {  	(tm) =	ssettm $0x7FFFFFFF  }
0xc5: {  	_ =	shalt  }
tec
execute0_lowered:
.L_overlay_start_1:
0x0: {  	(tag) =	ssettag $0x1  }
0x1: {  	s0 =	rddreg [dreg:$0x0]  }
0x2: {  	s1 =	rddreg [dreg:$0x1]  }
0x3: {  	s2 =	rddreg [dreg:$0x2];
	s3 =	srdreg.scid;
	s6 =	simm.s32 $0x0  }
0x4: {  	s4 =	stileid.u32;
	s8 =	simm.s32 $0x4;
	s9 =	simm.s32 $0x8440  }
0x5: {  	s10 =	simm.s32 $0x80;
	s11 =	simm.s32 $0x8000;
	s12 =	simm.s32 $0x9800  }
0x6: {  	s13 =	simm.s32 $0x48;
	s14 =	simm.s32 $0x8400;
	s15 =	simm.s32 $0xD800  }
0x7: {  	s16 =	simm.s32 $0x8C40;
	s17 =	simm.s32 $0x8800;
	s18 =	simm.s32 $0xFC00  }
0x8: {  	s19 =	simm.s32 $0x8C00;
	s20 =	simm.s32 $0x13C00;
	s21 =	simm.s32 $0x9440  }
0x9: {  	s22 =	simm.s32 $0x9000;
	s23 =	simm.s32 $0x16000;
	s28 =	simm.s32 $0x2  }
0xa: {  	s29 =	simm.s32 $0x3;
	s31 =	simm.s32 $0x0;
	s3 =	sand.u32 $0x1, s3  }
0xb: {  	s4 =	sshll.u32 s4, $0x8;
	s5 =	sshll.u32 s3, $0x7;
	s3 =	ssub.s32 $0x2, s3  }
0xc: {  	[smem:$0x7FF] =	sst s6;
	s4 =	sor.u32 s5, s4;
	s24 =	sshrl.u32 s3, $0x1  }
0xd: {  	_ =	strace $0x80000047;
	s5 =	sshll.u32 s4, $0x5;
	s25 =	ssub.s32 s3, s24  }
0xe: {  	s4 =	sshll.u32 s4, $0x4;
	s0 =	sadd.s32 s5, s0;
	s30 =	smax.u32 s25, $0x1  }
0xf: {  	s4 =	sadd.s32 s2, s4;
	s0 =	sadd.s32 $0x400, s0;
	[dreg:$0x6] =	wrdreg s30  }
0x10: {  	s24 =	simm.s32 $0x9400;
	s26 =	sadd.s32 $0x400, s4;
	[dreg:$0x4] =	wrdreg s0  }
0x11: {  	s25 =	simm.s32 $0x1A000;
	[dreg:$0x5] =	wrdreg s26;
	s26 =	simm.s32 $0x1  }
.LBB2_1:
0x12: {  	s0 =	rddreg [dreg:$0x4]  }
0x13: {  	[tilespmem:s6], [sflag:$0x4] =	stream.linear.gather [hbm4b:s0+s6], $0x8000, $0x38;
	[tilespmem:$0x1E400] =	vst v63  }
0x14: {  	_ =	swait.ge [sflag:s8], $0x8000  }
0x15: {  	[sflag:s8] =	ssyncset.done $0x0  }
0x16: {  	[sflag:s8] =	ssyncadd.s32 $0xFFFF8000  }
0x17: {  	v0 =	vld [tilespmem:$0x0]  }
0x18: {  	v1 =	vld [tilespmem:$0x10]  }
0x19: {  	v2 =	vld [tilespmem:$0x20]  }
0x1a: {  	v3 =	vld [tilespmem:$0x30]  }
0x1b: {  	v4 =	vld [tilespmem:$0x40]  }
0x1c: {  	v44 =	vld [tilespmem:$0x50];
	[tilespmem:$0x8000] =	vst v0  }
0x1d: {  	v45 =	vld [tilespmem:$0x60];
	[tilespmem:$0x8010] =	vst v1  }
0x1e: {  	v46 =	vld [tilespmem:$0x70];
	[tilespmem:$0x8020] =	vst v2  }
0x1f: {  	v47 =	vld [tilespmem:$0x400];
	[tilespmem:$0x8030] =	vst v3  }
0x20: {  	v48 =	vld [tilespmem:$0x410];
	[tilespmem:$0x8040] =	vst v4  }
0x21: {  	v49 =	vld [tilespmem:$0x420];
	[tilespmem:$0x8050] =	vst v44  }
0x22: {  	v50 =	vld [tilespmem:$0x430];
	[tilespmem:$0x8060] =	vst v45  }
0x23: {  	v51 =	vld.msk [tilespmem:$0x440], $0xff;
	[tilespmem:$0x8070] =	vst v46  }
0x24: {  	[tilespmem:$0x8400] =	vst v47  }
0x25: {  	[tilespmem:$0x8410] =	vst v48  }
0x26: {  	[tilespmem:$0x8420] =	vst v49  }
0x27: {  	[tilespmem:$0x8430] =	vst v50  }
0x28: {  	[tilespmem:s9+$0x0] =	vst.msk $0xff, v51  }
0x29: {  	[tilespmem:s12], [sflag:$0x1] =	stream.indirect.gather [hbm4b:s1+s10], $0x80, s11, s10, $0xb8;
	[tilespmem:$0x1E400] =	vst v63  }
0x2a: {  	_ = 	snop  }
0x2b: {  	[tilespmem:s15], [sflag:$0x1] =	stream.indirect.gather [hbm4b:s1+s13], $0x80, s14, s13, $0xb8;
	[tilespmem:$0x1E400] =	vst v63  }
0x2c: {  	v52 =	vld [tilespmem:$0x80]  }
0x2d: {  	v53 =	vld [tilespmem:$0x90]  }
0x2e: {  	v2 =	vld [tilespmem:$0xA0]  }
0x2f: {  	v54 =	vld [tilespmem:$0xB0]  }
0x30: {  	v55 =	vld [tilespmem:$0xC0]  }
0x31: {  	v56 =	vld [tilespmem:$0xD0];
	[tilespmem:$0x8800] =	vst v52  }
0x32: {  	v57 =	vld [tilespmem:$0xE0];
	[tilespmem:$0x8810] =	vst v53  }
0x33: {  	v58 =	vld [tilespmem:$0xF0];
	[tilespmem:$0x8820] =	vst v2  }
0x34: {  	v59 =	vld [tilespmem:$0x480];
	[tilespmem:$0x8830] =	vst v54  }
0x35: {  	v60 =	vld [tilespmem:$0x490];
	[tilespmem:$0x8840] =	vst v55  }
0x36: {  	v61 =	vld [tilespmem:$0x4A0];
	[tilespmem:$0x8850] =	vst v56  }
0x37: {  	v62 =	vld [tilespmem:$0x4B0];
	[tilespmem:$0x8860] =	vst v57  }
0x38: {  	v63 =	vld.msk [tilespmem:$0x4C0], $0xff;
	[tilespmem:$0x8870] =	vst v58  }
0x39: {  	[tilespmem:$0x8C00] =	vst v59  }
0x3a: {  	[tilespmem:$0x8C10] =	vst v60  }
0x3b: {  	[tilespmem:$0x8C20] =	vst v61  }
0x3c: {  	[tilespmem:$0x8C30] =	vst v62  }
0x3d: {  	[tilespmem:s16+$0x0] =	vst.msk $0xff, v63  }
0x3e: {  	[tilespmem:s18], [sflag:$0x2] =	stream.indirect.gather [hbm4b:s1+s10], $0x80, s17, s10, $0xb8;
	[tilespmem:$0x1E400] =	vst v63  }
0x3f: {  	s0 =	simm.s32 $0x0  }
0x40: {  	[tilespmem:s20], [sflag:$0x2] =	stream.indirect.gather [hbm4b:s1+s13], $0x80, s19, s13, $0xb8;
	[tilespmem:$0x1E400] =	vst v63  }
.LBB2_2:
0x41: {  	s3 =	smul.u32 $0x3, s0;
	_ =	sdelay $0x1  }
0x42: {  	s30 =	sadd.s32 $0x2, s3  }
0x43: {  	s5 =	sshll.u32 s30, $0x8;
	s2 =	sshll.u32 s30, $0x7  }
0x44: {  	s5 =	sand.u32 $0x1F800, s5;
	s6 =	sand.u32 $0x380, s2  }
0x45: {  	s5 =	sor.u32 s6, s5  }
0x46: {  	v0 =	vld [tilespmem:s5+$0x0];
	_ =	sdelay $0x4  }
0x47: {  	[tilespmem:$0x9000] =	vst v0  }
0x48: {  	v0 =	vld [tilespmem:s5+$0x10];
	_ =	sdelay $0x4  }
0x49: {  	[tilespmem:$0x9010] =	vst v0  }
0x4a: {  	v0 =	vld [tilespmem:s5+$0x20];
	_ =	sdelay $0x4  }
0x4b: {  	[tilespmem:$0x9020] =	vst v0  }
0x4c: {  	v0 =	vld [tilespmem:s5+$0x30];
	_ =	sdelay $0x4  }
0x4d: {  	[tilespmem:$0x9030] =	vst v0  }
0x4e: {  	v0 =	vld [tilespmem:s5+$0x40];
	_ =	sdelay $0x4  }
0x4f: {  	[tilespmem:$0x9040] =	vst v0  }
0x50: {  	v0 =	vld [tilespmem:s5+$0x50];
	_ =	sdelay $0x4  }
0x51: {  	[tilespmem:$0x9050] =	vst v0  }
0x52: {  	v0 =	vld [tilespmem:s5+$0x60];
	_ =	sdelay $0x4  }
0x53: {  	[tilespmem:$0x9060] =	vst v0  }
0x54: {  	v0 =	vld [tilespmem:s5+$0x70];
	_ =	sdelay $0x4  }
0x55: {  	[tilespmem:$0x9070] =	vst v0  }
0x56: {  	v0 =	vld [tilespmem:s5+$0x400];
	_ =	sdelay $0x4  }
0x57: {  	[tilespmem:$0x9400] =	vst v0  }
0x58: {  	v0 =	vld [tilespmem:s5+$0x410];
	_ =	sdelay $0x4  }
0x59: {  	[tilespmem:$0x9410] =	vst v0  }
0x5a: {  	v0 =	vld [tilespmem:s5+$0x420];
	_ =	sdelay $0x4  }
0x5b: {  	[tilespmem:$0x9420] =	vst v0  }
0x5c: {  	v0 =	vld [tilespmem:s5+$0x430];
	_ =	sdelay $0x4  }
0x5d: {  	s5 =	sor.u32 $0x440, s5;
	[tilespmem:$0x9430] =	vst v0  }
0x5e: {  	v0 =	vld.msk [tilespmem:s5+$0x0], $0xff;
	_ =	sdelay $0x4  }
0x5f: {  	[tilespmem:s21+$0x0] =	vst.msk $0xff, v0  }
0x60: {  	[tilespmem:s23], [sflag:$0x3] =	stream.indirect.gather [hbm4b:s1+s10], $0x80, s22, s10, $0xb8;
	[tilespmem:$0x1E400] =	vst v63  }
0x61: {  	_ = 	snop  }
0x62: {  	[tilespmem:s25], [sflag:$0x3] =	stream.indirect.gather [hbm4b:s1+s13], $0x80, s24, s13, $0xb8;
	[tilespmem:$0x1E400] =	vst v63  }
0x63: {  	_ =	swait.ge [sflag:s26], $0x4000  }
0x64: {  	[sflag:s26] =	ssyncset.done $0x0  }
0x65: {  	[sflag:s26] =	ssyncadd.s32 $0xFFFFC000  }
0x66: {  	_ =	swait.ge [sflag:s26], $0x2400  }
0x67: {  	[sflag:s26] =	ssyncset.done $0x0  }
0x68: {  	s5 =	simm.s32 $0x0;
	[sflag:s26] =	ssyncadd.s32 $0xFFFFDC00  }
0x69: {  	v3 =	vld [tilespmem:s5+$0x9980]  }
0x6a: {  	v4 =	vld [tilespmem:s5+$0x9990]  }
0x6b: {  	v5 =	vld [tilespmem:s5+$0x99A0]  }
0x6c: {  	v1 =	vld [tilespmem:s5+$0x99B0]  }
0x6d: {  	v0 =	vld [tilespmem:s5+$0x99C0]  }
0x6e: {  	v14 =	vld [tilespmem:s5+$0x9900]  }
0x6f: {  	v11 =	vld [tilespmem:s5+$0x9910]  }
0x70: {  	v12 =	vld [tilespmem:s5+$0x9920]  }
0x71: {  	v2 =	vld [tilespmem:s5+$0x9930]  }
0x72: {  	v8 =	vld [tilespmem:s5+$0x9880]  }
0x73: {  	v9 =	vld [tilespmem:s5+$0x9800]  }
0x74: {  	v10 =	vld [tilespmem:s5+$0x9810]  }
0x75: {  	v16 =	vld [tilespmem:s5+$0x9820]  }
0x76: {  	v18 =	vld [tilespmem:s5+$0x9890]  }
0x77: {  	v19 =	vld [tilespmem:s5+$0x98A0]  }
0x78: {  	v7 =	vimm.f32 $0.0e+00;
	v6 =	vld [tilespmem:s5+$0x9940]  }
0x79: {  	v13 =	vld [tilespmem:s5+$0x98B0];
	v9 =	vadd.f32 v9, v7  }
0x7a: {  	v15 =	vld [tilespmem:s5+$0x98C0];
	v10 =	vadd.f32 v10, v7;
	v22 =	vadd.f32 v16, v7  }
0x7b: {  	v17 =	vld [tilespmem:s5+$0x9840];
	v20 =	vadd.f32 v8, v9  }
0x7c: {  	v16 =	vld [tilespmem:s5+$0x9830];
	v21 =	vadd.f32 v18, v10;
	v19 =	vadd.f32 v19, v22  }
0x7d: {  	s6 =	simm.s32 $0x800;
	v18 =	vld [tilespmem:s5+$0x9850];
	v10 =	vimm.f32 $0.0e+00;
	v9 =	vimm.f32 $0.0e+00;
	v8 =	vimm.f32 $0.0e+00  }
.LBB2_3:
0x7e: {  	p0 =	sne.s32 s6, $0x18800;
	v22 =	vld [tilespmem:s5+$0x9854];
	v14 =	vadd.f32 v14, v20  }
0x7f: {  	v20 =	vld [tilespmem:s5+$0x98D0];
	v11 =	vadd.f32 v11, v21;
	v12 =	vadd.f32 v12, v19  }
0x80: {  	v19 =	vld [tilespmem:s5+$0x98D4];
	v21 =	vadd.f32 v3, v14  }
0x81: {  	v14 =	vld [tilespmem:s5+$0x9950];
	v23 =	vadd.f32 v4, v11;
	v24 =	vadd.f32 v5, v12  }
0x82: {  	v3 =	vadd.f32 v16, v7;
	v4 =	vadd.f32 v17, v10;
	v7 =	vld [tilespmem:s5+$0x9954]  }
0x83: {  	v5 =	vadd.f32 v18, v9;
	v8 =	vadd.f32 v22, v8;
	v9 =	vld [tilespmem:s5+$0x99D0]  }
0x84: {  	v10 =	vadd.f32 v13, v3;
	v11 =	vadd.f32 v15, v4;
	v12 =	vld [tilespmem:s5+$0x99D4];
	s5 =	sshra.s32 s6, $0x2  }
0x85: {  	v13 =	vadd.f32 v20, v5;
	v3 =	vld [tilespmem:s5+$0x9980];
	v8 =	vadd.f32 v19, v8  }
0x86: {  	v2 =	vadd.f32 v2, v10;
	v6 =	vadd.f32 v6, v11;
	v4 =	vld [tilespmem:s5+$0x9990]  }
0x87: {  	v11 =	vadd.f32 v14, v13;
	v5 =	vld [tilespmem:s5+$0x99A0];
	v8 =	vadd.f32 v7, v8  }
0x88: {  	v7 =	vadd.f32 v1, v2;
	v10 =	vadd.f32 v0, v6;
	v1 =	vld [tilespmem:s5+$0x99B0]  }
0x89: {  	v9 =	vadd.f32 v9, v11;
	v0 =	vld [tilespmem:s5+$0x99C0];
	v8 =	vadd.f32 v12, v8  }
0x8a: {  	v14 =	vld [tilespmem:s5+$0x9900]  }
0x8b: {  	v11 =	vld [tilespmem:s5+$0x9910]  }
0x8c: {  	v12 =	vld [tilespmem:s5+$0x9920]  }
0x8d: {  	v2 =	vld [tilespmem:s5+$0x9930]  }
0x8e: {  	v6 =	vld [tilespmem:s5+$0x9940]  }
0x8f: {  	v18 =	vld [tilespmem:s5+$0x9880]  }
0x90: {  	v15 =	vld [tilespmem:s5+$0x9800]  }
0x91: {  	v16 =	vld [tilespmem:s5+$0x9810]  }
0x92: {  	v17 =	vld [tilespmem:s5+$0x9820]  }
0x93: {  	v19 =	vld [tilespmem:s5+$0x9890]  }
0x94: {  	v22 =	vld [tilespmem:s5+$0x98A0]  }
.Ltmp0:
0x95: {  	v13 =	vld [tilespmem:s5+$0x98B0];
	(pc) =	sbr.rel @p0 .LBB2_3-.Ltmp0, $4  }
0x96: {  	v20 =	vadd.f32 v15, v21;
	v15 =	vld [tilespmem:s5+$0x98C0]  }
0x97: {  	v21 =	vadd.f32 v16, v23;
	v23 =	vadd.f32 v17, v24;
	v16 =	vld [tilespmem:s5+$0x9830]  }
0x98: {  	v20 =	vadd.f32 v18, v20;
	v17 =	vld [tilespmem:s5+$0x9840]  }
0x99: {  	s6 =	sadd.s32 $0x800, s6;
	v21 =	vadd.f32 v19, v21;
	v18 =	vld [tilespmem:s5+$0x9850];
	v19 =	vadd.f32 v22, v23  }
0x9a: {  	v14 =	vadd.f32 v14, v20  }
0x9b: {  	v20 =	vld [tilespmem:s5+$0x9854];
	v11 =	vadd.f32 v11, v21  }
0x9c: {  	v21 =	vld [tilespmem:s5+$0x98D0];
	v12 =	vadd.f32 v12, v19;
	v3 =	vadd.f32 v3, v14  }
0x9d: {  	v14 =	vld [tilespmem:s5+$0x98D4];
	v7 =	vadd.f32 v16, v7;
	v4 =	vadd.f32 v4, v11  }
0x9e: {  	v11 =	vld [tilespmem:s5+$0x9950];
	v5 =	vadd.f32 v5, v12;
	v10 =	vadd.f32 v17, v10  }
0x9f: {  	v12 =	vld [tilespmem:s5+$0x9954];
	v9 =	vadd.f32 v18, v9;
	v7 =	vadd.f32 v13, v7  }
0xa0: {  	s6 =	smul.u32 $0x180, s0;
	v13 =	vld [tilespmem:s5+$0x99D0];
	v8 =	vadd.f32 v20, v8;
	v10 =	vadd.f32 v15, v10  }
0xa1: {  	v3 =	vmul.f32 $4.999999890e-03, v3;
	v15 =	vld [tilespmem:s5+$0x99D4];
	v9 =	vadd.f32 v21, v9;
	v2 =	vadd.f32 v2, v7  }
0xa2: {  	s5 =	sand.u32 $0x1F80, s6;
	v7 =	vadd.f32 v14, v8;
	v6 =	vadd.f32 v6, v10  }
0xa3: {  	[tilespmem:s5+$0x1C400] =	vst v3;
	v3 =	vmul.f32 $4.999999890e-03, v5;
	v8 =	vadd.f32 v11, v9;
	v1 =	vadd.f32 v1, v2  }
0xa4: {  	v2 =	vmul.f32 $4.999999890e-03, v4;
	v4 =	vadd.f32 v12, v7;
	v0 =	vadd.f32 v0, v6  }
0xa5: {  	[tilespmem:s5+$0x1C420] =	vst v3;
	v5 =	vadd.f32 v13, v8;
	v1 =	vmul.f32 $4.999999890e-03, v1  }
0xa6: {  	[tilespmem:s5+$0x1C410] =	vst v2;
	v2 =	vadd.f32 v15, v4;
	v0 =	vmul.f32 $4.999999890e-03, v0  }
0xa7: {  	s6 =	sadd.s32 $0x3, s3;
	[tilespmem:s5+$0x1C430] =	vst v1;
	v1 =	vmul.f32 $4.999999890e-03, v5  }
0xa8: {  	s7 =	sshll.u32 s6, $0x8;
	s6 =	sshll.u32 s6, $0x7;
	[tilespmem:s5+$0x1C440] =	vst v0;
	v0 =	vmul.f32 $4.999999890e-03, v2  }
0xa9: {  	s7 =	sand.u32 $0x1F800, s7;
	s6 =	sand.u32 $0x380, s6;
	[tilespmem:s5+$0x1C450] =	vst v1  }
0xaa: {  	s7 =	sor.u32 s6, s7;
	[tilespmem:s5+$0x1C454] =	vst v0  }
0xab: {  	v0 =	vld [tilespmem:s7+$0x0];
	_ =	sdelay $0x4  }
0xac: {  	[tilespmem:$0x8000] =	vst v0  }
0xad: {  	v0 =	vld [tilespmem:s7+$0x10];
	_ =	sdelay $0x4  }
0xae: {  	[tilespmem:$0x8010] =	vst v0  }
0xaf: {  	v0 =	vld [tilespmem:s7+$0x20];
	_ =	sdelay $0x4  }
0xb0: {  	[tilespmem:$0x8020] =	vst v0  }
0xb1: {  	v0 =	vld [tilespmem:s7+$0x30];
	_ =	sdelay $0x4  }
0xb2: {  	[tilespmem:$0x8030] =	vst v0  }
0xb3: {  	v0 =	vld [tilespmem:s7+$0x40];
	_ =	sdelay $0x4  }
0xb4: {  	[tilespmem:$0x8040] =	vst v0  }
0xb5: {  	v0 =	vld [tilespmem:s7+$0x50];
	_ =	sdelay $0x4  }
0xb6: {  	[tilespmem:$0x8050] =	vst v0  }
0xb7: {  	v0 =	vld [tilespmem:s7+$0x60];
	_ =	sdelay $0x4  }
0xb8: {  	[tilespmem:$0x8060] =	vst v0  }
0xb9: {  	v0 =	vld [tilespmem:s7+$0x70];
	_ =	sdelay $0x4  }
0xba: {  	[tilespmem:$0x8070] =	vst v0  }
0xbb: {  	v0 =	vld [tilespmem:s7+$0x400];
	_ =	sdelay $0x4  }
0xbc: {  	[tilespmem:$0x8400] =	vst v0  }
0xbd: {  	v0 =	vld [tilespmem:s7+$0x410];
	_ =	sdelay $0x4  }
0xbe: {  	[tilespmem:$0x8410] =	vst v0  }
0xbf: {  	v0 =	vld [tilespmem:s7+$0x420];
	_ =	sdelay $0x4  }
0xc0: {  	[tilespmem:$0x8420] =	vst v0  }
0xc1: {  	v0 =	vld [tilespmem:s7+$0x430];
	_ =	sdelay $0x4  }
0xc2: {  	s5 =	sor.u32 $0x440, s7;
	[tilespmem:$0x8430] =	vst v0  }
0xc3: {  	v0 =	vld.msk [tilespmem:s5+$0x0], $0xff;
	_ =	sdelay $0x4  }
0xc4: {  	[tilespmem:s9+$0x0] =	vst.msk $0xff, v0  }
0xc5: {  	[tilespmem:s12], [sflag:$0x1] =	stream.indirect.gather [hbm4b:s1+s10], $0x80, s11, s10, $0xb8;
	[tilespmem:$0x1E400] =	vst v63  }
0xc6: {  	_ = 	snop  }
0xc7: {  	[tilespmem:s15], [sflag:$0x1] =	stream.indirect.gather [hbm4b:s1+s13], $0x80, s14, s13, $0xb8;
	[tilespmem:$0x1E400] =	vst v63  }
0xc8: {  	_ =	swait.ge [sflag:s28], $0x4000  }
0xc9: {  	[sflag:s28] =	ssyncset.done $0x0  }
0xca: {  	[sflag:s28] =	ssyncadd.s32 $0xFFFFC000  }
0xcb: {  	s5 =	sadd.s32 $0x1, s3;
	_ =	swait.ge [sflag:s28], $0x2400  }
0xcc: {  	p0 =	sne.s32 s5, $0x40;
	[sflag:s28] =	ssyncset.done $0x0  }
0xcd: {  	s6 =	simm.s32 @!p0 $0x0;
	s7 =	simm.s32 @!p0 $0x1C400;
	[sflag:s28] =	ssyncadd.s32 $0xFFFFDC00  }
0xce: {  	[hbm4b:s4+s6] =	stream.linear.scatter @!p0 [tilespmem:s7], [sflag:$0x4], $0x2000, $0x38;
	[tilespmem:$0x1E400] =	vst v63  }
0xcf: {  	s6 =	simm.s32 @!p0 $0x4  }
0xd0: {  	_ =	swait.ge @!p0 [sflag:s6], $0x2000  }
0xd1: {  	[sflag:s6] =	ssyncset.done @!p0 $0x0  }
0xd2: {  	[sflag:s6] =	ssyncadd.s32 @!p0 $0xFFFFE000;
	s6 =	simm.s32 $0x0  }
0xd3: {  	v3 =	vld [tilespmem:s6+$0xFD80]  }
0xd4: {  	v4 =	vld [tilespmem:s6+$0xFD90]  }
0xd5: {  	v5 =	vld [tilespmem:s6+$0xFDA0]  }
0xd6: {  	v1 =	vld [tilespmem:s6+$0xFDB0]  }
0xd7: {  	v0 =	vld [tilespmem:s6+$0xFDC0]  }
0xd8: {  	v14 =	vld [tilespmem:s6+$0xFD00]  }
0xd9: {  	v11 =	vld [tilespmem:s6+$0xFD10]  }
0xda: {  	v12 =	vld [tilespmem:s6+$0xFD20]  }
0xdb: {  	v2 =	vld [tilespmem:s6+$0xFD30]  }
0xdc: {  	v8 =	vld [tilespmem:s6+$0xFC80]  }
0xdd: {  	v9 =	vld [tilespmem:s6+$0xFC00]  }
0xde: {  	v10 =	vld [tilespmem:s6+$0xFC10]  }
0xdf: {  	v16 =	vld [tilespmem:s6+$0xFC20]  }
0xe0: {  	v18 =	vld [tilespmem:s6+$0xFC90]  }
0xe1: {  	v19 =	vld [tilespmem:s6+$0xFCA0]  }
0xe2: {  	v7 =	vimm.f32 $0.0e+00;
	v6 =	vld [tilespmem:s6+$0xFD40]  }
0xe3: {  	v13 =	vld [tilespmem:s6+$0xFCB0];
	v9 =	vadd.f32 v9, v7  }
0xe4: {  	v15 =	vld [tilespmem:s6+$0xFCC0];
	v10 =	vadd.f32 v10, v7;
	v22 =	vadd.f32 v16, v7  }
0xe5: {  	v17 =	vld [tilespmem:s6+$0xFC40];
	v20 =	vadd.f32 v8, v9  }
0xe6: {  	v16 =	vld [tilespmem:s6+$0xFC30];
	v21 =	vadd.f32 v18, v10;
	v19 =	vadd.f32 v19, v22  }
0xe7: {  	s7 =	simm.s32 $0x800;
	v18 =	vld [tilespmem:s6+$0xFC50];
	v10 =	vimm.f32 $0.0e+00;
	v9 =	vimm.f32 $0.0e+00;
	v8 =	vimm.f32 $0.0e+00  }
.LBB2_5:
0xe8: {  	p0 =	sne.s32 s7, $0x18800;
	v22 =	vld [tilespmem:s6+$0xFC54];
	v14 =	vadd.f32 v14, v20  }
0xe9: {  	v20 =	vld [tilespmem:s6+$0xFCD0];
	v11 =	vadd.f32 v11, v21;
	v12 =	vadd.f32 v12, v19  }
0xea: {  	v19 =	vld [tilespmem:s6+$0xFCD4];
	v21 =	vadd.f32 v3, v14  }
0xeb: {  	v14 =	vld [tilespmem:s6+$0xFD50];
	v23 =	vadd.f32 v4, v11;
	v24 =	vadd.f32 v5, v12  }
0xec: {  	v3 =	vadd.f32 v16, v7;
	v4 =	vadd.f32 v17, v10;
	v7 =	vld [tilespmem:s6+$0xFD54]  }
0xed: {  	v5 =	vadd.f32 v18, v9;
	v8 =	vadd.f32 v22, v8;
	v9 =	vld [tilespmem:s6+$0xFDD0]  }
0xee: {  	v10 =	vadd.f32 v13, v3;
	v11 =	vadd.f32 v15, v4;
	v12 =	vld [tilespmem:s6+$0xFDD4];
	s6 =	sshra.s32 s7, $0x2  }
0xef: {  	v13 =	vadd.f32 v20, v5;
	v3 =	vld [tilespmem:s6+$0xFD80];
	v8 =	vadd.f32 v19, v8  }
0xf0: {  	v2 =	vadd.f32 v2, v10;
	v6 =	vadd.f32 v6, v11;
	v4 =	vld [tilespmem:s6+$0xFD90]  }
0xf1: {  	v11 =	vadd.f32 v14, v13;
	v5 =	vld [tilespmem:s6+$0xFDA0];
	v8 =	vadd.f32 v7, v8  }
0xf2: {  	v7 =	vadd.f32 v1, v2;
	v10 =	vadd.f32 v0, v6;
	v1 =	vld [tilespmem:s6+$0xFDB0]  }
0xf3: {  	v9 =	vadd.f32 v9, v11;
	v0 =	vld [tilespmem:s6+$0xFDC0];
	v8 =	vadd.f32 v12, v8  }
0xf4: {  	v14 =	vld [tilespmem:s6+$0xFD00]  }
0xf5: {  	v11 =	vld [tilespmem:s6+$0xFD10]  }
0xf6: {  	v12 =	vld [tilespmem:s6+$0xFD20]  }
0xf7: {  	v2 =	vld [tilespmem:s6+$0xFD30]  }
0xf8: {  	v6 =	vld [tilespmem:s6+$0xFD40]  }
0xf9: {  	v18 =	vld [tilespmem:s6+$0xFC80]  }
0xfa: {  	v15 =	vld [tilespmem:s6+$0xFC00]  }
0xfb: {  	v16 =	vld [tilespmem:s6+$0xFC10]  }
0xfc: {  	v17 =	vld [tilespmem:s6+$0xFC20]  }
0xfd: {  	v19 =	vld [tilespmem:s6+$0xFC90]  }
0xfe: {  	v22 =	vld [tilespmem:s6+$0xFCA0]  }
.Ltmp1:
0xff: {  	v13 =	vld [tilespmem:s6+$0xFCB0];
	(pc) =	sbr.rel @p0 .LBB2_5-.Ltmp1, $4  }
0x100: {  	v20 =	vadd.f32 v15, v21;
	v15 =	vld [tilespmem:s6+$0xFCC0]  }
0x101: {  	v21 =	vadd.f32 v16, v23;
	v23 =	vadd.f32 v17, v24;
	v16 =	vld [tilespmem:s6+$0xFC30]  }
0x102: {  	v20 =	vadd.f32 v18, v20;
	v17 =	vld [tilespmem:s6+$0xFC40]  }
0x103: {  	s7 =	sadd.s32 $0x800, s7;
	v21 =	vadd.f32 v19, v21;
	v18 =	vld [tilespmem:s6+$0xFC50];
	v19 =	vadd.f32 v22, v23  }
0x104: {  	v14 =	vadd.f32 v14, v20  }
0x105: {  	v20 =	vld [tilespmem:s6+$0xFC54];
	v11 =	vadd.f32 v11, v21  }
0x106: {  	v21 =	vld [tilespmem:s6+$0xFCD0];
	v12 =	vadd.f32 v12, v19;
	v3 =	vadd.f32 v3, v14  }
0x107: {  	v14 =	vld [tilespmem:s6+$0xFCD4];
	v7 =	vadd.f32 v16, v7;
	v4 =	vadd.f32 v4, v11  }
0x108: {  	v11 =	vld [tilespmem:s6+$0xFD50];
	v5 =	vadd.f32 v5, v12;
	v10 =	vadd.f32 v17, v10  }
0x109: {  	v12 =	vld [tilespmem:s6+$0xFD54];
	v9 =	vadd.f32 v18, v9;
	v7 =	vadd.f32 v13, v7  }
0x10a: {  	v13 =	vld [tilespmem:s6+$0xFDD0];
	v8 =	vadd.f32 v20, v8;
	v10 =	vadd.f32 v15, v10  }
0x10b: {  	s5 =	sshll.u32 s5, $0x7;
	v3 =	vmul.f32 $4.999999890e-03, v3;
	v15 =	vld [tilespmem:s6+$0xFDD4];
	v9 =	vadd.f32 v21, v9;
	v2 =	vadd.f32 v2, v7  }
0x10c: {  	s5 =	sand.u32 $0x1F80, s5;
	v7 =	vadd.f32 v14, v8;
	v6 =	vadd.f32 v6, v10  }
0x10d: {  	[tilespmem:s5+$0x1C400] =	vst v3;
	v3 =	vmul.f32 $4.999999890e-03, v5;
	v8 =	vadd.f32 v11, v9;
	v1 =	vadd.f32 v1, v2  }
0x10e: {  	v2 =	vmul.f32 $4.999999890e-03, v4;
	v4 =	vadd.f32 v12, v7;
	v0 =	vadd.f32 v0, v6  }
0x10f: {  	[tilespmem:s5+$0x1C420] =	vst v3;
	v5 =	vadd.f32 v13, v8;
	v1 =	vmul.f32 $4.999999890e-03, v1  }
0x110: {  	[tilespmem:s5+$0x1C410] =	vst v2;
	v2 =	vadd.f32 v15, v4;
	v0 =	vmul.f32 $4.999999890e-03, v0  }
0x111: {  	s3 =	sadd.s32 $0x4, s3;
	[tilespmem:s5+$0x1C430] =	vst v1;
	v1 =	vmul.f32 $4.999999890e-03, v5  }
0x112: {  	s7 =	sshll.u32 s3, $0x8;
	s3 =	sshll.u32 s3, $0x7;
	[tilespmem:s5+$0x1C440] =	vst v0;
	v0 =	vmul.f32 $4.999999890e-03, v2  }
0x113: {  	s3 =	sand.u32 $0x380, s3;
	s6 =	sand.u32 $0x1F800, s7;
	[tilespmem:s5+$0x1C450] =	vst v1  }
0x114: {  	s3 =	sor.u32 s3, s6;
	[tilespmem:s5+$0x1C454] =	vst v0  }
0x115: {  	v0 =	vld [tilespmem:s3+$0x0];
	_ =	sdelay $0x4  }
0x116: {  	[tilespmem:$0x8800] =	vst v0  }
0x117: {  	v0 =	vld [tilespmem:s3+$0x10];
	_ =	sdelay $0x4  }
0x118: {  	[tilespmem:$0x8810] =	vst v0  }
0x119: {  	v0 =	vld [tilespmem:s3+$0x20];
	_ =	sdelay $0x4  }
0x11a: {  	[tilespmem:$0x8820] =	vst v0  }
0x11b: {  	v0 =	vld [tilespmem:s3+$0x30];
	_ =	sdelay $0x4  }
0x11c: {  	[tilespmem:$0x8830] =	vst v0  }
0x11d: {  	v0 =	vld [tilespmem:s3+$0x40];
	_ =	sdelay $0x4  }
0x11e: {  	[tilespmem:$0x8840] =	vst v0  }
0x11f: {  	v0 =	vld [tilespmem:s3+$0x50];
	_ =	sdelay $0x4  }
0x120: {  	[tilespmem:$0x8850] =	vst v0  }
0x121: {  	v0 =	vld [tilespmem:s3+$0x60];
	_ =	sdelay $0x4  }
0x122: {  	[tilespmem:$0x8860] =	vst v0  }
0x123: {  	v0 =	vld [tilespmem:s3+$0x70];
	_ =	sdelay $0x4  }
0x124: {  	[tilespmem:$0x8870] =	vst v0  }
0x125: {  	v0 =	vld [tilespmem:s3+$0x400];
	_ =	sdelay $0x4  }
0x126: {  	[tilespmem:$0x8C00] =	vst v0  }
0x127: {  	v0 =	vld [tilespmem:s3+$0x410];
	_ =	sdelay $0x4  }
0x128: {  	[tilespmem:$0x8C10] =	vst v0  }
0x129: {  	v0 =	vld [tilespmem:s3+$0x420];
	_ =	sdelay $0x4  }
0x12a: {  	[tilespmem:$0x8C20] =	vst v0  }
0x12b: {  	v0 =	vld [tilespmem:s3+$0x430];
	_ =	sdelay $0x4  }
0x12c: {  	s3 =	sor.u32 $0x440, s3;
	[tilespmem:$0x8C30] =	vst v0  }
0x12d: {  	v0 =	vld.msk [tilespmem:s3+$0x0], $0xff;
	_ =	sdelay $0x4  }
0x12e: {  	[tilespmem:s16+$0x0] =	vst.msk $0xff, v0  }
0x12f: {  	[tilespmem:s18], [sflag:$0x2] =	stream.indirect.gather [hbm4b:s1+s10], $0x80, s17, s10, $0xb8;
	[tilespmem:$0x1E400] =	vst v63  }
0x130: {  	_ = 	snop  }
0x131: {  	[tilespmem:s20], [sflag:$0x2] =	stream.indirect.gather [hbm4b:s1+s13], $0x80, s19, s13, $0xb8;
	[tilespmem:$0x1E400] =	vst v63  }
0x132: {  	_ =	swait.ge [sflag:s29], $0x4000  }
0x133: {  	[sflag:s29] =	ssyncset.done $0x0  }
0x134: {  	[sflag:s29] =	ssyncadd.s32 $0xFFFFC000  }
0x135: {  	_ =	swait.ge [sflag:s29], $0x2400  }
0x136: {  	p0 =	sne.s32 s30, $0x40;
	[sflag:s29] =	ssyncset.done $0x0  }
0x137: {  	s5 =	simm.s32 @!p0 $0x1C400;
	s3 =	simm.s32 @!p0 $0x0;
	[sflag:s29] =	ssyncadd.s32 $0xFFFFDC00  }
0x138: {  	[hbm4b:s4+s3] =	stream.linear.scatter @!p0 [tilespmem:s5], [sflag:$0x4], $0x2000, $0x38;
	[tilespmem:$0x1E400] =	vst v63  }
0x139: {  	s3 =	simm.s32 @!p0 $0x4  }
0x13a: {  	_ =	swait.ge @!p0 [sflag:s3], $0x2000  }
0x13b: {  	[sflag:s3] =	ssyncset.done @!p0 $0x0  }
0x13c: {  	[sflag:s3] =	ssyncadd.s32 @!p0 $0xFFFFE000;
	s3 =	simm.s32 $0x0  }
0x13d: {  	v3 =	vld [tilespmem:s3+$0x16180]  }
0x13e: {  	v4 =	vld [tilespmem:s3+$0x16190]  }
0x13f: {  	v5 =	vld [tilespmem:s3+$0x161A0]  }
0x140: {  	v1 =	vld [tilespmem:s3+$0x161B0]  }
0x141: {  	v0 =	vld [tilespmem:s3+$0x161C0]  }
0x142: {  	v14 =	vld [tilespmem:s3+$0x16100]  }
0x143: {  	v11 =	vld [tilespmem:s3+$0x16110]  }
0x144: {  	v12 =	vld [tilespmem:s3+$0x16120]  }
0x145: {  	v2 =	vld [tilespmem:s3+$0x16130]  }
0x146: {  	v8 =	vld [tilespmem:s3+$0x16080]  }
0x147: {  	v9 =	vld [tilespmem:s3+$0x16000]  }
0x148: {  	v10 =	vld [tilespmem:s3+$0x16010]  }
0x149: {  	v16 =	vld [tilespmem:s3+$0x16020]  }
0x14a: {  	v18 =	vld [tilespmem:s3+$0x16090]  }
0x14b: {  	v19 =	vld [tilespmem:s3+$0x160A0]  }
0x14c: {  	v7 =	vimm.f32 $0.0e+00;
	v6 =	vld [tilespmem:s3+$0x16140]  }
0x14d: {  	v13 =	vld [tilespmem:s3+$0x160B0];
	v9 =	vadd.f32 v9, v7  }
0x14e: {  	v15 =	vld [tilespmem:s3+$0x160C0];
	v10 =	vadd.f32 v10, v7;
	v22 =	vadd.f32 v16, v7  }
0x14f: {  	v17 =	vld [tilespmem:s3+$0x16040];
	v20 =	vadd.f32 v8, v9  }
0x150: {  	v16 =	vld [tilespmem:s3+$0x16030];
	v21 =	vadd.f32 v18, v10;
	v19 =	vadd.f32 v19, v22  }
0x151: {  	s5 =	simm.s32 $0x800;
	v18 =	vld [tilespmem:s3+$0x16050];
	v10 =	vimm.f32 $0.0e+00;
	v9 =	vimm.f32 $0.0e+00;
	v8 =	vimm.f32 $0.0e+00  }
.LBB2_7:
0x152: {  	p0 =	sne.s32 s5, $0x18800;
	v22 =	vld [tilespmem:s3+$0x16054];
	v14 =	vadd.f32 v14, v20  }
0x153: {  	v20 =	vld [tilespmem:s3+$0x160D0];
	v11 =	vadd.f32 v11, v21;
	v12 =	vadd.f32 v12, v19  }
0x154: {  	v19 =	vld [tilespmem:s3+$0x160D4];
	v21 =	vadd.f32 v3, v14  }
0x155: {  	v14 =	vld [tilespmem:s3+$0x16150];
	v23 =	vadd.f32 v4, v11;
	v24 =	vadd.f32 v5, v12  }
0x156: {  	v3 =	vadd.f32 v16, v7;
	v4 =	vadd.f32 v17, v10;
	v7 =	vld [tilespmem:s3+$0x16154]  }
0x157: {  	v5 =	vadd.f32 v18, v9;
	v8 =	vadd.f32 v22, v8;
	v9 =	vld [tilespmem:s3+$0x161D0]  }
0x158: {  	v10 =	vadd.f32 v13, v3;
	v11 =	vadd.f32 v15, v4;
	v12 =	vld [tilespmem:s3+$0x161D4];
	s3 =	sshra.s32 s5, $0x2  }
0x159: {  	v13 =	vadd.f32 v20, v5;
	v3 =	vld [tilespmem:s3+$0x16180];
	v8 =	vadd.f32 v19, v8  }
0x15a: {  	v2 =	vadd.f32 v2, v10;
	v6 =	vadd.f32 v6, v11;
	v4 =	vld [tilespmem:s3+$0x16190]  }
0x15b: {  	v11 =	vadd.f32 v14, v13;
	v5 =	vld [tilespmem:s3+$0x161A0];
	v8 =	vadd.f32 v7, v8  }
0x15c: {  	v7 =	vadd.f32 v1, v2;
	v10 =	vadd.f32 v0, v6;
	v1 =	vld [tilespmem:s3+$0x161B0]  }
0x15d: {  	v9 =	vadd.f32 v9, v11;
	v0 =	vld [tilespmem:s3+$0x161C0];
	v8 =	vadd.f32 v12, v8  }
0x15e: {  	v14 =	vld [tilespmem:s3+$0x16100]  }
0x15f: {  	v11 =	vld [tilespmem:s3+$0x16110]  }
0x160: {  	v12 =	vld [tilespmem:s3+$0x16120]  }
0x161: {  	v2 =	vld [tilespmem:s3+$0x16130]  }
0x162: {  	v6 =	vld [tilespmem:s3+$0x16140]  }
0x163: {  	v18 =	vld [tilespmem:s3+$0x16080]  }
0x164: {  	v15 =	vld [tilespmem:s3+$0x16000]  }
0x165: {  	v16 =	vld [tilespmem:s3+$0x16010]  }
0x166: {  	v17 =	vld [tilespmem:s3+$0x16020]  }
0x167: {  	v19 =	vld [tilespmem:s3+$0x16090]  }
0x168: {  	v22 =	vld [tilespmem:s3+$0x160A0]  }
.Ltmp2:
0x169: {  	v13 =	vld [tilespmem:s3+$0x160B0];
	(pc) =	sbr.rel @p0 .LBB2_7-.Ltmp2, $4  }
0x16a: {  	v20 =	vadd.f32 v15, v21;
	v15 =	vld [tilespmem:s3+$0x160C0]  }
0x16b: {  	v21 =	vadd.f32 v16, v23;
	v23 =	vadd.f32 v17, v24;
	v16 =	vld [tilespmem:s3+$0x16030]  }
0x16c: {  	v20 =	vadd.f32 v18, v20;
	v17 =	vld [tilespmem:s3+$0x16040]  }
0x16d: {  	s5 =	sadd.s32 $0x800, s5;
	v21 =	vadd.f32 v19, v21;
	v18 =	vld [tilespmem:s3+$0x16050];
	v19 =	vadd.f32 v22, v23  }
0x16e: {  	v14 =	vadd.f32 v14, v20  }
0x16f: {  	v48 =	vld [tilespmem:s3+$0x16054];
	v11 =	vadd.f32 v11, v21  }
0x170: {  	v49 =	vld [tilespmem:s3+$0x160D0];
	v12 =	vadd.f32 v12, v19;
	v3 =	vadd.f32 v3, v14  }
0x171: {  	v50 =	vld [tilespmem:s3+$0x160D4];
	v7 =	vadd.f32 v16, v7;
	v4 =	vadd.f32 v4, v11  }
0x172: {  	v51 =	vld [tilespmem:s3+$0x16150];
	v5 =	vadd.f32 v5, v12;
	v10 =	vadd.f32 v17, v10  }
0x173: {  	v52 =	vld [tilespmem:s3+$0x16154];
	v9 =	vadd.f32 v18, v9;
	v7 =	vadd.f32 v13, v7  }
0x174: {  	v53 =	vld [tilespmem:s3+$0x161D0];
	v8 =	vadd.f32 v48, v8;
	v10 =	vadd.f32 v15, v10  }
0x175: {  	v54 =	vld [tilespmem:s3+$0x161D4];
	v9 =	vadd.f32 v49, v9;
	v2 =	vadd.f32 v2, v7  }
0x176: {  	v3 =	vmul.f32 $4.999999890e-03, v3;
	v55 =	vadd.f32 v50, v8;
	v6 =	vadd.f32 v6, v10  }
0x177: {  	s2 =	sand.u32 $0x1F80, s2;
	v57 =	vmul.f32 $4.999999890e-03, v4;
	v56 =	vadd.f32 v51, v9;
	v1 =	vadd.f32 v1, v2  }
0x178: {  	s0 =	sadd.s32 $0x1, s0;
	v59 =	vmul.f32 $4.999999890e-03, v5;
	[tilespmem:s2+$0x1C400] =	vst v3;
	v58 =	vadd.f32 v52, v55;
	v0 =	vadd.f32 v0, v6  }
0x179: {  	p0 =	sne.s32 s0, $0x2A;
	[tilespmem:s2+$0x1C410] =	vst v57;
	v60 =	vadd.f32 v53, v56;
	v1 =	vmul.f32 $4.999999890e-03, v1  }
.Ltmp3:
0x17a: {  	[tilespmem:s2+$0x1C420] =	vst v59;
	v61 =	vadd.f32 v54, v58;
	v0 =	vmul.f32 $4.999999890e-03, v0;
	(pc) =	sbr.rel @p0 .LBB2_2-.Ltmp3, $4  }
0x17b: {  	[tilespmem:s2+$0x1C430] =	vst v1;
	v62 =	vmul.f32 $4.999999890e-03, v60  }
0x17c: {  	[tilespmem:s2+$0x1C440] =	vst v0;
	v63 =	vmul.f32 $4.999999890e-03, v61  }
0x17d: {  	[tilespmem:s2+$0x1C450] =	vst v62  }
0x17e: {  	[tilespmem:s2+$0x1C454] =	vst v63  }
0x17f: {  	_ =	swait.ge [sflag:s26], $0x4000  }
0x180: {  	[sflag:s26] =	ssyncset.done $0x0  }
0x181: {  	[sflag:s26] =	ssyncadd.s32 $0xFFFFC000  }
0x182: {  	_ =	swait.ge [sflag:s26], $0x2400  }
0x183: {  	[sflag:s26] =	ssyncset.done $0x0  }
0x184: {  	s0 =	simm.s32 $0x0;
	[sflag:s26] =	ssyncadd.s32 $0xFFFFDC00  }
0x185: {  	v3 =	vld [tilespmem:s0+$0x9980]  }
0x186: {  	v4 =	vld [tilespmem:s0+$0x9990]  }
0x187: {  	v5 =	vld [tilespmem:s0+$0x99A0]  }
0x188: {  	v1 =	vld [tilespmem:s0+$0x99B0]  }
0x189: {  	v0 =	vld [tilespmem:s0+$0x99C0]  }
0x18a: {  	v14 =	vld [tilespmem:s0+$0x9900]  }
0x18b: {  	v11 =	vld [tilespmem:s0+$0x9910]  }
0x18c: {  	v12 =	vld [tilespmem:s0+$0x9920]  }
0x18d: {  	v2 =	vld [tilespmem:s0+$0x9930]  }
0x18e: {  	v8 =	vld [tilespmem:s0+$0x9880]  }
0x18f: {  	v9 =	vld [tilespmem:s0+$0x9800]  }
0x190: {  	v10 =	vld [tilespmem:s0+$0x9810]  }
0x191: {  	v16 =	vld [tilespmem:s0+$0x9820]  }
0x192: {  	v18 =	vld [tilespmem:s0+$0x9890]  }
0x193: {  	v19 =	vld [tilespmem:s0+$0x98A0]  }
0x194: {  	v7 =	vimm.f32 $0.0e+00;
	v6 =	vld [tilespmem:s0+$0x9940]  }
0x195: {  	v13 =	vld [tilespmem:s0+$0x98B0];
	v9 =	vadd.f32 v9, v7  }
0x196: {  	v15 =	vld [tilespmem:s0+$0x98C0];
	v10 =	vadd.f32 v10, v7;
	v22 =	vadd.f32 v16, v7  }
0x197: {  	v17 =	vld [tilespmem:s0+$0x9840];
	v20 =	vadd.f32 v8, v9  }
0x198: {  	v16 =	vld [tilespmem:s0+$0x9830];
	v21 =	vadd.f32 v18, v10;
	v19 =	vadd.f32 v19, v22  }
0x199: {  	s2 =	simm.s32 $0x800;
	v18 =	vld [tilespmem:s0+$0x9850];
	v10 =	vimm.f32 $0.0e+00;
	v9 =	vimm.f32 $0.0e+00;
	v8 =	vimm.f32 $0.0e+00  }
.LBB2_10:
0x19a: {  	p0 =	sne.s32 s2, $0x18800;
	v22 =	vld [tilespmem:s0+$0x9854];
	v14 =	vadd.f32 v14, v20  }
0x19b: {  	v20 =	vld [tilespmem:s0+$0x98D0];
	v11 =	vadd.f32 v11, v21;
	v12 =	vadd.f32 v12, v19  }
0x19c: {  	v19 =	vld [tilespmem:s0+$0x98D4];
	v21 =	vadd.f32 v3, v14  }
0x19d: {  	v14 =	vld [tilespmem:s0+$0x9950];
	v23 =	vadd.f32 v4, v11;
	v24 =	vadd.f32 v5, v12  }
0x19e: {  	v3 =	vadd.f32 v16, v7;
	v4 =	vadd.f32 v17, v10;
	v7 =	vld [tilespmem:s0+$0x9954]  }
0x19f: {  	v5 =	vadd.f32 v18, v9;
	v8 =	vadd.f32 v22, v8;
	v9 =	vld [tilespmem:s0+$0x99D0]  }
0x1a0: {  	v10 =	vadd.f32 v13, v3;
	v11 =	vadd.f32 v15, v4;
	v12 =	vld [tilespmem:s0+$0x99D4];
	s0 =	sshra.s32 s2, $0x2  }
0x1a1: {  	v13 =	vadd.f32 v20, v5;
	v3 =	vld [tilespmem:s0+$0x9980];
	v8 =	vadd.f32 v19, v8  }
0x1a2: {  	v2 =	vadd.f32 v2, v10;
	v6 =	vadd.f32 v6, v11;
	v4 =	vld [tilespmem:s0+$0x9990]  }
0x1a3: {  	v11 =	vadd.f32 v14, v13;
	v5 =	vld [tilespmem:s0+$0x99A0];
	v8 =	vadd.f32 v7, v8  }
0x1a4: {  	v7 =	vadd.f32 v1, v2;
	v10 =	vadd.f32 v0, v6;
	v1 =	vld [tilespmem:s0+$0x99B0]  }
0x1a5: {  	v9 =	vadd.f32 v9, v11;
	v0 =	vld [tilespmem:s0+$0x99C0];
	v8 =	vadd.f32 v12, v8  }
0x1a6: {  	v14 =	vld [tilespmem:s0+$0x9900]  }
0x1a7: {  	v11 =	vld [tilespmem:s0+$0x9910]  }
0x1a8: {  	v12 =	vld [tilespmem:s0+$0x9920]  }
0x1a9: {  	v2 =	vld [tilespmem:s0+$0x9930]  }
0x1aa: {  	v6 =	vld [tilespmem:s0+$0x9940]  }
0x1ab: {  	v18 =	vld [tilespmem:s0+$0x9880]  }
0x1ac: {  	v15 =	vld [tilespmem:s0+$0x9800]  }
0x1ad: {  	v16 =	vld [tilespmem:s0+$0x9810]  }
0x1ae: {  	v17 =	vld [tilespmem:s0+$0x9820]  }
0x1af: {  	v19 =	vld [tilespmem:s0+$0x9890]  }
0x1b0: {  	v22 =	vld [tilespmem:s0+$0x98A0]  }
.Ltmp4:
0x1b1: {  	v13 =	vld [tilespmem:s0+$0x98B0];
	(pc) =	sbr.rel @p0 .LBB2_10-.Ltmp4, $4  }
0x1b2: {  	v20 =	vadd.f32 v15, v21;
	v15 =	vld [tilespmem:s0+$0x98C0]  }
0x1b3: {  	v21 =	vadd.f32 v16, v23;
	v23 =	vadd.f32 v17, v24;
	v16 =	vld [tilespmem:s0+$0x9830]  }
0x1b4: {  	v20 =	vadd.f32 v18, v20;
	v17 =	vld [tilespmem:s0+$0x9840]  }
0x1b5: {  	s2 =	sadd.s32 $0x800, s2;
	v21 =	vadd.f32 v19, v21;
	v18 =	vld [tilespmem:s0+$0x9850];
	v19 =	vadd.f32 v22, v23  }
0x1b6: {  	v14 =	vadd.f32 v14, v20  }
0x1b7: {  	v20 =	vld [tilespmem:s0+$0x9854];
	v11 =	vadd.f32 v11, v21  }
0x1b8: {  	v21 =	vld [tilespmem:s0+$0x98D0];
	v12 =	vadd.f32 v12, v19;
	v3 =	vadd.f32 v3, v14  }
0x1b9: {  	v14 =	vld [tilespmem:s0+$0x98D4];
	v7 =	vadd.f32 v16, v7;
	v4 =	vadd.f32 v4, v11  }
0x1ba: {  	v11 =	vld [tilespmem:s0+$0x9950];
	v5 =	vadd.f32 v5, v12;
	v10 =	vadd.f32 v17, v10  }
0x1bb: {  	v12 =	vld [tilespmem:s0+$0x9954];
	v9 =	vadd.f32 v18, v9;
	v7 =	vadd.f32 v13, v7  }
0x1bc: {  	v13 =	vld [tilespmem:s0+$0x99D0];
	v8 =	vadd.f32 v20, v8;
	v10 =	vadd.f32 v15, v10  }
0x1bd: {  	v3 =	vmul.f32 $4.999999890e-03, v3;
	v15 =	vld [tilespmem:s0+$0x99D4];
	v9 =	vadd.f32 v21, v9;
	v2 =	vadd.f32 v2, v7  }
0x1be: {  	v7 =	vadd.f32 v14, v8;
	v6 =	vadd.f32 v6, v10  }
0x1bf: {  	[tilespmem:$0x1E300] =	vst v3;
	v3 =	vmul.f32 $4.999999890e-03, v5;
	v8 =	vadd.f32 v11, v9;
	v1 =	vadd.f32 v1, v2  }
0x1c0: {  	v2 =	vmul.f32 $4.999999890e-03, v4;
	v4 =	vadd.f32 v12, v7;
	v0 =	vadd.f32 v0, v6  }
0x1c1: {  	[tilespmem:$0x1E320] =	vst v3;
	v5 =	vadd.f32 v13, v8;
	v1 =	vmul.f32 $4.999999890e-03, v1  }
0x1c2: {  	[tilespmem:$0x1E310] =	vst v2;
	v2 =	vadd.f32 v15, v4;
	v0 =	vmul.f32 $4.999999890e-03, v0  }
0x1c3: {  	[tilespmem:$0x1E330] =	vst v1;
	v1 =	vmul.f32 $4.999999890e-03, v5  }
0x1c4: {  	[tilespmem:$0x1E340] =	vst v0;
	v0 =	vmul.f32 $4.999999890e-03, v2  }
0x1c5: {  	[tilespmem:$0x1E350] =	vst v1  }
0x1c6: {  	[tilespmem:$0x1E354] =	vst v0  }
0x1c7: {  	_ =	swait.ge [sflag:s28], $0x4000  }
0x1c8: {  	[sflag:s28] =	ssyncset.done $0x0  }
0x1c9: {  	[sflag:s28] =	ssyncadd.s32 $0xFFFFC000  }
0x1ca: {  	_ =	swait.ge [sflag:s28], $0x2400  }
0x1cb: {  	[sflag:s28] =	ssyncset.done $0x0  }
0x1cc: {  	s0 =	simm.s32 $0x0;
	[sflag:s28] =	ssyncadd.s32 $0xFFFFDC00  }
0x1cd: {  	v3 =	vld [tilespmem:s0+$0xFD80]  }
0x1ce: {  	v4 =	vld [tilespmem:s0+$0xFD90]  }
0x1cf: {  	v5 =	vld [tilespmem:s0+$0xFDA0]  }
0x1d0: {  	v1 =	vld [tilespmem:s0+$0xFDB0]  }
0x1d1: {  	v0 =	vld [tilespmem:s0+$0xFDC0]  }
0x1d2: {  	v14 =	vld [tilespmem:s0+$0xFD00]  }
0x1d3: {  	v11 =	vld [tilespmem:s0+$0xFD10]  }
0x1d4: {  	v12 =	vld [tilespmem:s0+$0xFD20]  }
0x1d5: {  	v2 =	vld [tilespmem:s0+$0xFD30]  }
0x1d6: {  	v8 =	vld [tilespmem:s0+$0xFC80]  }
0x1d7: {  	v9 =	vld [tilespmem:s0+$0xFC00]  }
0x1d8: {  	v10 =	vld [tilespmem:s0+$0xFC10]  }
0x1d9: {  	v16 =	vld [tilespmem:s0+$0xFC20]  }
0x1da: {  	v18 =	vld [tilespmem:s0+$0xFC90]  }
0x1db: {  	v19 =	vld [tilespmem:s0+$0xFCA0]  }
0x1dc: {  	v7 =	vimm.f32 $0.0e+00;
	v6 =	vld [tilespmem:s0+$0xFD40]  }
0x1dd: {  	v13 =	vld [tilespmem:s0+$0xFCB0];
	v9 =	vadd.f32 v9, v7  }
0x1de: {  	v15 =	vld [tilespmem:s0+$0xFCC0];
	v10 =	vadd.f32 v10, v7;
	v22 =	vadd.f32 v16, v7  }
0x1df: {  	v17 =	vld [tilespmem:s0+$0xFC40];
	v20 =	vadd.f32 v8, v9  }
0x1e0: {  	v16 =	vld [tilespmem:s0+$0xFC30];
	v21 =	vadd.f32 v18, v10;
	v19 =	vadd.f32 v19, v22  }
0x1e1: {  	s2 =	simm.s32 $0x800;
	s6 =	simm.s32 $0x0;
	v18 =	vld [tilespmem:s0+$0xFC50];
	v10 =	vimm.f32 $0.0e+00;
	v9 =	vimm.f32 $0.0e+00;
	v8 =	vimm.f32 $0.0e+00  }
.LBB2_12:
0x1e2: {  	p0 =	sne.s32 s2, $0x18800;
	v22 =	vld [tilespmem:s0+$0xFC54];
	v14 =	vadd.f32 v14, v20  }
0x1e3: {  	v20 =	vld [tilespmem:s0+$0xFCD0];
	v11 =	vadd.f32 v11, v21;
	v12 =	vadd.f32 v12, v19  }
0x1e4: {  	v19 =	vld [tilespmem:s0+$0xFCD4];
	v21 =	vadd.f32 v3, v14  }
0x1e5: {  	v14 =	vld [tilespmem:s0+$0xFD50];
	v23 =	vadd.f32 v4, v11;
	v24 =	vadd.f32 v5, v12  }
0x1e6: {  	v3 =	vadd.f32 v16, v7;
	v4 =	vadd.f32 v17, v10;
	v7 =	vld [tilespmem:s0+$0xFD54]  }
0x1e7: {  	v5 =	vadd.f32 v18, v9;
	v8 =	vadd.f32 v22, v8;
	v9 =	vld [tilespmem:s0+$0xFDD0]  }
0x1e8: {  	v10 =	vadd.f32 v13, v3;
	v11 =	vadd.f32 v15, v4;
	v12 =	vld [tilespmem:s0+$0xFDD4];
	s0 =	sshra.s32 s2, $0x2  }
0x1e9: {  	v13 =	vadd.f32 v20, v5;
	v3 =	vld [tilespmem:s0+$0xFD80];
	v8 =	vadd.f32 v19, v8  }
0x1ea: {  	v2 =	vadd.f32 v2, v10;
	v6 =	vadd.f32 v6, v11;
	v4 =	vld [tilespmem:s0+$0xFD90]  }
0x1eb: {  	v11 =	vadd.f32 v14, v13;
	v5 =	vld [tilespmem:s0+$0xFDA0];
	v8 =	vadd.f32 v7, v8  }
0x1ec: {  	v7 =	vadd.f32 v1, v2;
	v10 =	vadd.f32 v0, v6;
	v1 =	vld [tilespmem:s0+$0xFDB0]  }
0x1ed: {  	v9 =	vadd.f32 v9, v11;
	v0 =	vld [tilespmem:s0+$0xFDC0];
	v8 =	vadd.f32 v12, v8  }
0x1ee: {  	v14 =	vld [tilespmem:s0+$0xFD00]  }
0x1ef: {  	v11 =	vld [tilespmem:s0+$0xFD10]  }
0x1f0: {  	v12 =	vld [tilespmem:s0+$0xFD20]  }
0x1f1: {  	v2 =	vld [tilespmem:s0+$0xFD30]  }
0x1f2: {  	v6 =	vld [tilespmem:s0+$0xFD40]  }
0x1f3: {  	v18 =	vld [tilespmem:s0+$0xFC80]  }
0x1f4: {  	v15 =	vld [tilespmem:s0+$0xFC00]  }
0x1f5: {  	v16 =	vld [tilespmem:s0+$0xFC10]  }
0x1f6: {  	v17 =	vld [tilespmem:s0+$0xFC20]  }
0x1f7: {  	v19 =	vld [tilespmem:s0+$0xFC90]  }
0x1f8: {  	v22 =	vld [tilespmem:s0+$0xFCA0]  }
.Ltmp5:
0x1f9: {  	v13 =	vld [tilespmem:s0+$0xFCB0];
	(pc) =	sbr.rel @p0 .LBB2_12-.Ltmp5, $4  }
0x1fa: {  	v20 =	vadd.f32 v15, v21;
	v15 =	vld [tilespmem:s0+$0xFCC0]  }
0x1fb: {  	v21 =	vadd.f32 v16, v23;
	v23 =	vadd.f32 v17, v24;
	v16 =	vld [tilespmem:s0+$0xFC30]  }
0x1fc: {  	v20 =	vadd.f32 v18, v20;
	v17 =	vld [tilespmem:s0+$0xFC40]  }
0x1fd: {  	s2 =	sadd.s32 $0x800, s2;
	v21 =	vadd.f32 v19, v21;
	v18 =	vld [tilespmem:s0+$0xFC50];
	v19 =	vadd.f32 v22, v23  }
0x1fe: {  	v14 =	vadd.f32 v14, v20  }
0x1ff: {  	v48 =	vld [tilespmem:s0+$0xFC54];
	v11 =	vadd.f32 v11, v21  }
0x200: {  	v49 =	vld [tilespmem:s0+$0xFCD0];
	v12 =	vadd.f32 v12, v19;
	v3 =	vadd.f32 v3, v14  }
0x201: {  	v50 =	vld [tilespmem:s0+$0xFCD4];
	v7 =	vadd.f32 v16, v7;
	v4 =	vadd.f32 v4, v11  }
0x202: {  	v51 =	vld [tilespmem:s0+$0xFD50];
	v5 =	vadd.f32 v5, v12;
	v10 =	vadd.f32 v17, v10  }
0x203: {  	v52 =	vld [tilespmem:s0+$0xFD54];
	v9 =	vadd.f32 v18, v9;
	v7 =	vadd.f32 v13, v7  }
0x204: {  	v53 =	vld [tilespmem:s0+$0xFDD0];
	v8 =	vadd.f32 v48, v8;
	v10 =	vadd.f32 v15, v10  }
0x205: {  	v54 =	vld [tilespmem:s0+$0xFDD4];
	v9 =	vadd.f32 v49, v9;
	v2 =	vadd.f32 v2, v7  }
0x206: {  	v3 =	vmul.f32 $4.999999890e-03, v3;
	v55 =	vadd.f32 v50, v8;
	v6 =	vadd.f32 v6, v10  }
0x207: {  	v57 =	vmul.f32 $4.999999890e-03, v4;
	v56 =	vadd.f32 v51, v9;
	v1 =	vadd.f32 v1, v2  }
0x208: {  	v59 =	vmul.f32 $4.999999890e-03, v5;
	[tilespmem:$0x1E380] =	vst v3;
	v58 =	vadd.f32 v52, v55;
	v0 =	vadd.f32 v0, v6  }
0x209: {  	[tilespmem:$0x1E390] =	vst v57;
	v60 =	vadd.f32 v53, v56;
	v1 =	vmul.f32 $4.999999890e-03, v1  }
0x20a: {  	[tilespmem:$0x1E3A0] =	vst v59;
	v61 =	vadd.f32 v54, v58;
	v0 =	vmul.f32 $4.999999890e-03, v0  }
0x20b: {  	[tilespmem:$0x1E3B0] =	vst v1;
	v62 =	vmul.f32 $4.999999890e-03, v60  }
0x20c: {  	[tilespmem:$0x1E3C0] =	vst v0;
	v63 =	vmul.f32 $4.999999890e-03, v61  }
0x20d: {  	[tilespmem:$0x1E3D0] =	vst v62  }
0x20e: {  	s7 =	rddreg [dreg:$0x5];
	s2 =	simm.s32 $0x1C400;
	[tilespmem:$0x1E3D4] =	vst v63  }
0x20f: {  	[hbm4b:s7+s6] =	stream.linear.scatter [tilespmem:s2], [sflag:$0x4], $0x2000, $0x38;
	[tilespmem:$0x1E400] =	vst v63  }
0x210: {  	_ =	swait.ge [sflag:s8], $0x2000  }
0x211: {  	s31 =	sadd.s32 $0x1, s31;
	s30 =	rddreg [dreg:$0x6]  }
0x212: {  	p0 =	sne.s32 s31, s30  }
.Ltmp6:
0x213: {  	_ = 	snop;
	(pc) =	sbr.rel @p0 .LBB2_1-.Ltmp6, $3  }
0x214: {  	_ =	sdelay $0x1  }
0x215: {  	[sflag:s8] =	ssyncset.done $0x0  }
0x216: {  	[sflag:s8] =	ssyncadd.s32 $0xFFFFE000  }
0x217: {  	_ =	sfence.sel $0x180000  }
0x218: {  	[bflag:$0x0] =	sbarrier.arrive $0xFFFF  }
0x219: {  	_ =	strace $0x90000047  }
0x21a: {  	s0 =	stileid.u32;
	[bflag:$0x2] =	sbarrier.arrive $0xFFFF  }
0x21b: {  	p0 =	sne.s32 s0, $0x0;
	s0 =	rddreg [dreg:$0x3]  }
0x21c: {  	s0 =	sadd.s32 @!p0 $0x100000, s0  }
0x21d: {  	[sflag:s0] =	ssyncadd.tile.s32 @!p0 $0x1;
	_ =	shalt  }
.Lfunc_end2:
_tile_overlayer_lowered:
.L_overlay_start_2:
0x21e: {  	(tag) =	ssettag $0x2  }
0x21f: {  	s0 =	rddreg [dreg:$0x0];
	s2 =	stileid.u32  }
0x220: {  	s1 =	rddreg [dreg:$0x1];
	p0 =	sne.s32 s2, $0x0  }
0x221: {  	s3 =	rddreg [dreg:$0x2];
	[bflag:$0x3] =	sbarrier.arrive $0xFFFF;
	s2 =	simm.s32 @!p0 $0x1C04  }
0x222: {  	[timem:s3], [sflag:s2] =	dma.local @!p0 [hbm:s0], s1  }
0x223: {  	s0 =	simm.s32 @!p0 $0x4  }
0x224: {  	_ =	swait.ge @!p0 [sflag:s0], s1  }
0x225: {  	s1 =	ssub.s32 @!p0 $0x0, s1;
	[sflag:s0] =	ssyncset.done @!p0 $0x0  }
0x226: {  	[sflag:s0] =	ssyncadd.s32 @!p0 s1  }
0x227: {  	[bflag:$0x3] =	sbarrier.arrive $0xFFFF  }
0x228: {  	_ =	shalt  }

</sc_bundles>
